<compile_context>
chip_gen: v7x
topology: tpu7x:2x2x1
jax: 0.10.2.dev20260603
libtpu: 0.0.44.dev20260713+nightly
codegen_flags: <defaults>
</compile_context>

<pallas_src>
import functools

import jax
import jax.numpy as jnp
from jax import lax
from jax.experimental import pallas as pl
from jax.experimental.pallas import tpu as pltpu
from jax.experimental.pallas import tpu_sc as plsc

_B0, _B1, _D = 16384, 50, 32
_JPW = 4
_GB1 = 10
_NG = _JPW * (_B1 // _GB1)
_GROWS = _GB1 * 128


def _make_gather(B, V):
    info = plsc.get_sparse_core_info()
    NC = info.num_cores
    NW = NC * info.num_subcores
    b_per_w = B // NW

    mesh = plsc.VectorSubcoreMesh(core_axis_name="c", subcore_axis_name="s")

    @functools.partial(
        pl.kernel,
        mesh=mesh,
        out_type=jax.ShapeDtypeStruct((_B1, _D // 8, _B0 // 128, 8, 128),
                                      jnp.float32),
        scratch_types=[
            pltpu.VMEM((b_per_w,), jnp.int32),
            pltpu.VMEM((2, _GROWS), jnp.int32),
            pltpu.VMEM((2 * _GROWS, _D), jnp.float32),
            pltpu.VMEM((2, _D // 8, 8, 128), jnp.float32),
            pltpu.SemaphoreType.DMA,
            pltpu.SemaphoreType.DMA,
            pltpu.SemaphoreType.DMA,
            pltpu.SemaphoreType.DMA,
        ],
        compiler_params=pltpu.CompilerParams(use_tc_tiling_on_sc=False,
                                             needs_layout_passes=False),
    )
    def gather_kernel(idx_hbm, table_hbm, out_hbm, idx_all, gi, rows, ob,
                      gsem0, gsem1, osem0, osem1):
        wid = lax.axis_index("s") * NC + lax.axis_index("c")
        base = wid * b_per_w
        pltpu.sync_copy(idx_hbm.at[pl.ds(base, b_per_w)], idx_all)

        iota = lax.iota(jnp.int32, 16)
        gsems = (gsem0, gsem1)
        osems = (osem0, osem1)

        def extract(slot, g):
            j_local = g // (_B1 // _GB1)
            b1_0 = (g % (_B1 // _GB1)) * _GB1
            sbase = j_local * (128 * _B1) + b1_0

            @plsc.parallel_loop(0, _GB1 * 8, 1, unroll=4)
            def _(i):
                t = i // 8
                lc = i % 8
                src = (sbase + t + lc * 16 * _B1) + iota * _B1
                v = plsc.load_gather(idx_all, [src])
                plsc.store_scatter(
                    gi, [jnp.full((16,), slot, jnp.int32),
                         t * 128 + lc * 16 + iota], v)

        def issue(slot):
            pltpu.async_copy(table_hbm.at[gi.at[slot]],
                             rows.at[pl.ds(slot * _GROWS, _GROWS)],
                             gsems[slot])

        def drain_gather(slot):
            pltpu.make_async_copy(table_hbm.at[pl.ds(0, _GROWS)],
                                  rows.at[pl.ds(0, _GROWS)],
                                  gsems[slot]).wait()

        def drain_store(slot):
            pltpu.make_async_copy(
                table_hbm.at[pl.ds(0, (_D // 8) * 8 * 128 // _D)],
                ob.at[slot], osems[slot]).wait()

        extract(0, 0)
        issue(0)

        def outer(p, carry):
            for q in (0, 1):
                g = p * 2 + q
                j_local = g // (_B1 // _GB1)
                b1_0 = (g % (_B1 // _GB1)) * _GB1
                jglob = wid * _JPW + j_local

                @pl.when(g < _NG - 1)
                def _():
                    extract(1 - q, g + 1)
                    issue(1 - q)

                drain_gather(q)
                rq = q * _GROWS

                def tloop(t5, tc):
                    for sub in (0, 1):
                        t = t5 * 2 + sub
                        b1 = b1_0 + t

                        @pl.when(g * _GB1 + t >= 2)
                        def _():
                            drain_store(sub)

                        rbase0 = rq + t * 128

                        @plsc.parallel_loop(0, _D, 1, unroll=8)
                        def _(c):
                            cv = jnp.full((16,), c, jnp.int32)
                            ch = c // 8
                            cl = c % 8
                            for lc in range(8):
                                rowv = (rbase0 + lc * 16) + iota
                                v = plsc.load_gather(rows, [rowv, cv])
                                ob[sub, ch, cl, pl.ds(lc * 16, 16)] = v
                        pltpu.async_copy(ob.at[sub],
                                         out_hbm.at[b1, :, jglob],
                                         osems[sub])
                    return tc

                lax.fori_loop(0, _GB1 // 2, tloop, 0)
            return carry

        lax.fori_loop(0, _NG // 2, outer, 0)
        drain_store(0)
        drain_store(1)

    return gather_kernel


def kernel(indices, weight):
    B0, B1 = indices.shape
    V, D = weight.shape
    B = B0 * B1
    flat_idx = indices.reshape(B).astype(jnp.int32)
    out5 = _make_gather(B, V)(flat_idx, weight)
    return out5.transpose(2, 4, 0, 1, 3).reshape(B0, B1, D)

# --- scband reference (transcript-rebuilt; emitter-appended) ---
"""Pipeline reference for scband-embedding-44590350467842 (READ-ONLY COPY).

The authoritative reference and input builder live on the scoring server;
editing this copy changes nothing except your own understanding.
"""

import jax, jax.numpy as jnp
import numpy as np

VOCAB = 1000000
EMBED_DIM = 32
INIT_SCALE = 0.02

def setup_inputs(seed: int = 0) -> dict:
    key = jax.random.key(seed)
    k_idx, k_w = jax.random.split(key)
    indices = jax.random.randint(k_idx, (16384, 50), 0, VOCAB, dtype=jnp.int64 if jax.config.read('jax_enable_x64') else jnp.int32)
    weight = jax.random.uniform(k_w, (VOCAB, EMBED_DIM), dtype=jnp.float32, minval=-INIT_SCALE, maxval=INIT_SCALE)
    return {"indices": indices, "weight": weight}

def reference(indices, weight):
    # nn.Embedding forward: gather rows of the table
    return jnp.take(weight, indices, axis=0)

if __name__ == "__main__":
    import jax
    _d = setup_inputs()
    print(jax.jit(kernel)(*tuple(_d.values())))

</pallas_src>

<mosaic_0001>
#map = affine_map<(d0, d1) -> (0)>
#map1 = affine_map<(d0, d1) -> (0, 0)>
#map2 = affine_map<(d0, d1) -> (0, 0, 0, 0, 0)>
module attributes {stable_mosaic.version = 14 : i64} {
  func.func @gather_kernel(%arg0: i32, %arg1: i32, %arg2: memref<819200xi32, #tpu.memory_space<hbm>>, %arg3: memref<1000000x32xf32, #tpu.memory_space<hbm>>, %arg4: memref<50x4x128x8x128xf32, #tpu.memory_space<hbm>>, %arg5: memref<25600xi32, #tpu.memory_space<vmem>>, %arg6: memref<2x1280xi32, #tpu.memory_space<vmem>>, %arg7: memref<2560x32xf32, #tpu.memory_space<vmem>>, %arg8: memref<2x4x8x128xf32, #tpu.memory_space<vmem>>, %arg9: memref<!tpu.dma_semaphore, #tpu.memory_space<semaphore_mem>>, %arg10: memref<!tpu.dma_semaphore, #tpu.memory_space<semaphore_mem>>, %arg11: memref<!tpu.dma_semaphore, #tpu.memory_space<semaphore_mem>>, %arg12: memref<!tpu.dma_semaphore, #tpu.memory_space<semaphore_mem>>) attributes {dimension_semantics = [#tpu.dimension_semantics<core_parallel>, #tpu.dimension_semantics<subcore_parallel>], iteration_bounds = array<i64: 2, 16>, scalar_prefetch = 0 : i64, scratch_operands = 8 : i64, tpu.core_type = #tpu.core_type<sc_vector_subcore>, window_params = [{transform_indices = #map}, {transform_indices = #map1}, {transform_indices = #map2}]} {
    %mul3A = arith.constant 2 : i32
    %mul3A_0 = arith.muli %arg1, %mul3A : i32
    %add3A = arith.addi %mul3A_0, %arg0 : i32
    %mul3A_1 = arith.constant 25600 : i32
    %mul3A_2 = arith.muli %add3A, %mul3A_1 : i32
    "tpu.region"() ({
      %run_scoped3A = tpu.sem_alloc : memref<!tpu.dma_semaphore, #tpu.memory_space<semaphore_mem>>
      %dma_start3A_52 = tpu.memref_slice %arg2[%mul3A_2] : memref<819200xi32, #tpu.memory_space<hbm>> -> memref<25600xi32, #tpu.memory_space<hbm>>
      %dma_start3A_53 = tpu.memref_slice %arg2[%mul3A_2] : memref<819200xi32, #tpu.memory_space<hbm>> -> memref<25600xi32, #tpu.memory_space<hbm>>
      tpu.enqueue_dma source(%dma_start3A_53 : memref<25600xi32, #tpu.memory_space<hbm>>) target(%arg5 : memref<25600xi32, #tpu.memory_space<vmem>>) target_semaphore(%run_scoped3A : memref<!tpu.dma_semaphore, #tpu.memory_space<semaphore_mem>>)
      %dma_wait3A_54 = tpu.memref_slice %arg2[%mul3A_2] : memref<819200xi32, #tpu.memory_space<hbm>> -> memref<25600xi32, #tpu.memory_space<hbm>>
      %dma_wait3A_55 = tpu.memref_slice %arg2[%mul3A_2] : memref<819200xi32, #tpu.memory_space<hbm>> -> memref<25600xi32, #tpu.memory_space<hbm>>
      tpu.wait_dma2 semaphore(%run_scoped3A : memref<!tpu.dma_semaphore, #tpu.memory_space<semaphore_mem>>) src(%dma_wait3A_55 : memref<25600xi32, #tpu.memory_space<hbm>>) dst(%arg5 : memref<25600xi32, #tpu.memory_space<vmem>>)
      tpu.yield
    }) : () -> ()
    %iota3A = tpu.iota {dimensions = array<i32: 0>} : vector<16xi32>
    %parallel_loop3A = arith.constant 0 : i32
    %parallel_loop3A_3 = arith.constant 80 : i32
    %parallel_loop3A_4 = arith.constant 1 : i32
    scf.for %parallel_loop3A_52 = %parallel_loop3A to %parallel_loop3A_3 step %parallel_loop3A_4  : i32 {
      %parallel_loop3A_53 = arith.constant 8 : i32
      %parallel_loop3A_54 = arith.divsi %parallel_loop3A_52, %parallel_loop3A_53 : i32
      %parallel_loop3A_55 = arith.constant 0 : i32
      %parallel_loop3A_56 = arith.cmpi sgt, %parallel_loop3A_52, %parallel_loop3A_55 : i32
      %parallel_loop3A_57 = arith.extui %parallel_loop3A_56 : i1 to i32
      %parallel_loop3A_58 = arith.constant 0 : i32
      %parallel_loop3A_59 = arith.cmpi slt, %parallel_loop3A_52, %parallel_loop3A_58 : i32
      %parallel_loop3A_60 = arith.extui %parallel_loop3A_59 : i1 to i32
      %parallel_loop3A_61 = arith.subi %parallel_loop3A_57, %parallel_loop3A_60 : i32
      %parallel_loop3A_62 = arith.constant 0 : i32
      %parallel_loop3A_63 = arith.cmpi sgt, %parallel_loop3A_53, %parallel_loop3A_62 : i32
      %parallel_loop3A_64 = arith.extui %parallel_loop3A_63 : i1 to i32
      %parallel_loop3A_65 = arith.constant 0 : i32
      %parallel_loop3A_66 = arith.cmpi slt, %parallel_loop3A_53, %parallel_loop3A_65 : i32
      %parallel_loop3A_67 = arith.extui %parallel_loop3A_66 : i1 to i32
      %parallel_loop3A_68 = arith.subi %parallel_loop3A_64, %parallel_loop3A_67 : i32
      %parallel_loop3A_69 = arith.cmpi ne, %parallel_loop3A_61, %parallel_loop3A_68 : i32
      %parallel_loop3A_70 = arith.remsi %parallel_loop3A_52, %parallel_loop3A_53 : i32
      %parallel_loop3A_71 = arith.constant 0 : i32
      %parallel_loop3A_72 = arith.cmpi ne, %parallel_loop3A_70, %parallel_loop3A_71 : i32
      %parallel_loop3A_73 = arith.andi %parallel_loop3A_69, %parallel_loop3A_72 : i1
      %parallel_loop3A_74 = arith.constant 1 : i32
      %parallel_loop3A_75 = arith.subi %parallel_loop3A_54, %parallel_loop3A_74 : i32
      %parallel_loop3A_76 = arith.select %parallel_loop3A_73, %parallel_loop3A_75, %parallel_loop3A_54 : i32
      %parallel_loop3A_77 = arith.constant 8 : i32
      %parallel_loop3A_78 = arith.constant 0 : i32
      %parallel_loop3A_79 = arith.cmpi eq, %parallel_loop3A_77, %parallel_loop3A_78 : i32
      %parallel_loop3A_80 = arith.constant 1 : i32
      %parallel_loop3A_81 = arith.select %parallel_loop3A_79, %parallel_loop3A_80, %parallel_loop3A_77 : i32
      %parallel_loop3A_82 = arith.remsi %parallel_loop3A_52, %parallel_loop3A_81 : i32
      %parallel_loop3A_83 = arith.constant 0 : i32
      %parallel_loop3A_84 = arith.cmpi ne, %parallel_loop3A_82, %parallel_loop3A_83 : i32
      %parallel_loop3A_85 = arith.constant 0 : i32
      %parallel_loop3A_86 = arith.cmpi slt, %parallel_loop3A_82, %parallel_loop3A_85 : i32
      %parallel_loop3A_87 = arith.constant 0 : i32
      %parallel_loop3A_88 = arith.cmpi slt, %parallel_loop3A_81, %parallel_loop3A_87 : i32
      %parallel_loop3A_89 = arith.xori %parallel_loop3A_86, %parallel_loop3A_88 : i1
      %parallel_loop3A_90 = arith.andi %parallel_loop3A_89, %parallel_loop3A_84 : i1
      %parallel_loop3A_91 = arith.addi %parallel_loop3A_82, %parallel_loop3A_81 : i32
      %parallel_loop3A_92 = arith.select %parallel_loop3A_90, %parallel_loop3A_91, %parallel_loop3A_82 : i32
      %parallel_loop3A_93 = arith.constant 0 : i32
      %parallel_loop3A_94 = arith.addi %parallel_loop3A_93, %parallel_loop3A_76 : i32
      %parallel_loop3A_95 = arith.constant 16 : i32
      %parallel_loop3A_96 = arith.muli %parallel_loop3A_92, %parallel_loop3A_95 : i32
      %parallel_loop3A_97 = arith.constant 50 : i32
      %parallel_loop3A_98 = arith.muli %parallel_loop3A_96, %parallel_loop3A_97 : i32
      %parallel_loop3A_99 = arith.addi %parallel_loop3A_94, %parallel_loop3A_98 : i32
      %parallel_loop3A_100 = arith.constant 50 : i32
      %parallel_loop3A_101 = vector.broadcast %parallel_loop3A_100 : i32 to vector<16xi32>
      %parallel_loop3A_102 = arith.muli %iota3A, %parallel_loop3A_101 : vector<16xi32>
      %parallel_loop3A_103 = vector.broadcast %parallel_loop3A_99 : i32 to vector<16xi32>
      %parallel_loop3A_104 = arith.addi %parallel_loop3A_103, %parallel_loop3A_102 : vector<16xi32>
      %parallel_loop3A_105 = tpu.vector_load_idx %arg5[%parallel_loop3A_104] : memref<25600xi32, #tpu.memory_space<vmem>>[vector<16xi32>], vector<16xi32>,
      %parallel_loop3A_106 = arith.constant 0 : i32
      %parallel_loop3A_107 = vector.broadcast %parallel_loop3A_106 : i32 to vector<16xi32>
      %parallel_loop3A_108 = arith.constant 128 : i32
      %parallel_loop3A_109 = arith.muli %parallel_loop3A_76, %parallel_loop3A_108 : i32
      %parallel_loop3A_110 = arith.constant 16 : i32
      %parallel_loop3A_111 = arith.muli %parallel_loop3A_92, %parallel_loop3A_110 : i32
      %parallel_loop3A_112 = arith.addi %parallel_loop3A_109, %parallel_loop3A_111 : i32
      %parallel_loop3A_113 = vector.broadcast %parallel_loop3A_112 : i32 to vector<16xi32>
      %parallel_loop3A_114 = arith.addi %parallel_loop3A_113, %iota3A : vector<16xi32>
      tpu.vector_store_idx %arg6[%parallel_loop3A_107, %parallel_loop3A_114], %parallel_loop3A_105 : memref<2x1280xi32, #tpu.memory_space<vmem>>[vector<16xi32>, vector<16xi32>], vector<16xi32>,
    } {sc.loop_unroll_factor = 4 : i64, sc.parallel_access}
    %dma_start3A = arith.constant 0 : i32
    %dma_start3A_5 = arith.constant 0 : i32
    %dma_start3A_6 = arith.constant 0 : i32
    %dma_start3A_7 = tpu.memref_slice %arg7[%dma_start3A_5, %dma_start3A_6] : memref<2560x32xf32, #tpu.memory_space<vmem>> -> memref<1280x32xf32, #tpu.memory_space<vmem>>
    %dma_start3A_8 = arith.constant 0 : i32
    %dma_start3A_9 = tpu.memref_slice %arg6[%dma_start3A, %dma_start3A_8] : memref<2x1280xi32, #tpu.memory_space<vmem>> -> memref<1x1280xi32, #tpu.memory_space<vmem>>
    %dma_start3A_10 = tpu.memref_squeeze %dma_start3A_9 : memref<1x1280xi32, #tpu.memory_space<vmem>> -> memref<1280xi32, #tpu.memory_space<vmem>>
    %dma_start3A_11 = arith.constant 0 : i32
    %dma_start3A_12 = arith.constant 0 : i32
    %dma_start3A_13 = tpu.memref_slice %arg3[%dma_start3A_11, %dma_start3A_12] : memref<1000000x32xf32, #tpu.memory_space<hbm>> -> memref<1000000x32xf32, #tpu.memory_space<hbm>>
    tpu.enqueue_indirect_dma source(%dma_start3A_13 : memref<1000000x32xf32, #tpu.memory_space<hbm>>) target(%dma_start3A_7 : memref<1280x32xf32, #tpu.memory_space<vmem>>) offsets(%dma_start3A_10 : memref<1280xi32, #tpu.memory_space<vmem>>) semaphore(%arg9 : memref<!tpu.dma_semaphore, #tpu.memory_space<semaphore_mem>>)
    %scan3A = arith.constant 0 : i32
    %scan3A_14 = arith.constant 0 : i32
    %scan3A_15 = arith.constant 10 : i32
    %scan3A_16 = arith.addi %scan3A_14, %scan3A_15 : i32
    %scan3A_17 = arith.constant 1 : i32
    scf.for %scan3A_52 = %scan3A_14 to %scan3A_16 step %scan3A_17  : i32 {
      %mul3A_53 = arith.constant 2 : i32
      %mul3A_54 = arith.muli %scan3A_52, %mul3A_53 : i32
      %add3A_55 = arith.constant 0 : i32
      %add3A_56 = arith.addi %mul3A_54, %add3A_55 : i32
      %jit3A = arith.constant 5 : i32
      %div3A = arith.divsi %add3A_56, %jit3A : i32
      %sign3A = arith.constant 0 : i32
      %sign3A_57 = arith.cmpi sgt, %add3A_56, %sign3A : i32
      %sign3A_58 = arith.extui %sign3A_57 : i1 to i32
      %sign3A_59 = arith.constant 0 : i32
      %sign3A_60 = arith.cmpi slt, %add3A_56, %sign3A_59 : i32
      %sign3A_61 = arith.extui %sign3A_60 : i1 to i32
      %sign3A_62 = arith.subi %sign3A_58, %sign3A_61 : i32
      %sign3A_63 = arith.constant 0 : i32
      %sign3A_64 = arith.cmpi sgt, %jit3A, %sign3A_63 : i32
      %sign3A_65 = arith.extui %sign3A_64 : i1 to i32
      %sign3A_66 = arith.constant 0 : i32
      %sign3A_67 = arith.cmpi slt, %jit3A, %sign3A_66 : i32
      %sign3A_68 = arith.extui %sign3A_67 : i1 to i32
      %sign3A_69 = arith.subi %sign3A_65, %sign3A_68 : i32
      %ne3A = arith.cmpi ne, %sign3A_62, %sign3A_69 : i32
      %rem3A = arith.remsi %add3A_56, %jit3A : i32
      %ne3A_70 = arith.constant 0 : i32
      %ne3A_71 = arith.cmpi ne, %rem3A, %ne3A_70 : i32
      %and3A = arith.andi %ne3A, %ne3A_71 : i1
      %sub3A = arith.constant 1 : i32
      %sub3A_72 = arith.subi %div3A, %sub3A : i32
      %select_n3A = arith.select %and3A, %sub3A_72, %div3A : i32
      %jit3A_73 = arith.constant 5 : i32
      %eq3A = arith.constant 0 : i32
      %eq3A_74 = arith.cmpi eq, %jit3A_73, %eq3A : i32
      %jit3A_75 = arith.constant 1 : i32
      %select_n3A_76 = arith.select %eq3A_74, %jit3A_75, %jit3A_73 : i32
      %rem3A_77 = arith.remsi %add3A_56, %select_n3A_76 : i32
      %ne3A_78 = arith.constant 0 : i32
      %ne3A_79 = arith.cmpi ne, %rem3A_77, %ne3A_78 : i32
      %lt3A = arith.constant 0 : i32
      %lt3A_80 = arith.cmpi slt, %rem3A_77, %lt3A : i32
      %lt3A_81 = arith.constant 0 : i32
      %lt3A_82 = arith.cmpi slt, %select_n3A_76, %lt3A_81 : i32
      %ne3A_83 = arith.xori %lt3A_80, %lt3A_82 : i1
      %and3A_84 = arith.andi %ne3A_83, %ne3A_79 : i1
      %add3A_85 = arith.addi %rem3A_77, %select_n3A_76 : i32
      %select_n3A_86 = arith.select %and3A_84, %add3A_85, %rem3A_77 : i32
      %mul3A_87 = arith.constant 10 : i32
      %mul3A_88 = arith.muli %select_n3A_86, %mul3A_87 : i32
      %mul3A_89 = arith.constant 4 : i32
      %mul3A_90 = arith.muli %add3A, %mul3A_89 : i32
      %add3A_91 = arith.addi %mul3A_90, %select_n3A : i32
      %lt3A_92 = arith.constant 19 : i32
      %lt3A_93 = arith.cmpi slt, %add3A_56, %lt3A_92 : i32
      %convert_element_type3A = arith.extui %lt3A_93 : i1 to i32
      %cond3A = arith.constant 0 : i32
      %cond3A_94 = arith.cmpi ne, %convert_element_type3A, %cond3A : i32
      scf.if %cond3A_94 {
        %add3A_185 = arith.constant 1 : i32
        %add3A_186 = arith.addi %add3A_56, %add3A_185 : i32
        %jit3A_187 = arith.constant 5 : i32
        %div3A_188 = arith.divsi %add3A_186, %jit3A_187 : i32
        %sign3A_189 = arith.constant 0 : i32
        %sign3A_190 = arith.cmpi sgt, %add3A_186, %sign3A_189 : i32
        %sign3A_191 = arith.extui %sign3A_190 : i1 to i32
        %sign3A_192 = arith.constant 0 : i32
        %sign3A_193 = arith.cmpi slt, %add3A_186, %sign3A_192 : i32
        %sign3A_194 = arith.extui %sign3A_193 : i1 to i32
        %sign3A_195 = arith.subi %sign3A_191, %sign3A_194 : i32
        %sign3A_196 = arith.constant 0 : i32
        %sign3A_197 = arith.cmpi sgt, %jit3A_187, %sign3A_196 : i32
        %sign3A_198 = arith.extui %sign3A_197 : i1 to i32
        %sign3A_199 = arith.constant 0 : i32
        %sign3A_200 = arith.cmpi slt, %jit3A_187, %sign3A_199 : i32
        %sign3A_201 = arith.extui %sign3A_200 : i1 to i32
        %sign3A_202 = arith.subi %sign3A_198, %sign3A_201 : i32
        %ne3A_203 = arith.cmpi ne, %sign3A_195, %sign3A_202 : i32
        %rem3A_204 = arith.remsi %add3A_186, %jit3A_187 : i32
        %ne3A_205 = arith.constant 0 : i32
        %ne3A_206 = arith.cmpi ne, %rem3A_204, %ne3A_205 : i32
        %and3A_207 = arith.andi %ne3A_203, %ne3A_206 : i1
        %sub3A_208 = arith.constant 1 : i32
        %sub3A_209 = arith.subi %div3A_188, %sub3A_208 : i32
        %select_n3A_210 = arith.select %and3A_207, %sub3A_209, %div3A_188 : i32
        %jit3A_211 = arith.constant 5 : i32
        %eq3A_212 = arith.constant 0 : i32
        %eq3A_213 = arith.cmpi eq, %jit3A_211, %eq3A_212 : i32
        %jit3A_214 = arith.constant 1 : i32
        %select_n3A_215 = arith.select %eq3A_213, %jit3A_214, %jit3A_211 : i32
        %rem3A_216 = arith.remsi %add3A_186, %select_n3A_215 : i32
        %ne3A_217 = arith.constant 0 : i32
        %ne3A_218 = arith.cmpi ne, %rem3A_216, %ne3A_217 : i32
        %lt3A_219 = arith.constant 0 : i32
        %lt3A_220 = arith.cmpi slt, %rem3A_216, %lt3A_219 : i32
        %lt3A_221 = arith.constant 0 : i32
        %lt3A_222 = arith.cmpi slt, %select_n3A_215, %lt3A_221 : i32
        %ne3A_223 = arith.xori %lt3A_220, %lt3A_222 : i1
        %and3A_224 = arith.andi %ne3A_223, %ne3A_218 : i1
        %add3A_225 = arith.addi %rem3A_216, %select_n3A_215 : i32
        %select_n3A_226 = arith.select %and3A_224, %add3A_225, %rem3A_216 : i32
        %mul3A_227 = arith.constant 10 : i32
        %mul3A_228 = arith.muli %select_n3A_226, %mul3A_227 : i32
        %mul3A_229 = arith.constant 6400 : i32
        %mul3A_230 = arith.muli %select_n3A_210, %mul3A_229 : i32
        %add3A_231 = arith.addi %mul3A_230, %mul3A_228 : i32
        %parallel_loop3A_232 = arith.constant 0 : i32
        %parallel_loop3A_233 = arith.constant 80 : i32
        %parallel_loop3A_234 = arith.constant 1 : i32
        scf.for %parallel_loop3A_245 = %parallel_loop3A_232 to %parallel_loop3A_233 step %parallel_loop3A_234  : i32 {
          %parallel_loop3A_246 = arith.constant 8 : i32
          %parallel_loop3A_247 = arith.divsi %parallel_loop3A_245, %parallel_loop3A_246 : i32
          %parallel_loop3A_248 = arith.constant 0 : i32
          %parallel_loop3A_249 = arith.cmpi sgt, %parallel_loop3A_245, %parallel_loop3A_248 : i32
          %parallel_loop3A_250 = arith.extui %parallel_loop3A_249 : i1 to i32
          %parallel_loop3A_251 = arith.constant 0 : i32
          %parallel_loop3A_252 = arith.cmpi slt, %parallel_loop3A_245, %parallel_loop3A_251 : i32
          %parallel_loop3A_253 = arith.extui %parallel_loop3A_252 : i1 to i32
          %parallel_loop3A_254 = arith.subi %parallel_loop3A_250, %parallel_loop3A_253 : i32
          %parallel_loop3A_255 = arith.constant 0 : i32
          %parallel_loop3A_256 = arith.cmpi sgt, %parallel_loop3A_246, %parallel_loop3A_255 : i32
          %parallel_loop3A_257 = arith.extui %parallel_loop3A_256 : i1 to i32
          %parallel_loop3A_258 = arith.constant 0 : i32
          %parallel_loop3A_259 = arith.cmpi slt, %parallel_loop3A_246, %parallel_loop3A_258 : i32
          %parallel_loop3A_260 = arith.extui %parallel_loop3A_259 : i1 to i32
          %parallel_loop3A_261 = arith.subi %parallel_loop3A_257, %parallel_loop3A_260 : i32
          %parallel_loop3A_262 = arith.cmpi ne, %parallel_loop3A_254, %parallel_loop3A_261 : i32
          %parallel_loop3A_263 = arith.remsi %parallel_loop3A_245, %parallel_loop3A_246 : i32
          %parallel_loop3A_264 = arith.constant 0 : i32
          %parallel_loop3A_265 = arith.cmpi ne, %parallel_loop3A_263, %parallel_loop3A_264 : i32
          %parallel_loop3A_266 = arith.andi %parallel_loop3A_262, %parallel_loop3A_265 : i1
          %parallel_loop3A_267 = arith.constant 1 : i32
          %parallel_loop3A_268 = arith.subi %parallel_loop3A_247, %parallel_loop3A_267 : i32
          %parallel_loop3A_269 = arith.select %parallel_loop3A_266, %parallel_loop3A_268, %parallel_loop3A_247 : i32
          %parallel_loop3A_270 = arith.constant 8 : i32
          %parallel_loop3A_271 = arith.constant 0 : i32
          %parallel_loop3A_272 = arith.cmpi eq, %parallel_loop3A_270, %parallel_loop3A_271 : i32
          %parallel_loop3A_273 = arith.constant 1 : i32
          %parallel_loop3A_274 = arith.select %parallel_loop3A_272, %parallel_loop3A_273, %parallel_loop3A_270 : i32
          %parallel_loop3A_275 = arith.remsi %parallel_loop3A_245, %parallel_loop3A_274 : i32
          %parallel_loop3A_276 = arith.constant 0 : i32
          %parallel_loop3A_277 = arith.cmpi ne, %parallel_loop3A_275, %parallel_loop3A_276 : i32
          %parallel_loop3A_278 = arith.constant 0 : i32
          %parallel_loop3A_279 = arith.cmpi slt, %parallel_loop3A_275, %parallel_loop3A_278 : i32
          %parallel_loop3A_280 = arith.constant 0 : i32
          %parallel_loop3A_281 = arith.cmpi slt, %parallel_loop3A_274, %parallel_loop3A_280 : i32
          %parallel_loop3A_282 = arith.xori %parallel_loop3A_279, %parallel_loop3A_281 : i1
          %parallel_loop3A_283 = arith.andi %parallel_loop3A_282, %parallel_loop3A_277 : i1
          %parallel_loop3A_284 = arith.addi %parallel_loop3A_275, %parallel_loop3A_274 : i32
          %parallel_loop3A_285 = arith.select %parallel_loop3A_283, %parallel_loop3A_284, %parallel_loop3A_275 : i32
          %parallel_loop3A_286 = arith.addi %add3A_231, %parallel_loop3A_269 : i32
          %parallel_loop3A_287 = arith.constant 16 : i32
          %parallel_loop3A_288 = arith.muli %parallel_loop3A_285, %parallel_loop3A_287 : i32
          %parallel_loop3A_289 = arith.constant 50 : i32
          %parallel_loop3A_290 = arith.muli %parallel_loop3A_288, %parallel_loop3A_289 : i32
          %parallel_loop3A_291 = arith.addi %parallel_loop3A_286, %parallel_loop3A_290 : i32
          %parallel_loop3A_292 = arith.constant 50 : i32
          %parallel_loop3A_293 = vector.broadcast %parallel_loop3A_292 : i32 to vector<16xi32>
          %parallel_loop3A_294 = arith.muli %iota3A, %parallel_loop3A_293 : vector<16xi32>
          %parallel_loop3A_295 = vector.broadcast %parallel_loop3A_291 : i32 to vector<16xi32>
          %parallel_loop3A_296 = arith.addi %parallel_loop3A_295, %parallel_loop3A_294 : vector<16xi32>
          %parallel_loop3A_297 = tpu.vector_load_idx %arg5[%parallel_loop3A_296] : memref<25600xi32, #tpu.memory_space<vmem>>[vector<16xi32>], vector<16xi32>,
          %parallel_loop3A_298 = arith.constant 1 : i32
          %parallel_loop3A_299 = vector.broadcast %parallel_loop3A_298 : i32 to vector<16xi32>
          %parallel_loop3A_300 = arith.constant 128 : i32
          %parallel_loop3A_301 = arith.muli %parallel_loop3A_269, %parallel_loop3A_300 : i32
          %parallel_loop3A_302 = arith.constant 16 : i32
          %parallel_loop3A_303 = arith.muli %parallel_loop3A_285, %parallel_loop3A_302 : i32
          %parallel_loop3A_304 = arith.addi %parallel_loop3A_301, %parallel_loop3A_303 : i32
          %parallel_loop3A_305 = vector.broadcast %parallel_loop3A_304 : i32 to vector<16xi32>
          %parallel_loop3A_306 = arith.addi %parallel_loop3A_305, %iota3A : vector<16xi32>
          tpu.vector_store_idx %arg6[%parallel_loop3A_299, %parallel_loop3A_306], %parallel_loop3A_297 : memref<2x1280xi32, #tpu.memory_space<vmem>>[vector<16xi32>, vector<16xi32>], vector<16xi32>,
        } {sc.loop_unroll_factor = 4 : i64, sc.parallel_access}
        %dma_start3A_235 = arith.constant 1 : i32
        %dma_start3A_236 = arith.constant 1280 : i32
        %dma_start3A_237 = arith.constant 0 : i32
        %dma_start3A_238 = tpu.memref_slice %arg7[%dma_start3A_236, %dma_start3A_237] : memref<2560x32xf32, #tpu.memory_space<vmem>> -> memref<1280x32xf32, #tpu.memory_space<vmem>>
        %dma_start3A_239 = arith.constant 0 : i32
        %dma_start3A_240 = tpu.memref_slice %arg6[%dma_start3A_235, %dma_start3A_239] : memref<2x1280xi32, #tpu.memory_space<vmem>> -> memref<1x1280xi32, #tpu.memory_space<vmem>>
        %dma_start3A_241 = tpu.memref_squeeze %dma_start3A_240 : memref<1x1280xi32, #tpu.memory_space<vmem>> -> memref<1280xi32, #tpu.memory_space<vmem>>
        %dma_start3A_242 = arith.constant 0 : i32
        %dma_start3A_243 = arith.constant 0 : i32
        %dma_start3A_244 = tpu.memref_slice %arg3[%dma_start3A_242, %dma_start3A_243] : memref<1000000x32xf32, #tpu.memory_space<hbm>> -> memref<1000000x32xf32, #tpu.memory_space<hbm>>
        tpu.enqueue_indirect_dma source(%dma_start3A_244 : memref<1000000x32xf32, #tpu.memory_space<hbm>>) target(%dma_start3A_238 : memref<1280x32xf32, #tpu.memory_space<vmem>>) offsets(%dma_start3A_241 : memref<1280xi32, #tpu.memory_space<vmem>>) semaphore(%arg10 : memref<!tpu.dma_semaphore, #tpu.memory_space<semaphore_mem>>)
      } else {
      }
      %dma_wait3A_95 = arith.constant 0 : i32
      %dma_wait3A_96 = arith.constant 0 : i32
      %dma_wait3A_97 = tpu.memref_slice %arg7[%dma_wait3A_95, %dma_wait3A_96] : memref<2560x32xf32, #tpu.memory_space<vmem>> -> memref<1280x32xf32, #tpu.memory_space<vmem>>
      %dma_wait3A_98 = arith.constant 0 : i32
      %dma_wait3A_99 = arith.constant 0 : i32
      %dma_wait3A_100 = tpu.memref_slice %arg3[%dma_wait3A_98, %dma_wait3A_99] : memref<1000000x32xf32, #tpu.memory_space<hbm>> -> memref<1280x32xf32, #tpu.memory_space<hbm>>
      %dma_wait3A_101 = arith.constant 0 : i32
      %dma_wait3A_102 = arith.constant 0 : i32
      %dma_wait3A_103 = tpu.memref_slice %arg7[%dma_wait3A_101, %dma_wait3A_102] : memref<2560x32xf32, #tpu.memory_space<vmem>> -> memref<1280x32xf32, #tpu.memory_space<vmem>>
      %dma_wait3A_104 = arith.constant 0 : i32
      %dma_wait3A_105 = arith.constant 0 : i32
      %dma_wait3A_106 = tpu.memref_slice %arg3[%dma_wait3A_104, %dma_wait3A_105] : memref<1000000x32xf32, #tpu.memory_space<hbm>> -> memref<1280x32xf32, #tpu.memory_space<hbm>>
      tpu.wait_dma2 semaphore(%arg9 : memref<!tpu.dma_semaphore, #tpu.memory_space<semaphore_mem>>) src(%dma_wait3A_106 : memref<1280x32xf32, #tpu.memory_space<hbm>>) dst(%dma_wait3A_103 : memref<1280x32xf32, #tpu.memory_space<vmem>>)
      %scan3A_107 = arith.constant 0 : i32
      %scan3A_108 = arith.constant 0 : i32
      %scan3A_109 = arith.constant 5 : i32
      %scan3A_110 = arith.addi %scan3A_108, %scan3A_109 : i32
      %scan3A_111 = arith.constant 1 : i32
      scf.for %scan3A_185 = %scan3A_108 to %scan3A_110 step %scan3A_111  : i32 {
        %mul3A_186 = arith.constant 2 : i32
        %mul3A_187 = arith.muli %scan3A_185, %mul3A_186 : i32
        %add3A_188 = arith.constant 0 : i32
        %add3A_189 = arith.addi %mul3A_187, %add3A_188 : i32
        %add3A_190 = arith.addi %mul3A_88, %add3A_189 : i32
        %mul3A_191 = arith.constant 10 : i32
        %mul3A_192 = arith.muli %add3A_56, %mul3A_191 : i32
        %add3A_193 = arith.addi %mul3A_192, %add3A_189 : i32
        %ge3A = arith.constant 2 : i32
        %ge3A_194 = arith.cmpi sge, %add3A_193, %ge3A : i32
        %convert_element_type3A_195 = arith.extui %ge3A_194 : i1 to i32
        %cond3A_196 = arith.constant 0 : i32
        %cond3A_197 = arith.cmpi ne, %convert_element_type3A_195, %cond3A_196 : i32
        scf.if %cond3A_197 {
          %dma_wait3A_267 = arith.constant 0 : i32
          %dma_wait3A_268 = arith.constant 0 : i32
          %dma_wait3A_269 = arith.constant 0 : i32
          %dma_wait3A_270 = arith.constant 0 : i32
          %dma_wait3A_271 = tpu.memref_slice %arg8[%dma_wait3A_267, %dma_wait3A_268, %dma_wait3A_269, %dma_wait3A_270] : memref<2x4x8x128xf32, #tpu.memory_space<vmem>> -> memref<1x4x8x128xf32, #tpu.memory_space<vmem>>
          %dma_wait3A_272 = tpu.memref_squeeze %dma_wait3A_271 : memref<1x4x8x128xf32, #tpu.memory_space<vmem>> -> memref<4x8x128xf32, #tpu.memory_space<vmem>>
          %dma_wait3A_273 = arith.constant 0 : i32
          %dma_wait3A_274 = arith.constant 0 : i32
          %dma_wait3A_275 = tpu.memref_slice %arg3[%dma_wait3A_273, %dma_wait3A_274] : memref<1000000x32xf32, #tpu.memory_space<hbm>> -> memref<128x32xf32, #tpu.memory_space<hbm>>
          %dma_wait3A_276 = arith.constant 0 : i32
          %dma_wait3A_277 = arith.constant 0 : i32
          %dma_wait3A_278 = arith.constant 0 : i32
          %dma_wait3A_279 = tpu.memref_slice %arg8[%dma_wait3A_267, %dma_wait3A_276, %dma_wait3A_277, %dma_wait3A_278] : memref<2x4x8x128xf32, #tpu.memory_space<vmem>> -> memref<1x4x8x128xf32, #tpu.memory_space<vmem>>
          %dma_wait3A_280 = tpu.memref_squeeze %dma_wait3A_279 : memref<1x4x8x128xf32, #tpu.memory_space<vmem>> -> memref<4x8x128xf32, #tpu.memory_space<vmem>>
          %dma_wait3A_281 = arith.constant 0 : i32
          %dma_wait3A_282 = arith.constant 0 : i32
          %dma_wait3A_283 = tpu.memref_slice %arg3[%dma_wait3A_281, %dma_wait3A_282] : memref<1000000x32xf32, #tpu.memory_space<hbm>> -> memref<128x32xf32, #tpu.memory_space<hbm>>
          tpu.wait_dma2 semaphore(%arg11 : memref<!tpu.dma_semaphore, #tpu.memory_space<semaphore_mem>>) src(%dma_wait3A_283 : memref<128x32xf32, #tpu.memory_space<hbm>>) dst(%dma_wait3A_280 : memref<4x8x128xf32, #tpu.memory_space<vmem>>)
        } else {
        }
        %mul3A_198 = arith.constant 128 : i32
        %mul3A_199 = arith.muli %add3A_189, %mul3A_198 : i32
        %add3A_200 = arith.constant 0 : i32
        %add3A_201 = arith.addi %add3A_200, %mul3A_199 : i32
        %parallel_loop3A_202 = arith.constant 0 : i32
        %parallel_loop3A_203 = arith.constant 32 : i32
        %parallel_loop3A_204 = arith.constant 1 : i32
        scf.for %parallel_loop3A_267 = %parallel_loop3A_202 to %parallel_loop3A_203 step %parallel_loop3A_204  : i32 {
          %parallel_loop3A_268 = vector.broadcast %parallel_loop3A_267 : i32 to vector<16xi32>
          %parallel_loop3A_269 = arith.constant 8 : i32
          %parallel_loop3A_270 = arith.divsi %parallel_loop3A_267, %parallel_loop3A_269 : i32
          %parallel_loop3A_271 = arith.constant 0 : i32
          %parallel_loop3A_272 = arith.cmpi sgt, %parallel_loop3A_267, %parallel_loop3A_271 : i32
          %parallel_loop3A_273 = arith.extui %parallel_loop3A_272 : i1 to i32
          %parallel_loop3A_274 = arith.constant 0 : i32
          %parallel_loop3A_275 = arith.cmpi slt, %parallel_loop3A_267, %parallel_loop3A_274 : i32
          %parallel_loop3A_276 = arith.extui %parallel_loop3A_275 : i1 to i32
          %parallel_loop3A_277 = arith.subi %parallel_loop3A_273, %parallel_loop3A_276 : i32
          %parallel_loop3A_278 = arith.constant 0 : i32
          %parallel_loop3A_279 = arith.cmpi sgt, %parallel_loop3A_269, %parallel_loop3A_278 : i32
          %parallel_loop3A_280 = arith.extui %parallel_loop3A_279 : i1 to i32
          %parallel_loop3A_281 = arith.constant 0 : i32
          %parallel_loop3A_282 = arith.cmpi slt, %parallel_loop3A_269, %parallel_loop3A_281 : i32
          %parallel_loop3A_283 = arith.extui %parallel_loop3A_282 : i1 to i32
          %parallel_loop3A_284 = arith.subi %parallel_loop3A_280, %parallel_loop3A_283 : i32
          %parallel_loop3A_285 = arith.cmpi ne, %parallel_loop3A_277, %parallel_loop3A_284 : i32
          %parallel_loop3A_286 = arith.remsi %parallel_loop3A_267, %parallel_loop3A_269 : i32
          %parallel_loop3A_287 = arith.constant 0 : i32
          %parallel_loop3A_288 = arith.cmpi ne, %parallel_loop3A_286, %parallel_loop3A_287 : i32
          %parallel_loop3A_289 = arith.andi %parallel_loop3A_285, %parallel_loop3A_288 : i1
          %parallel_loop3A_290 = arith.constant 1 : i32
          %parallel_loop3A_291 = arith.subi %parallel_loop3A_270, %parallel_loop3A_290 : i32
          %parallel_loop3A_292 = arith.select %parallel_loop3A_289, %parallel_loop3A_291, %parallel_loop3A_270 : i32
          %parallel_loop3A_293 = arith.constant 8 : i32
          %parallel_loop3A_294 = arith.constant 0 : i32
          %parallel_loop3A_295 = arith.cmpi eq, %parallel_loop3A_293, %parallel_loop3A_294 : i32
          %parallel_loop3A_296 = arith.constant 1 : i32
          %parallel_loop3A_297 = arith.select %parallel_loop3A_295, %parallel_loop3A_296, %parallel_loop3A_293 : i32
          %parallel_loop3A_298 = arith.remsi %parallel_loop3A_267, %parallel_loop3A_297 : i32
          %parallel_loop3A_299 = arith.constant 0 : i32
          %parallel_loop3A_300 = arith.cmpi ne, %parallel_loop3A_298, %parallel_loop3A_299 : i32
          %parallel_loop3A_301 = arith.constant 0 : i32
          %parallel_loop3A_302 = arith.cmpi slt, %parallel_loop3A_298, %parallel_loop3A_301 : i32
          %parallel_loop3A_303 = arith.constant 0 : i32
          %parallel_loop3A_304 = arith.cmpi slt, %parallel_loop3A_297, %parallel_loop3A_303 : i32
          %parallel_loop3A_305 = arith.xori %parallel_loop3A_302, %parallel_loop3A_304 : i1
          %parallel_loop3A_306 = arith.andi %parallel_loop3A_305, %parallel_loop3A_300 : i1
          %parallel_loop3A_307 = arith.addi %parallel_loop3A_298, %parallel_loop3A_297 : i32
          %parallel_loop3A_308 = arith.select %parallel_loop3A_306, %parallel_loop3A_307, %parallel_loop3A_298 : i32
          %parallel_loop3A_309 = arith.constant 0 : i32
          %parallel_loop3A_310 = arith.addi %add3A_201, %parallel_loop3A_309 : i32
          %parallel_loop3A_311 = vector.broadcast %parallel_loop3A_310 : i32 to vector<16xi32>
          %parallel_loop3A_312 = arith.addi %parallel_loop3A_311, %iota3A : vector<16xi32>
          %parallel_loop3A_313 = tpu.vector_load_idx %arg7[%parallel_loop3A_312, %parallel_loop3A_268] : memref<2560x32xf32, #tpu.memory_space<vmem>>[vector<16xi32>, vector<16xi32>], vector<16xf32>,
          %parallel_loop3A_314 = arith.constant 0 : i32
          %parallel_loop3A_315 = arith.index_cast %parallel_loop3A_314 : i32 to index
          %parallel_loop3A_316 = arith.index_cast %parallel_loop3A_292 : i32 to index
          %parallel_loop3A_317 = arith.index_cast %parallel_loop3A_308 : i32 to index
          %parallel_loop3A_318 = arith.constant 0 : index
          %parallel_loop3A_319 = tpu.vector_load %arg8[%parallel_loop3A_315, %parallel_loop3A_316, %parallel_loop3A_317, %parallel_loop3A_318] {strides = array<i32>} : memref<2x4x8x128xf32, #tpu.memory_space<vmem>>, vector<16xf32>,
          tpu.vector_store %arg8[%parallel_loop3A_315, %parallel_loop3A_316, %parallel_loop3A_317, %parallel_loop3A_318], %parallel_loop3A_313 {strides = array<i32>} : memref<2x4x8x128xf32, #tpu.memory_space<vmem>>, vector<16xf32>,
          %parallel_loop3A_320 = arith.constant 16 : i32
          %parallel_loop3A_321 = arith.addi %add3A_201, %parallel_loop3A_320 : i32
          %parallel_loop3A_322 = vector.broadcast %parallel_loop3A_321 : i32 to vector<16xi32>
          %parallel_loop3A_323 = arith.addi %parallel_loop3A_322, %iota3A : vector<16xi32>
          %parallel_loop3A_324 = tpu.vector_load_idx %arg7[%parallel_loop3A_323, %parallel_loop3A_268] : memref<2560x32xf32, #tpu.memory_space<vmem>>[vector<16xi32>, vector<16xi32>], vector<16xf32>,
          %parallel_loop3A_325 = arith.constant 0 : i32
          %parallel_loop3A_326 = arith.index_cast %parallel_loop3A_325 : i32 to index
          %parallel_loop3A_327 = arith.index_cast %parallel_loop3A_292 : i32 to index
          %parallel_loop3A_328 = arith.index_cast %parallel_loop3A_308 : i32 to index
          %parallel_loop3A_329 = arith.constant 16 : index
          %parallel_loop3A_330 = tpu.vector_load %arg8[%parallel_loop3A_326, %parallel_loop3A_327, %parallel_loop3A_328, %parallel_loop3A_329] {strides = array<i32>} : memref<2x4x8x128xf32, #tpu.memory_space<vmem>>, vector<16xf32>,
          tpu.vector_store %arg8[%parallel_loop3A_326, %parallel_loop3A_327, %parallel_loop3A_328, %parallel_loop3A_329], %parallel_loop3A_324 {strides = array<i32>} : memref<2x4x8x128xf32, #tpu.memory_space<vmem>>, vector<16xf32>,
          %parallel_loop3A_331 = arith.constant 32 : i32
          %parallel_loop3A_332 = arith.addi %add3A_201, %parallel_loop3A_331 : i32
          %parallel_loop3A_333 = vector.broadcast %parallel_loop3A_332 : i32 to vector<16xi32>
          %parallel_loop3A_334 = arith.addi %parallel_loop3A_333, %iota3A : vector<16xi32>
          %parallel_loop3A_335 = tpu.vector_load_idx %arg7[%parallel_loop3A_334, %parallel_loop3A_268] : memref<2560x32xf32, #tpu.memory_space<vmem>>[vector<16xi32>, vector<16xi32>], vector<16xf32>,
          %parallel_loop3A_336 = arith.constant 0 : i32
          %parallel_loop3A_337 = arith.index_cast %parallel_loop3A_336 : i32 to index
          %parallel_loop3A_338 = arith.index_cast %parallel_loop3A_292 : i32 to index
          %parallel_loop3A_339 = arith.index_cast %parallel_loop3A_308 : i32 to index
          %parallel_loop3A_340 = arith.constant 32 : index
          %parallel_loop3A_341 = tpu.vector_load %arg8[%parallel_loop3A_337, %parallel_loop3A_338, %parallel_loop3A_339, %parallel_loop3A_340] {strides = array<i32>} : memref<2x4x8x128xf32, #tpu.memory_space<vmem>>, vector<16xf32>,
          tpu.vector_store %arg8[%parallel_loop3A_337, %parallel_loop3A_338, %parallel_loop3A_339, %parallel_loop3A_340], %parallel_loop3A_335 {strides = array<i32>} : memref<2x4x8x128xf32, #tpu.memory_space<vmem>>, vector<16xf32>,
          %parallel_loop3A_342 = arith.constant 48 : i32
          %parallel_loop3A_343 = arith.addi %add3A_201, %parallel_loop3A_342 : i32
          %parallel_loop3A_344 = vector.broadcast %parallel_loop3A_343 : i32 to vector<16xi32>
          %parallel_loop3A_345 = arith.addi %parallel_loop3A_344, %iota3A : vector<16xi32>
          %parallel_loop3A_346 = tpu.vector_load_idx %arg7[%parallel_loop3A_345, %parallel_loop3A_268] : memref<2560x32xf32, #tpu.memory_space<vmem>>[vector<16xi32>, vector<16xi32>], vector<16xf32>,
          %parallel_loop3A_347 = arith.constant 0 : i32
          %parallel_loop3A_348 = arith.index_cast %parallel_loop3A_347 : i32 to index
          %parallel_loop3A_349 = arith.index_cast %parallel_loop3A_292 : i32 to index
          %parallel_loop3A_350 = arith.index_cast %parallel_loop3A_308 : i32 to index
          %parallel_loop3A_351 = arith.constant 48 : index
          %parallel_loop3A_352 = tpu.vector_load %arg8[%parallel_loop3A_348, %parallel_loop3A_349, %parallel_loop3A_350, %parallel_loop3A_351] {strides = array<i32>} : memref<2x4x8x128xf32, #tpu.memory_space<vmem>>, vector<16xf32>,
          tpu.vector_store %arg8[%parallel_loop3A_348, %parallel_loop3A_349, %parallel_loop3A_350, %parallel_loop3A_351], %parallel_loop3A_346 {strides = array<i32>} : memref<2x4x8x128xf32, #tpu.memory_space<vmem>>, vector<16xf32>,
          %parallel_loop3A_353 = arith.constant 64 : i32
          %parallel_loop3A_354 = arith.addi %add3A_201, %parallel_loop3A_353 : i32
          %parallel_loop3A_355 = vector.broadcast %parallel_loop3A_354 : i32 to vector<16xi32>
          %parallel_loop3A_356 = arith.addi %parallel_loop3A_355, %iota3A : vector<16xi32>
          %parallel_loop3A_357 = tpu.vector_load_idx %arg7[%parallel_loop3A_356, %parallel_loop3A_268] : memref<2560x32xf32, #tpu.memory_space<vmem>>[vector<16xi32>, vector<16xi32>], vector<16xf32>,
          %parallel_loop3A_358 = arith.constant 0 : i32
          %parallel_loop3A_359 = arith.index_cast %parallel_loop3A_358 : i32 to index
          %parallel_loop3A_360 = arith.index_cast %parallel_loop3A_292 : i32 to index
          %parallel_loop3A_361 = arith.index_cast %parallel_loop3A_308 : i32 to index
          %parallel_loop3A_362 = arith.constant 64 : index
          %parallel_loop3A_363 = tpu.vector_load %arg8[%parallel_loop3A_359, %parallel_loop3A_360, %parallel_loop3A_361, %parallel_loop3A_362] {strides = array<i32>} : memref<2x4x8x128xf32, #tpu.memory_space<vmem>>, vector<16xf32>,
          tpu.vector_store %arg8[%parallel_loop3A_359, %parallel_loop3A_360, %parallel_loop3A_361, %parallel_loop3A_362], %parallel_loop3A_357 {strides = array<i32>} : memref<2x4x8x128xf32, #tpu.memory_space<vmem>>, vector<16xf32>,
          %parallel_loop3A_364 = arith.constant 80 : i32
          %parallel_loop3A_365 = arith.addi %add3A_201, %parallel_loop3A_364 : i32
          %parallel_loop3A_366 = vector.broadcast %parallel_loop3A_365 : i32 to vector<16xi32>
          %parallel_loop3A_367 = arith.addi %parallel_loop3A_366, %iota3A : vector<16xi32>
          %parallel_loop3A_368 = tpu.vector_load_idx %arg7[%parallel_loop3A_367, %parallel_loop3A_268] : memref<2560x32xf32, #tpu.memory_space<vmem>>[vector<16xi32>, vector<16xi32>], vector<16xf32>,
          %parallel_loop3A_369 = arith.constant 0 : i32
          %parallel_loop3A_370 = arith.index_cast %parallel_loop3A_369 : i32 to index
          %parallel_loop3A_371 = arith.index_cast %parallel_loop3A_292 : i32 to index
          %parallel_loop3A_372 = arith.index_cast %parallel_loop3A_308 : i32 to index
          %parallel_loop3A_373 = arith.constant 80 : index
          %parallel_loop3A_374 = tpu.vector_load %arg8[%parallel_loop3A_370, %parallel_loop3A_371, %parallel_loop3A_372, %parallel_loop3A_373] {strides = array<i32>} : memref<2x4x8x128xf32, #tpu.memory_space<vmem>>, vector<16xf32>,
          tpu.vector_store %arg8[%parallel_loop3A_370, %parallel_loop3A_371, %parallel_loop3A_372, %parallel_loop3A_373], %parallel_loop3A_368 {strides = array<i32>} : memref<2x4x8x128xf32, #tpu.memory_space<vmem>>, vector<16xf32>,
          %parallel_loop3A_375 = arith.constant 96 : i32
          %parallel_loop3A_376 = arith.addi %add3A_201, %parallel_loop3A_375 : i32
          %parallel_loop3A_377 = vector.broadcast %parallel_loop3A_376 : i32 to vector<16xi32>
          %parallel_loop3A_378 = arith.addi %parallel_loop3A_377, %iota3A : vector<16xi32>
          %parallel_loop3A_379 = tpu.vector_load_idx %arg7[%parallel_loop3A_378, %parallel_loop3A_268] : memref<2560x32xf32, #tpu.memory_space<vmem>>[vector<16xi32>, vector<16xi32>], vector<16xf32>,
          %parallel_loop3A_380 = arith.constant 0 : i32
          %parallel_loop3A_381 = arith.index_cast %parallel_loop3A_380 : i32 to index
          %parallel_loop3A_382 = arith.index_cast %parallel_loop3A_292 : i32 to index
          %parallel_loop3A_383 = arith.index_cast %parallel_loop3A_308 : i32 to index
          %parallel_loop3A_384 = arith.constant 96 : index
          %parallel_loop3A_385 = tpu.vector_load %arg8[%parallel_loop3A_381, %parallel_loop3A_382, %parallel_loop3A_383, %parallel_loop3A_384] {strides = array<i32>} : memref<2x4x8x128xf32, #tpu.memory_space<vmem>>, vector<16xf32>,
          tpu.vector_store %arg8[%parallel_loop3A_381, %parallel_loop3A_382, %parallel_loop3A_383, %parallel_loop3A_384], %parallel_loop3A_379 {strides = array<i32>} : memref<2x4x8x128xf32, #tpu.memory_space<vmem>>, vector<16xf32>,
          %parallel_loop3A_386 = arith.constant 112 : i32
          %parallel_loop3A_387 = arith.addi %add3A_201, %parallel_loop3A_386 : i32
          %parallel_loop3A_388 = vector.broadcast %parallel_loop3A_387 : i32 to vector<16xi32>
          %parallel_loop3A_389 = arith.addi %parallel_loop3A_388, %iota3A : vector<16xi32>
          %parallel_loop3A_390 = tpu.vector_load_idx %arg7[%parallel_loop3A_389, %parallel_loop3A_268] : memref<2560x32xf32, #tpu.memory_space<vmem>>[vector<16xi32>, vector<16xi32>], vector<16xf32>,
          %parallel_loop3A_391 = arith.constant 0 : i32
          %parallel_loop3A_392 = arith.index_cast %parallel_loop3A_391 : i32 to index
          %parallel_loop3A_393 = arith.index_cast %parallel_loop3A_292 : i32 to index
          %parallel_loop3A_394 = arith.index_cast %parallel_loop3A_308 : i32 to index
          %parallel_loop3A_395 = arith.constant 112 : index
          %parallel_loop3A_396 = tpu.vector_load %arg8[%parallel_loop3A_392, %parallel_loop3A_393, %parallel_loop3A_394, %parallel_loop3A_395] {strides = array<i32>} : memref<2x4x8x128xf32, #tpu.memory_space<vmem>>, vector<16xf32>,
          tpu.vector_store %arg8[%parallel_loop3A_392, %parallel_loop3A_393, %parallel_loop3A_394, %parallel_loop3A_395], %parallel_loop3A_390 {strides = array<i32>} : memref<2x4x8x128xf32, #tpu.memory_space<vmem>>, vector<16xf32>,
        } {sc.loop_unroll_factor = 8 : i64, sc.parallel_access}
        %dma_start3A_205 = arith.constant 0 : i32
        %dma_start3A_206 = arith.constant 0 : i32
        %dma_start3A_207 = arith.constant 0 : i32
        %dma_start3A_208 = arith.constant 0 : i32
        %dma_start3A_209 = tpu.memref_slice %arg8[%dma_start3A_205, %dma_start3A_206, %dma_start3A_207, %dma_start3A_208] : memref<2x4x8x128xf32, #tpu.memory_space<vmem>> -> memref<1x4x8x128xf32, #tpu.memory_space<vmem>>
        %dma_start3A_210 = tpu.memref_squeeze %dma_start3A_209 : memref<1x4x8x128xf32, #tpu.memory_space<vmem>> -> memref<4x8x128xf32, #tpu.memory_space<vmem>>
        %dma_start3A_211 = arith.constant 0 : i32
        %dma_start3A_212 = arith.constant 0 : i32
        %dma_start3A_213 = arith.constant 0 : i32
        %dma_start3A_214 = tpu.memref_slice %arg4[%add3A_190, %dma_start3A_211, %add3A_91, %dma_start3A_212, %dma_start3A_213] : memref<50x4x128x8x128xf32, #tpu.memory_space<hbm>> -> memref<1x4x1x8x128xf32, #tpu.memory_space<hbm>>
        %dma_start3A_215 = tpu.memref_squeeze %dma_start3A_214 : memref<1x4x1x8x128xf32, #tpu.memory_space<hbm>> -> memref<4x8x128xf32, #tpu.memory_space<hbm>>
        %dma_start3A_216 = arith.constant 0 : i32
        %dma_start3A_217 = arith.constant 0 : i32
        %dma_start3A_218 = arith.constant 0 : i32
        %dma_start3A_219 = tpu.memref_slice %arg4[%add3A_190, %dma_start3A_216, %add3A_91, %dma_start3A_217, %dma_start3A_218] : memref<50x4x128x8x128xf32, #tpu.memory_space<hbm>> -> memref<1x4x1x8x128xf32, #tpu.memory_space<hbm>>
        %dma_start3A_220 = tpu.memref_squeeze %dma_start3A_219 : memref<1x4x1x8x128xf32, #tpu.memory_space<hbm>> -> memref<4x8x128xf32, #tpu.memory_space<hbm>>
        %dma_start3A_221 = arith.constant 0 : i32
        %dma_start3A_222 = arith.constant 0 : i32
        %dma_start3A_223 = arith.constant 0 : i32
        %dma_start3A_224 = tpu.memref_slice %arg8[%dma_start3A_205, %dma_start3A_221, %dma_start3A_222, %dma_start3A_223] : memref<2x4x8x128xf32, #tpu.memory_space<vmem>> -> memref<1x4x8x128xf32, #tpu.memory_space<vmem>>
        %dma_start3A_225 = tpu.memref_squeeze %dma_start3A_224 : memref<1x4x8x128xf32, #tpu.memory_space<vmem>> -> memref<4x8x128xf32, #tpu.memory_space<vmem>>
        tpu.enqueue_dma source(%dma_start3A_225 : memref<4x8x128xf32, #tpu.memory_space<vmem>>) target(%dma_start3A_220 : memref<4x8x128xf32, #tpu.memory_space<hbm>>) target_semaphore(%arg11 : memref<!tpu.dma_semaphore, #tpu.memory_space<semaphore_mem>>)
        %mul3A_226 = arith.constant 2 : i32
        %mul3A_227 = arith.muli %scan3A_185, %mul3A_226 : i32
        %add3A_228 = arith.constant 1 : i32
        %add3A_229 = arith.addi %mul3A_227, %add3A_228 : i32
        %add3A_230 = arith.addi %mul3A_88, %add3A_229 : i32
        %mul3A_231 = arith.constant 10 : i32
        %mul3A_232 = arith.muli %add3A_56, %mul3A_231 : i32
        %add3A_233 = arith.addi %mul3A_232, %add3A_229 : i32
        %ge3A_234 = arith.constant 2 : i32
        %ge3A_235 = arith.cmpi sge, %add3A_233, %ge3A_234 : i32
        %convert_element_type3A_236 = arith.extui %ge3A_235 : i1 to i32
        %cond3A_237 = arith.constant 0 : i32
        %cond3A_238 = arith.cmpi ne, %convert_element_type3A_236, %cond3A_237 : i32
        scf.if %cond3A_238 {
          %dma_wait3A_267 = arith.constant 1 : i32
          %dma_wait3A_268 = arith.constant 0 : i32
          %dma_wait3A_269 = arith.constant 0 : i32
          %dma_wait3A_270 = arith.constant 0 : i32
          %dma_wait3A_271 = tpu.memref_slice %arg8[%dma_wait3A_267, %dma_wait3A_268, %dma_wait3A_269, %dma_wait3A_270] : memref<2x4x8x128xf32, #tpu.memory_space<vmem>> -> memref<1x4x8x128xf32, #tpu.memory_space<vmem>>
          %dma_wait3A_272 = tpu.memref_squeeze %dma_wait3A_271 : memref<1x4x8x128xf32, #tpu.memory_space<vmem>> -> memref<4x8x128xf32, #tpu.memory_space<vmem>>
          %dma_wait3A_273 = arith.constant 0 : i32
          %dma_wait3A_274 = arith.constant 0 : i32
          %dma_wait3A_275 = tpu.memref_slice %arg3[%dma_wait3A_273, %dma_wait3A_274] : memref<1000000x32xf32, #tpu.memory_space<hbm>> -> memref<128x32xf32, #tpu.memory_space<hbm>>
          %dma_wait3A_276 = arith.constant 0 : i32
          %dma_wait3A_277 = arith.constant 0 : i32
          %dma_wait3A_278 = arith.constant 0 : i32
          %dma_wait3A_279 = tpu.memref_slice %arg8[%dma_wait3A_267, %dma_wait3A_276, %dma_wait3A_277, %dma_wait3A_278] : memref<2x4x8x128xf32, #tpu.memory_space<vmem>> -> memref<1x4x8x128xf32, #tpu.memory_space<vmem>>
          %dma_wait3A_280 = tpu.memref_squeeze %dma_wait3A_279 : memref<1x4x8x128xf32, #tpu.memory_space<vmem>> -> memref<4x8x128xf32, #tpu.memory_space<vmem>>
          %dma_wait3A_281 = arith.constant 0 : i32
          %dma_wait3A_282 = arith.constant 0 : i32
          %dma_wait3A_283 = tpu.memref_slice %arg3[%dma_wait3A_281, %dma_wait3A_282] : memref<1000000x32xf32, #tpu.memory_space<hbm>> -> memref<128x32xf32, #tpu.memory_space<hbm>>
          tpu.wait_dma2 semaphore(%arg12 : memref<!tpu.dma_semaphore, #tpu.memory_space<semaphore_mem>>) src(%dma_wait3A_283 : memref<128x32xf32, #tpu.memory_space<hbm>>) dst(%dma_wait3A_280 : memref<4x8x128xf32, #tpu.memory_space<vmem>>)
        } else {
        }
        %mul3A_239 = arith.constant 128 : i32
        %mul3A_240 = arith.muli %add3A_229, %mul3A_239 : i32
        %add3A_241 = arith.constant 0 : i32
        %add3A_242 = arith.addi %add3A_241, %mul3A_240 : i32
        %parallel_loop3A_243 = arith.constant 0 : i32
        %parallel_loop3A_244 = arith.constant 32 : i32
        %parallel_loop3A_245 = arith.constant 1 : i32
        scf.for %parallel_loop3A_267 = %parallel_loop3A_243 to %parallel_loop3A_244 step %parallel_loop3A_245  : i32 {
          %parallel_loop3A_268 = vector.broadcast %parallel_loop3A_267 : i32 to vector<16xi32>
          %parallel_loop3A_269 = arith.constant 8 : i32
          %parallel_loop3A_270 = arith.divsi %parallel_loop3A_267, %parallel_loop3A_269 : i32
          %parallel_loop3A_271 = arith.constant 0 : i32
          %parallel_loop3A_272 = arith.cmpi sgt, %parallel_loop3A_267, %parallel_loop3A_271 : i32
          %parallel_loop3A_273 = arith.extui %parallel_loop3A_272 : i1 to i32
          %parallel_loop3A_274 = arith.constant 0 : i32
          %parallel_loop3A_275 = arith.cmpi slt, %parallel_loop3A_267, %parallel_loop3A_274 : i32
          %parallel_loop3A_276 = arith.extui %parallel_loop3A_275 : i1 to i32
          %parallel_loop3A_277 = arith.subi %parallel_loop3A_273, %parallel_loop3A_276 : i32
          %parallel_loop3A_278 = arith.constant 0 : i32
          %parallel_loop3A_279 = arith.cmpi sgt, %parallel_loop3A_269, %parallel_loop3A_278 : i32
          %parallel_loop3A_280 = arith.extui %parallel_loop3A_279 : i1 to i32
          %parallel_loop3A_281 = arith.constant 0 : i32
          %parallel_loop3A_282 = arith.cmpi slt, %parallel_loop3A_269, %parallel_loop3A_281 : i32
          %parallel_loop3A_283 = arith.extui %parallel_loop3A_282 : i1 to i32
          %parallel_loop3A_284 = arith.subi %parallel_loop3A_280, %parallel_loop3A_283 : i32
          %parallel_loop3A_285 = arith.cmpi ne, %parallel_loop3A_277, %parallel_loop3A_284 : i32
          %parallel_loop3A_286 = arith.remsi %parallel_loop3A_267, %parallel_loop3A_269 : i32
          %parallel_loop3A_287 = arith.constant 0 : i32
          %parallel_loop3A_288 = arith.cmpi ne, %parallel_loop3A_286, %parallel_loop3A_287 : i32
          %parallel_loop3A_289 = arith.andi %parallel_loop3A_285, %parallel_loop3A_288 : i1
          %parallel_loop3A_290 = arith.constant 1 : i32
          %parallel_loop3A_291 = arith.subi %parallel_loop3A_270, %parallel_loop3A_290 : i32
          %parallel_loop3A_292 = arith.select %parallel_loop3A_289, %parallel_loop3A_291, %parallel_loop3A_270 : i32
          %parallel_loop3A_293 = arith.constant 8 : i32
          %parallel_loop3A_294 = arith.constant 0 : i32
          %parallel_loop3A_295 = arith.cmpi eq, %parallel_loop3A_293, %parallel_loop3A_294 : i32
          %parallel_loop3A_296 = arith.constant 1 : i32
          %parallel_loop3A_297 = arith.select %parallel_loop3A_295, %parallel_loop3A_296, %parallel_loop3A_293 : i32
          %parallel_loop3A_298 = arith.remsi %parallel_loop3A_267, %parallel_loop3A_297 : i32
          %parallel_loop3A_299 = arith.constant 0 : i32
          %parallel_loop3A_300 = arith.cmpi ne, %parallel_loop3A_298, %parallel_loop3A_299 : i32
          %parallel_loop3A_301 = arith.constant 0 : i32
          %parallel_loop3A_302 = arith.cmpi slt, %parallel_loop3A_298, %parallel_loop3A_301 : i32
          %parallel_loop3A_303 = arith.constant 0 : i32
          %parallel_loop3A_304 = arith.cmpi slt, %parallel_loop3A_297, %parallel_loop3A_303 : i32
          %parallel_loop3A_305 = arith.xori %parallel_loop3A_302, %parallel_loop3A_304 : i1
          %parallel_loop3A_306 = arith.andi %parallel_loop3A_305, %parallel_loop3A_300 : i1
          %parallel_loop3A_307 = arith.addi %parallel_loop3A_298, %parallel_loop3A_297 : i32
          %parallel_loop3A_308 = arith.select %parallel_loop3A_306, %parallel_loop3A_307, %parallel_loop3A_298 : i32
          %parallel_loop3A_309 = arith.constant 0 : i32
          %parallel_loop3A_310 = arith.addi %add3A_242, %parallel_loop3A_309 : i32
          %parallel_loop3A_311 = vector.broadcast %parallel_loop3A_310 : i32 to vector<16xi32>
          %parallel_loop3A_312 = arith.addi %parallel_loop3A_311, %iota3A : vector<16xi32>
          %parallel_loop3A_313 = tpu.vector_load_idx %arg7[%parallel_loop3A_312, %parallel_loop3A_268] : memref<2560x32xf32, #tpu.memory_space<vmem>>[vector<16xi32>, vector<16xi32>], vector<16xf32>,
          %parallel_loop3A_314 = arith.constant 1 : i32
          %parallel_loop3A_315 = arith.index_cast %parallel_loop3A_314 : i32 to index
          %parallel_loop3A_316 = arith.index_cast %parallel_loop3A_292 : i32 to index
          %parallel_loop3A_317 = arith.index_cast %parallel_loop3A_308 : i32 to index
          %parallel_loop3A_318 = arith.constant 0 : index
          %parallel_loop3A_319 = tpu.vector_load %arg8[%parallel_loop3A_315, %parallel_loop3A_316, %parallel_loop3A_317, %parallel_loop3A_318] {strides = array<i32>} : memref<2x4x8x128xf32, #tpu.memory_space<vmem>>, vector<16xf32>,
          tpu.vector_store %arg8[%parallel_loop3A_315, %parallel_loop3A_316, %parallel_loop3A_317, %parallel_loop3A_318], %parallel_loop3A_313 {strides = array<i32>} : memref<2x4x8x128xf32, #tpu.memory_space<vmem>>, vector<16xf32>,
          %parallel_loop3A_320 = arith.constant 16 : i32
          %parallel_loop3A_321 = arith.addi %add3A_242, %parallel_loop3A_320 : i32
          %parallel_loop3A_322 = vector.broadcast %parallel_loop3A_321 : i32 to vector<16xi32>
          %parallel_loop3A_323 = arith.addi %parallel_loop3A_322, %iota3A : vector<16xi32>
          %parallel_loop3A_324 = tpu.vector_load_idx %arg7[%parallel_loop3A_323, %parallel_loop3A_268] : memref<2560x32xf32, #tpu.memory_space<vmem>>[vector<16xi32>, vector<16xi32>], vector<16xf32>,
          %parallel_loop3A_325 = arith.constant 1 : i32
          %parallel_loop3A_326 = arith.index_cast %parallel_loop3A_325 : i32 to index
          %parallel_loop3A_327 = arith.index_cast %parallel_loop3A_292 : i32 to index
          %parallel_loop3A_328 = arith.index_cast %parallel_loop3A_308 : i32 to index
          %parallel_loop3A_329 = arith.constant 16 : index
          %parallel_loop3A_330 = tpu.vector_load %arg8[%parallel_loop3A_326, %parallel_loop3A_327, %parallel_loop3A_328, %parallel_loop3A_329] {strides = array<i32>} : memref<2x4x8x128xf32, #tpu.memory_space<vmem>>, vector<16xf32>,
          tpu.vector_store %arg8[%parallel_loop3A_326, %parallel_loop3A_327, %parallel_loop3A_328, %parallel_loop3A_329], %parallel_loop3A_324 {strides = array<i32>} : memref<2x4x8x128xf32, #tpu.memory_space<vmem>>, vector<16xf32>,
          %parallel_loop3A_331 = arith.constant 32 : i32
          %parallel_loop3A_332 = arith.addi %add3A_242, %parallel_loop3A_331 : i32
          %parallel_loop3A_333 = vector.broadcast %parallel_loop3A_332 : i32 to vector<16xi32>
          %parallel_loop3A_334 = arith.addi %parallel_loop3A_333, %iota3A : vector<16xi32>
          %parallel_loop3A_335 = tpu.vector_load_idx %arg7[%parallel_loop3A_334, %parallel_loop3A_268] : memref<2560x32xf32, #tpu.memory_space<vmem>>[vector<16xi32>, vector<16xi32>], vector<16xf32>,
          %parallel_loop3A_336 = arith.constant 1 : i32
          %parallel_loop3A_337 = arith.index_cast %parallel_loop3A_336 : i32 to index
          %parallel_loop3A_338 = arith.index_cast %parallel_loop3A_292 : i32 to index
          %parallel_loop3A_339 = arith.index_cast %parallel_loop3A_308 : i32 to index
          %parallel_loop3A_340 = arith.constant 32 : index
          %parallel_loop3A_341 = tpu.vector_load %arg8[%parallel_loop3A_337, %parallel_loop3A_338, %parallel_loop3A_339, %parallel_loop3A_340] {strides = array<i32>} : memref<2x4x8x128xf32, #tpu.memory_space<vmem>>, vector<16xf32>,
          tpu.vector_store %arg8[%parallel_loop3A_337, %parallel_loop3A_338, %parallel_loop3A_339, %parallel_loop3A_340], %parallel_loop3A_335 {strides = array<i32>} : memref<2x4x8x128xf32, #tpu.memory_space<vmem>>, vector<16xf32>,
          %parallel_loop3A_342 = arith.constant 48 : i32
          %parallel_loop3A_343 = arith.addi %add3A_242, %parallel_loop3A_342 : i32
          %parallel_loop3A_344 = vector.broadcast %parallel_loop3A_343 : i32 to vector<16xi32>
          %parallel_loop3A_345 = arith.addi %parallel_loop3A_344, %iota3A : vector<16xi32>
          %parallel_loop3A_346 = tpu.vector_load_idx %arg7[%parallel_loop3A_345, %parallel_loop3A_268] : memref<2560x32xf32, #tpu.memory_space<vmem>>[vector<16xi32>, vector<16xi32>], vector<16xf32>,
          %parallel_loop3A_347 = arith.constant 1 : i32
          %parallel_loop3A_348 = arith.index_cast %parallel_loop3A_347 : i32 to index
          %parallel_loop3A_349 = arith.index_cast %parallel_loop3A_292 : i32 to index
          %parallel_loop3A_350 = arith.index_cast %parallel_loop3A_308 : i32 to index
          %parallel_loop3A_351 = arith.constant 48 : index
          %parallel_loop3A_352 = tpu.vector_load %arg8[%parallel_loop3A_348, %parallel_loop3A_349, %parallel_loop3A_350, %parallel_loop3A_351] {strides = array<i32>} : memref<2x4x8x128xf32, #tpu.memory_space<vmem>>, vector<16xf32>,
          tpu.vector_store %arg8[%parallel_loop3A_348, %parallel_loop3A_349, %parallel_loop3A_350, %parallel_loop3A_351], %parallel_loop3A_346 {strides = array<i32>} : memref<2x4x8x128xf32, #tpu.memory_space<vmem>>, vector<16xf32>,
          %parallel_loop3A_353 = arith.constant 64 : i32
          %parallel_loop3A_354 = arith.addi %add3A_242, %parallel_loop3A_353 : i32
          %parallel_loop3A_355 = vector.broadcast %parallel_loop3A_354 : i32 to vector<16xi32>
          %parallel_loop3A_356 = arith.addi %parallel_loop3A_355, %iota3A : vector<16xi32>
          %parallel_loop3A_357 = tpu.vector_load_idx %arg7[%parallel_loop3A_356, %parallel_loop3A_268] : memref<2560x32xf32, #tpu.memory_space<vmem>>[vector<16xi32>, vector<16xi32>], vector<16xf32>,
          %parallel_loop3A_358 = arith.constant 1 : i32
          %parallel_loop3A_359 = arith.index_cast %parallel_loop3A_358 : i32 to index
          %parallel_loop3A_360 = arith.index_cast %parallel_loop3A_292 : i32 to index
          %parallel_loop3A_361 = arith.index_cast %parallel_loop3A_308 : i32 to index
          %parallel_loop3A_362 = arith.constant 64 : index
          %parallel_loop3A_363 = tpu.vector_load %arg8[%parallel_loop3A_359, %parallel_loop3A_360, %parallel_loop3A_361, %parallel_loop3A_362] {strides = array<i32>} : memref<2x4x8x128xf32, #tpu.memory_space<vmem>>, vector<16xf32>,
          tpu.vector_store %arg8[%parallel_loop3A_359, %parallel_loop3A_360, %parallel_loop3A_361, %parallel_loop3A_362], %parallel_loop3A_357 {strides = array<i32>} : memref<2x4x8x128xf32, #tpu.memory_space<vmem>>, vector<16xf32>,
          %parallel_loop3A_364 = arith.constant 80 : i32
          %parallel_loop3A_365 = arith.addi %add3A_242, %parallel_loop3A_364 : i32
          %parallel_loop3A_366 = vector.broadcast %parallel_loop3A_365 : i32 to vector<16xi32>
          %parallel_loop3A_367 = arith.addi %parallel_loop3A_366, %iota3A : vector<16xi32>
          %parallel_loop3A_368 = tpu.vector_load_idx %arg7[%parallel_loop3A_367, %parallel_loop3A_268] : memref<2560x32xf32, #tpu.memory_space<vmem>>[vector<16xi32>, vector<16xi32>], vector<16xf32>,
          %parallel_loop3A_369 = arith.constant 1 : i32
          %parallel_loop3A_370 = arith.index_cast %parallel_loop3A_369 : i32 to index
          %parallel_loop3A_371 = arith.index_cast %parallel_loop3A_292 : i32 to index
          %parallel_loop3A_372 = arith.index_cast %parallel_loop3A_308 : i32 to index
          %parallel_loop3A_373 = arith.constant 80 : index
          %parallel_loop3A_374 = tpu.vector_load %arg8[%parallel_loop3A_370, %parallel_loop3A_371, %parallel_loop3A_372, %parallel_loop3A_373] {strides = array<i32>} : memref<2x4x8x128xf32, #tpu.memory_space<vmem>>, vector<16xf32>,
          tpu.vector_store %arg8[%parallel_loop3A_370, %parallel_loop3A_371, %parallel_loop3A_372, %parallel_loop3A_373], %parallel_loop3A_368 {strides = array<i32>} : memref<2x4x8x128xf32, #tpu.memory_space<vmem>>, vector<16xf32>,
          %parallel_loop3A_375 = arith.constant 96 : i32
          %parallel_loop3A_376 = arith.addi %add3A_242, %parallel_loop3A_375 : i32
          %parallel_loop3A_377 = vector.broadcast %parallel_loop3A_376 : i32 to vector<16xi32>
          %parallel_loop3A_378 = arith.addi %parallel_loop3A_377, %iota3A : vector<16xi32>
          %parallel_loop3A_379 = tpu.vector_load_idx %arg7[%parallel_loop3A_378, %parallel_loop3A_268] : memref<2560x32xf32, #tpu.memory_space<vmem>>[vector<16xi32>, vector<16xi32>], vector<16xf32>,
          %parallel_loop3A_380 = arith.constant 1 : i32
          %parallel_loop3A_381 = arith.index_cast %parallel_loop3A_380 : i32 to index
          %parallel_loop3A_382 = arith.index_cast %parallel_loop3A_292 : i32 to index
          %parallel_loop3A_383 = arith.index_cast %parallel_loop3A_308 : i32 to index
          %parallel_loop3A_384 = arith.constant 96 : index
          %parallel_loop3A_385 = tpu.vector_load %arg8[%parallel_loop3A_381, %parallel_loop3A_382, %parallel_loop3A_383, %parallel_loop3A_384] {strides = array<i32>} : memref<2x4x8x128xf32, #tpu.memory_space<vmem>>, vector<16xf32>,
          tpu.vector_store %arg8[%parallel_loop3A_381, %parallel_loop3A_382, %parallel_loop3A_383, %parallel_loop3A_384], %parallel_loop3A_379 {strides = array<i32>} : memref<2x4x8x128xf32, #tpu.memory_space<vmem>>, vector<16xf32>,
          %parallel_loop3A_386 = arith.constant 112 : i32
          %parallel_loop3A_387 = arith.addi %add3A_242, %parallel_loop3A_386 : i32
          %parallel_loop3A_388 = vector.broadcast %parallel_loop3A_387 : i32 to vector<16xi32>
          %parallel_loop3A_389 = arith.addi %parallel_loop3A_388, %iota3A : vector<16xi32>
          %parallel_loop3A_390 = tpu.vector_load_idx %arg7[%parallel_loop3A_389, %parallel_loop3A_268] : memref<2560x32xf32, #tpu.memory_space<vmem>>[vector<16xi32>, vector<16xi32>], vector<16xf32>,
          %parallel_loop3A_391 = arith.constant 1 : i32
          %parallel_loop3A_392 = arith.index_cast %parallel_loop3A_391 : i32 to index
          %parallel_loop3A_393 = arith.index_cast %parallel_loop3A_292 : i32 to index
          %parallel_loop3A_394 = arith.index_cast %parallel_loop3A_308 : i32 to index
          %parallel_loop3A_395 = arith.constant 112 : index
          %parallel_loop3A_396 = tpu.vector_load %arg8[%parallel_loop3A_392, %parallel_loop3A_393, %parallel_loop3A_394, %parallel_loop3A_395] {strides = array<i32>} : memref<2x4x8x128xf32, #tpu.memory_space<vmem>>, vector<16xf32>,
          tpu.vector_store %arg8[%parallel_loop3A_392, %parallel_loop3A_393, %parallel_loop3A_394, %parallel_loop3A_395], %parallel_loop3A_390 {strides = array<i32>} : memref<2x4x8x128xf32, #tpu.memory_space<vmem>>, vector<16xf32>,
        } {sc.loop_unroll_factor = 8 : i64, sc.parallel_access}
        %dma_start3A_246 = arith.constant 1 : i32
        %dma_start3A_247 = arith.constant 0 : i32
        %dma_start3A_248 = arith.constant 0 : i32
        %dma_start3A_249 = arith.constant 0 : i32
        %dma_start3A_250 = tpu.memref_slice %arg8[%dma_start3A_246, %dma_start3A_247, %dma_start3A_248, %dma_start3A_249] : memref<2x4x8x128xf32, #tpu.memory_space<vmem>> -> memref<1x4x8x128xf32, #tpu.memory_space<vmem>>
        %dma_start3A_251 = tpu.memref_squeeze %dma_start3A_250 : memref<1x4x8x128xf32, #tpu.memory_space<vmem>> -> memref<4x8x128xf32, #tpu.memory_space<vmem>>
        %dma_start3A_252 = arith.constant 0 : i32
        %dma_start3A_253 = arith.constant 0 : i32
        %dma_start3A_254 = arith.constant 0 : i32
        %dma_start3A_255 = tpu.memref_slice %arg4[%add3A_230, %dma_start3A_252, %add3A_91, %dma_start3A_253, %dma_start3A_254] : memref<50x4x128x8x128xf32, #tpu.memory_space<hbm>> -> memref<1x4x1x8x128xf32, #tpu.memory_space<hbm>>
        %dma_start3A_256 = tpu.memref_squeeze %dma_start3A_255 : memref<1x4x1x8x128xf32, #tpu.memory_space<hbm>> -> memref<4x8x128xf32, #tpu.memory_space<hbm>>
        %dma_start3A_257 = arith.constant 0 : i32
        %dma_start3A_258 = arith.constant 0 : i32
        %dma_start3A_259 = arith.constant 0 : i32
        %dma_start3A_260 = tpu.memref_slice %arg4[%add3A_230, %dma_start3A_257, %add3A_91, %dma_start3A_258, %dma_start3A_259] : memref<50x4x128x8x128xf32, #tpu.memory_space<hbm>> -> memref<1x4x1x8x128xf32, #tpu.memory_space<hbm>>
        %dma_start3A_261 = tpu.memref_squeeze %dma_start3A_260 : memref<1x4x1x8x128xf32, #tpu.memory_space<hbm>> -> memref<4x8x128xf32, #tpu.memory_space<hbm>>
        %dma_start3A_262 = arith.constant 0 : i32
        %dma_start3A_263 = arith.constant 0 : i32
        %dma_start3A_264 = arith.constant 0 : i32
        %dma_start3A_265 = tpu.memref_slice %arg8[%dma_start3A_246, %dma_start3A_262, %dma_start3A_263, %dma_start3A_264] : memref<2x4x8x128xf32, #tpu.memory_space<vmem>> -> memref<1x4x8x128xf32, #tpu.memory_space<vmem>>
        %dma_start3A_266 = tpu.memref_squeeze %dma_start3A_265 : memref<1x4x8x128xf32, #tpu.memory_space<vmem>> -> memref<4x8x128xf32, #tpu.memory_space<vmem>>
        tpu.enqueue_dma source(%dma_start3A_266 : memref<4x8x128xf32, #tpu.memory_space<vmem>>) target(%dma_start3A_261 : memref<4x8x128xf32, #tpu.memory_space<hbm>>) target_semaphore(%arg12 : memref<!tpu.dma_semaphore, #tpu.memory_space<semaphore_mem>>)
      }
      %scan3A_112 = arith.constant 5 : i32
      %mul3A_113 = arith.constant 2 : i32
      %mul3A_114 = arith.muli %scan3A_52, %mul3A_113 : i32
      %add3A_115 = arith.constant 1 : i32
      %add3A_116 = arith.addi %mul3A_114, %add3A_115 : i32
      %jit3A_117 = arith.constant 5 : i32
      %div3A_118 = arith.divsi %add3A_116, %jit3A_117 : i32
      %sign3A_119 = arith.constant 0 : i32
      %sign3A_120 = arith.cmpi sgt, %add3A_116, %sign3A_119 : i32
      %sign3A_121 = arith.extui %sign3A_120 : i1 to i32
      %sign3A_122 = arith.constant 0 : i32
      %sign3A_123 = arith.cmpi slt, %add3A_116, %sign3A_122 : i32
      %sign3A_124 = arith.extui %sign3A_123 : i1 to i32
      %sign3A_125 = arith.subi %sign3A_121, %sign3A_124 : i32
      %sign3A_126 = arith.constant 0 : i32
      %sign3A_127 = arith.cmpi sgt, %jit3A_117, %sign3A_126 : i32
      %sign3A_128 = arith.extui %sign3A_127 : i1 to i32
      %sign3A_129 = arith.constant 0 : i32
      %sign3A_130 = arith.cmpi slt, %jit3A_117, %sign3A_129 : i32
      %sign3A_131 = arith.extui %sign3A_130 : i1 to i32
      %sign3A_132 = arith.subi %sign3A_128, %sign3A_131 : i32
      %ne3A_133 = arith.cmpi ne, %sign3A_125, %sign3A_132 : i32
      %rem3A_134 = arith.remsi %add3A_116, %jit3A_117 : i32
      %ne3A_135 = arith.constant 0 : i32
      %ne3A_136 = arith.cmpi ne, %rem3A_134, %ne3A_135 : i32
      %and3A_137 = arith.andi %ne3A_133, %ne3A_136 : i1
      %sub3A_138 = arith.constant 1 : i32
      %sub3A_139 = arith.subi %div3A_118, %sub3A_138 : i32
      %select_n3A_140 = arith.select %and3A_137, %sub3A_139, %div3A_118 : i32
      %jit3A_141 = arith.constant 5 : i32
      %eq3A_142 = arith.constant 0 : i32
      %eq3A_143 = arith.cmpi eq, %jit3A_141, %eq3A_142 : i32
      %jit3A_144 = arith.constant 1 : i32
      %select_n3A_145 = arith.select %eq3A_143, %jit3A_144, %jit3A_141 : i32
      %rem3A_146 = arith.remsi %add3A_116, %select_n3A_145 : i32
      %ne3A_147 = arith.constant 0 : i32
      %ne3A_148 = arith.cmpi ne, %rem3A_146, %ne3A_147 : i32
      %lt3A_149 = arith.constant 0 : i32
      %lt3A_150 = arith.cmpi slt, %rem3A_146, %lt3A_149 : i32
      %lt3A_151 = arith.constant 0 : i32
      %lt3A_152 = arith.cmpi slt, %select_n3A_145, %lt3A_151 : i32
      %ne3A_153 = arith.xori %lt3A_150, %lt3A_152 : i1
      %and3A_154 = arith.andi %ne3A_153, %ne3A_148 : i1
      %add3A_155 = arith.addi %rem3A_146, %select_n3A_145 : i32
      %select_n3A_156 = arith.select %and3A_154, %add3A_155, %rem3A_146 : i32
      %mul3A_157 = arith.constant 10 : i32
      %mul3A_158 = arith.muli %select_n3A_156, %mul3A_157 : i32
      %mul3A_159 = arith.constant 4 : i32
      %mul3A_160 = arith.muli %add3A, %mul3A_159 : i32
      %add3A_161 = arith.addi %mul3A_160, %select_n3A_140 : i32
      %lt3A_162 = arith.constant 19 : i32
      %lt3A_163 = arith.cmpi slt, %add3A_116, %lt3A_162 : i32
      %convert_element_type3A_164 = arith.extui %lt3A_163 : i1 to i32
      %cond3A_165 = arith.constant 0 : i32
      %cond3A_166 = arith.cmpi ne, %convert_element_type3A_164, %cond3A_165 : i32
      scf.if %cond3A_166 {
        %add3A_185 = arith.constant 1 : i32
        %add3A_186 = arith.addi %add3A_116, %add3A_185 : i32
        %jit3A_187 = arith.constant 5 : i32
        %div3A_188 = arith.divsi %add3A_186, %jit3A_187 : i32
        %sign3A_189 = arith.constant 0 : i32
        %sign3A_190 = arith.cmpi sgt, %add3A_186, %sign3A_189 : i32
        %sign3A_191 = arith.extui %sign3A_190 : i1 to i32
        %sign3A_192 = arith.constant 0 : i32
        %sign3A_193 = arith.cmpi slt, %add3A_186, %sign3A_192 : i32
        %sign3A_194 = arith.extui %sign3A_193 : i1 to i32
        %sign3A_195 = arith.subi %sign3A_191, %sign3A_194 : i32
        %sign3A_196 = arith.constant 0 : i32
        %sign3A_197 = arith.cmpi sgt, %jit3A_187, %sign3A_196 : i32
        %sign3A_198 = arith.extui %sign3A_197 : i1 to i32
        %sign3A_199 = arith.constant 0 : i32
        %sign3A_200 = arith.cmpi slt, %jit3A_187, %sign3A_199 : i32
        %sign3A_201 = arith.extui %sign3A_200 : i1 to i32
        %sign3A_202 = arith.subi %sign3A_198, %sign3A_201 : i32
        %ne3A_203 = arith.cmpi ne, %sign3A_195, %sign3A_202 : i32
        %rem3A_204 = arith.remsi %add3A_186, %jit3A_187 : i32
        %ne3A_205 = arith.constant 0 : i32
        %ne3A_206 = arith.cmpi ne, %rem3A_204, %ne3A_205 : i32
        %and3A_207 = arith.andi %ne3A_203, %ne3A_206 : i1
        %sub3A_208 = arith.constant 1 : i32
        %sub3A_209 = arith.subi %div3A_188, %sub3A_208 : i32
        %select_n3A_210 = arith.select %and3A_207, %sub3A_209, %div3A_188 : i32
        %jit3A_211 = arith.constant 5 : i32
        %eq3A_212 = arith.constant 0 : i32
        %eq3A_213 = arith.cmpi eq, %jit3A_211, %eq3A_212 : i32
        %jit3A_214 = arith.constant 1 : i32
        %select_n3A_215 = arith.select %eq3A_213, %jit3A_214, %jit3A_211 : i32
        %rem3A_216 = arith.remsi %add3A_186, %select_n3A_215 : i32
        %ne3A_217 = arith.constant 0 : i32
        %ne3A_218 = arith.cmpi ne, %rem3A_216, %ne3A_217 : i32
        %lt3A_219 = arith.constant 0 : i32
        %lt3A_220 = arith.cmpi slt, %rem3A_216, %lt3A_219 : i32
        %lt3A_221 = arith.constant 0 : i32
        %lt3A_222 = arith.cmpi slt, %select_n3A_215, %lt3A_221 : i32
        %ne3A_223 = arith.xori %lt3A_220, %lt3A_222 : i1
        %and3A_224 = arith.andi %ne3A_223, %ne3A_218 : i1
        %add3A_225 = arith.addi %rem3A_216, %select_n3A_215 : i32
        %select_n3A_226 = arith.select %and3A_224, %add3A_225, %rem3A_216 : i32
        %mul3A_227 = arith.constant 10 : i32
        %mul3A_228 = arith.muli %select_n3A_226, %mul3A_227 : i32
        %mul3A_229 = arith.constant 6400 : i32
        %mul3A_230 = arith.muli %select_n3A_210, %mul3A_229 : i32
        %add3A_231 = arith.addi %mul3A_230, %mul3A_228 : i32
        %parallel_loop3A_232 = arith.constant 0 : i32
        %parallel_loop3A_233 = arith.constant 80 : i32
        %parallel_loop3A_234 = arith.constant 1 : i32
        scf.for %parallel_loop3A_245 = %parallel_loop3A_232 to %parallel_loop3A_233 step %parallel_loop3A_234  : i32 {
          %parallel_loop3A_246 = arith.constant 8 : i32
          %parallel_loop3A_247 = arith.divsi %parallel_loop3A_245, %parallel_loop3A_246 : i32
          %parallel_loop3A_248 = arith.constant 0 : i32
          %parallel_loop3A_249 = arith.cmpi sgt, %parallel_loop3A_245, %parallel_loop3A_248 : i32
          %parallel_loop3A_250 = arith.extui %parallel_loop3A_249 : i1 to i32
          %parallel_loop3A_251 = arith.constant 0 : i32
          %parallel_loop3A_252 = arith.cmpi slt, %parallel_loop3A_245, %parallel_loop3A_251 : i32
          %parallel_loop3A_253 = arith.extui %parallel_loop3A_252 : i1 to i32
          %parallel_loop3A_254 = arith.subi %parallel_loop3A_250, %parallel_loop3A_253 : i32
          %parallel_loop3A_255 = arith.constant 0 : i32
          %parallel_loop3A_256 = arith.cmpi sgt, %parallel_loop3A_246, %parallel_loop3A_255 : i32
          %parallel_loop3A_257 = arith.extui %parallel_loop3A_256 : i1 to i32
          %parallel_loop3A_258 = arith.constant 0 : i32
          %parallel_loop3A_259 = arith.cmpi slt, %parallel_loop3A_246, %parallel_loop3A_258 : i32
          %parallel_loop3A_260 = arith.extui %parallel_loop3A_259 : i1 to i32
          %parallel_loop3A_261 = arith.subi %parallel_loop3A_257, %parallel_loop3A_260 : i32
          %parallel_loop3A_262 = arith.cmpi ne, %parallel_loop3A_254, %parallel_loop3A_261 : i32
          %parallel_loop3A_263 = arith.remsi %parallel_loop3A_245, %parallel_loop3A_246 : i32
          %parallel_loop3A_264 = arith.constant 0 : i32
          %parallel_loop3A_265 = arith.cmpi ne, %parallel_loop3A_263, %parallel_loop3A_264 : i32
          %parallel_loop3A_266 = arith.andi %parallel_loop3A_262, %parallel_loop3A_265 : i1
          %parallel_loop3A_267 = arith.constant 1 : i32
          %parallel_loop3A_268 = arith.subi %parallel_loop3A_247, %parallel_loop3A_267 : i32
          %parallel_loop3A_269 = arith.select %parallel_loop3A_266, %parallel_loop3A_268, %parallel_loop3A_247 : i32
          %parallel_loop3A_270 = arith.constant 8 : i32
          %parallel_loop3A_271 = arith.constant 0 : i32
          %parallel_loop3A_272 = arith.cmpi eq, %parallel_loop3A_270, %parallel_loop3A_271 : i32
          %parallel_loop3A_273 = arith.constant 1 : i32
          %parallel_loop3A_274 = arith.select %parallel_loop3A_272, %parallel_loop3A_273, %parallel_loop3A_270 : i32
          %parallel_loop3A_275 = arith.remsi %parallel_loop3A_245, %parallel_loop3A_274 : i32
          %parallel_loop3A_276 = arith.constant 0 : i32
          %parallel_loop3A_277 = arith.cmpi ne, %parallel_loop3A_275, %parallel_loop3A_276 : i32
          %parallel_loop3A_278 = arith.constant 0 : i32
          %parallel_loop3A_279 = arith.cmpi slt, %parallel_loop3A_275, %parallel_loop3A_278 : i32
          %parallel_loop3A_280 = arith.constant 0 : i32
          %parallel_loop3A_281 = arith.cmpi slt, %parallel_loop3A_274, %parallel_loop3A_280 : i32
          %parallel_loop3A_282 = arith.xori %parallel_loop3A_279, %parallel_loop3A_281 : i1
          %parallel_loop3A_283 = arith.andi %parallel_loop3A_282, %parallel_loop3A_277 : i1
          %parallel_loop3A_284 = arith.addi %parallel_loop3A_275, %parallel_loop3A_274 : i32
          %parallel_loop3A_285 = arith.select %parallel_loop3A_283, %parallel_loop3A_284, %parallel_loop3A_275 : i32
          %parallel_loop3A_286 = arith.addi %add3A_231, %parallel_loop3A_269 : i32
          %parallel_loop3A_287 = arith.constant 16 : i32
          %parallel_loop3A_288 = arith.muli %parallel_loop3A_285, %parallel_loop3A_287 : i32
          %parallel_loop3A_289 = arith.constant 50 : i32
          %parallel_loop3A_290 = arith.muli %parallel_loop3A_288, %parallel_loop3A_289 : i32
          %parallel_loop3A_291 = arith.addi %parallel_loop3A_286, %parallel_loop3A_290 : i32
          %parallel_loop3A_292 = arith.constant 50 : i32
          %parallel_loop3A_293 = vector.broadcast %parallel_loop3A_292 : i32 to vector<16xi32>
          %parallel_loop3A_294 = arith.muli %iota3A, %parallel_loop3A_293 : vector<16xi32>
          %parallel_loop3A_295 = vector.broadcast %parallel_loop3A_291 : i32 to vector<16xi32>
          %parallel_loop3A_296 = arith.addi %parallel_loop3A_295, %parallel_loop3A_294 : vector<16xi32>
          %parallel_loop3A_297 = tpu.vector_load_idx %arg5[%parallel_loop3A_296] : memref<25600xi32, #tpu.memory_space<vmem>>[vector<16xi32>], vector<16xi32>,
          %parallel_loop3A_298 = arith.constant 0 : i32
          %parallel_loop3A_299 = vector.broadcast %parallel_loop3A_298 : i32 to vector<16xi32>
          %parallel_loop3A_300 = arith.constant 128 : i32
          %parallel_loop3A_301 = arith.muli %parallel_loop3A_269, %parallel_loop3A_300 : i32
          %parallel_loop3A_302 = arith.constant 16 : i32
          %parallel_loop3A_303 = arith.muli %parallel_loop3A_285, %parallel_loop3A_302 : i32
          %parallel_loop3A_304 = arith.addi %parallel_loop3A_301, %parallel_loop3A_303 : i32
          %parallel_loop3A_305 = vector.broadcast %parallel_loop3A_304 : i32 to vector<16xi32>
          %parallel_loop3A_306 = arith.addi %parallel_loop3A_305, %iota3A : vector<16xi32>
          tpu.vector_store_idx %arg6[%parallel_loop3A_299, %parallel_loop3A_306], %parallel_loop3A_297 : memref<2x1280xi32, #tpu.memory_space<vmem>>[vector<16xi32>, vector<16xi32>], vector<16xi32>,
        } {sc.loop_unroll_factor = 4 : i64, sc.parallel_access}
        %dma_start3A_235 = arith.constant 0 : i32
        %dma_start3A_236 = arith.constant 0 : i32
        %dma_start3A_237 = arith.constant 0 : i32
        %dma_start3A_238 = tpu.memref_slice %arg7[%dma_start3A_236, %dma_start3A_237] : memref<2560x32xf32, #tpu.memory_space<vmem>> -> memref<1280x32xf32, #tpu.memory_space<vmem>>
        %dma_start3A_239 = arith.constant 0 : i32
        %dma_start3A_240 = tpu.memref_slice %arg6[%dma_start3A_235, %dma_start3A_239] : memref<2x1280xi32, #tpu.memory_space<vmem>> -> memref<1x1280xi32, #tpu.memory_space<vmem>>
        %dma_start3A_241 = tpu.memref_squeeze %dma_start3A_240 : memref<1x1280xi32, #tpu.memory_space<vmem>> -> memref<1280xi32, #tpu.memory_space<vmem>>
        %dma_start3A_242 = arith.constant 0 : i32
        %dma_start3A_243 = arith.constant 0 : i32
        %dma_start3A_244 = tpu.memref_slice %arg3[%dma_start3A_242, %dma_start3A_243] : memref<1000000x32xf32, #tpu.memory_space<hbm>> -> memref<1000000x32xf32, #tpu.memory_space<hbm>>
        tpu.enqueue_indirect_dma source(%dma_start3A_244 : memref<1000000x32xf32, #tpu.memory_space<hbm>>) target(%dma_start3A_238 : memref<1280x32xf32, #tpu.memory_space<vmem>>) offsets(%dma_start3A_241 : memref<1280xi32, #tpu.memory_space<vmem>>) semaphore(%arg9 : memref<!tpu.dma_semaphore, #tpu.memory_space<semaphore_mem>>)
      } else {
      }
      %dma_wait3A_167 = arith.constant 0 : i32
      %dma_wait3A_168 = arith.constant 0 : i32
      %dma_wait3A_169 = tpu.memref_slice %arg7[%dma_wait3A_167, %dma_wait3A_168] : memref<2560x32xf32, #tpu.memory_space<vmem>> -> memref<1280x32xf32, #tpu.memory_space<vmem>>
      %dma_wait3A_170 = arith.constant 0 : i32
      %dma_wait3A_171 = arith.constant 0 : i32
      %dma_wait3A_172 = tpu.memref_slice %arg3[%dma_wait3A_170, %dma_wait3A_171] : memref<1000000x32xf32, #tpu.memory_space<hbm>> -> memref<1280x32xf32, #tpu.memory_space<hbm>>
      %dma_wait3A_173 = arith.constant 0 : i32
      %dma_wait3A_174 = arith.constant 0 : i32
      %dma_wait3A_175 = tpu.memref_slice %arg7[%dma_wait3A_173, %dma_wait3A_174] : memref<2560x32xf32, #tpu.memory_space<vmem>> -> memref<1280x32xf32, #tpu.memory_space<vmem>>
      %dma_wait3A_176 = arith.constant 0 : i32
      %dma_wait3A_177 = arith.constant 0 : i32
      %dma_wait3A_178 = tpu.memref_slice %arg3[%dma_wait3A_176, %dma_wait3A_177] : memref<1000000x32xf32, #tpu.memory_space<hbm>> -> memref<1280x32xf32, #tpu.memory_space<hbm>>
      tpu.wait_dma2 semaphore(%arg10 : memref<!tpu.dma_semaphore, #tpu.memory_space<semaphore_mem>>) src(%dma_wait3A_178 : memref<1280x32xf32, #tpu.memory_space<hbm>>) dst(%dma_wait3A_175 : memref<1280x32xf32, #tpu.memory_space<vmem>>)
      %scan3A_179 = arith.constant 0 : i32
      %scan3A_180 = arith.constant 0 : i32
      %scan3A_181 = arith.constant 5 : i32
      %scan3A_182 = arith.addi %scan3A_180, %scan3A_181 : i32
      %scan3A_183 = arith.constant 1 : i32
      scf.for %scan3A_185 = %scan3A_180 to %scan3A_182 step %scan3A_183  : i32 {
        %mul3A_186 = arith.constant 2 : i32
        %mul3A_187 = arith.muli %scan3A_185, %mul3A_186 : i32
        %add3A_188 = arith.constant 0 : i32
        %add3A_189 = arith.addi %mul3A_187, %add3A_188 : i32
        %add3A_190 = arith.addi %mul3A_158, %add3A_189 : i32
        %mul3A_191 = arith.constant 10 : i32
        %mul3A_192 = arith.muli %add3A_116, %mul3A_191 : i32
        %add3A_193 = arith.addi %mul3A_192, %add3A_189 : i32
        %ge3A = arith.constant 2 : i32
        %ge3A_194 = arith.cmpi sge, %add3A_193, %ge3A : i32
        %convert_element_type3A_195 = arith.extui %ge3A_194 : i1 to i32
        %cond3A_196 = arith.constant 0 : i32
        %cond3A_197 = arith.cmpi ne, %convert_element_type3A_195, %cond3A_196 : i32
        scf.if %cond3A_197 {
          %dma_wait3A_267 = arith.constant 0 : i32
          %dma_wait3A_268 = arith.constant 0 : i32
          %dma_wait3A_269 = arith.constant 0 : i32
          %dma_wait3A_270 = arith.constant 0 : i32
          %dma_wait3A_271 = tpu.memref_slice %arg8[%dma_wait3A_267, %dma_wait3A_268, %dma_wait3A_269, %dma_wait3A_270] : memref<2x4x8x128xf32, #tpu.memory_space<vmem>> -> memref<1x4x8x128xf32, #tpu.memory_space<vmem>>
          %dma_wait3A_272 = tpu.memref_squeeze %dma_wait3A_271 : memref<1x4x8x128xf32, #tpu.memory_space<vmem>> -> memref<4x8x128xf32, #tpu.memory_space<vmem>>
          %dma_wait3A_273 = arith.constant 0 : i32
          %dma_wait3A_274 = arith.constant 0 : i32
          %dma_wait3A_275 = tpu.memref_slice %arg3[%dma_wait3A_273, %dma_wait3A_274] : memref<1000000x32xf32, #tpu.memory_space<hbm>> -> memref<128x32xf32, #tpu.memory_space<hbm>>
          %dma_wait3A_276 = arith.constant 0 : i32
          %dma_wait3A_277 = arith.constant 0 : i32
          %dma_wait3A_278 = arith.constant 0 : i32
          %dma_wait3A_279 = tpu.memref_slice %arg8[%dma_wait3A_267, %dma_wait3A_276, %dma_wait3A_277, %dma_wait3A_278] : memref<2x4x8x128xf32, #tpu.memory_space<vmem>> -> memref<1x4x8x128xf32, #tpu.memory_space<vmem>>
          %dma_wait3A_280 = tpu.memref_squeeze %dma_wait3A_279 : memref<1x4x8x128xf32, #tpu.memory_space<vmem>> -> memref<4x8x128xf32, #tpu.memory_space<vmem>>
          %dma_wait3A_281 = arith.constant 0 : i32
          %dma_wait3A_282 = arith.constant 0 : i32
          %dma_wait3A_283 = tpu.memref_slice %arg3[%dma_wait3A_281, %dma_wait3A_282] : memref<1000000x32xf32, #tpu.memory_space<hbm>> -> memref<128x32xf32, #tpu.memory_space<hbm>>
          tpu.wait_dma2 semaphore(%arg11 : memref<!tpu.dma_semaphore, #tpu.memory_space<semaphore_mem>>) src(%dma_wait3A_283 : memref<128x32xf32, #tpu.memory_space<hbm>>) dst(%dma_wait3A_280 : memref<4x8x128xf32, #tpu.memory_space<vmem>>)
        } else {
        }
        %mul3A_198 = arith.constant 128 : i32
        %mul3A_199 = arith.muli %add3A_189, %mul3A_198 : i32
        %add3A_200 = arith.constant 1280 : i32
        %add3A_201 = arith.addi %add3A_200, %mul3A_199 : i32
        %parallel_loop3A_202 = arith.constant 0 : i32
        %parallel_loop3A_203 = arith.constant 32 : i32
        %parallel_loop3A_204 = arith.constant 1 : i32
        scf.for %parallel_loop3A_267 = %parallel_loop3A_202 to %parallel_loop3A_203 step %parallel_loop3A_204  : i32 {
          %parallel_loop3A_268 = vector.broadcast %parallel_loop3A_267 : i32 to vector<16xi32>
          %parallel_loop3A_269 = arith.constant 8 : i32
          %parallel_loop3A_270 = arith.divsi %parallel_loop3A_267, %parallel_loop3A_269 : i32
          %parallel_loop3A_271 = arith.constant 0 : i32
          %parallel_loop3A_272 = arith.cmpi sgt, %parallel_loop3A_267, %parallel_loop3A_271 : i32
          %parallel_loop3A_273 = arith.extui %parallel_loop3A_272 : i1 to i32
          %parallel_loop3A_274 = arith.constant 0 : i32
          %parallel_loop3A_275 = arith.cmpi slt, %parallel_loop3A_267, %parallel_loop3A_274 : i32
          %parallel_loop3A_276 = arith.extui %parallel_loop3A_275 : i1 to i32
          %parallel_loop3A_277 = arith.subi %parallel_loop3A_273, %parallel_loop3A_276 : i32
          %parallel_loop3A_278 = arith.constant 0 : i32
          %parallel_loop3A_279 = arith.cmpi sgt, %parallel_loop3A_269, %parallel_loop3A_278 : i32
          %parallel_loop3A_280 = arith.extui %parallel_loop3A_279 : i1 to i32
          %parallel_loop3A_281 = arith.constant 0 : i32
          %parallel_loop3A_282 = arith.cmpi slt, %parallel_loop3A_269, %parallel_loop3A_281 : i32
          %parallel_loop3A_283 = arith.extui %parallel_loop3A_282 : i1 to i32
          %parallel_loop3A_284 = arith.subi %parallel_loop3A_280, %parallel_loop3A_283 : i32
          %parallel_loop3A_285 = arith.cmpi ne, %parallel_loop3A_277, %parallel_loop3A_284 : i32
          %parallel_loop3A_286 = arith.remsi %parallel_loop3A_267, %parallel_loop3A_269 : i32
          %parallel_loop3A_287 = arith.constant 0 : i32
          %parallel_loop3A_288 = arith.cmpi ne, %parallel_loop3A_286, %parallel_loop3A_287 : i32
          %parallel_loop3A_289 = arith.andi %parallel_loop3A_285, %parallel_loop3A_288 : i1
          %parallel_loop3A_290 = arith.constant 1 : i32
          %parallel_loop3A_291 = arith.subi %parallel_loop3A_270, %parallel_loop3A_290 : i32
          %parallel_loop3A_292 = arith.select %parallel_loop3A_289, %parallel_loop3A_291, %parallel_loop3A_270 : i32
          %parallel_loop3A_293 = arith.constant 8 : i32
          %parallel_loop3A_294 = arith.constant 0 : i32
          %parallel_loop3A_295 = arith.cmpi eq, %parallel_loop3A_293, %parallel_loop3A_294 : i32
          %parallel_loop3A_296 = arith.constant 1 : i32
          %parallel_loop3A_297 = arith.select %parallel_loop3A_295, %parallel_loop3A_296, %parallel_loop3A_293 : i32
          %parallel_loop3A_298 = arith.remsi %parallel_loop3A_267, %parallel_loop3A_297 : i32
          %parallel_loop3A_299 = arith.constant 0 : i32
          %parallel_loop3A_300 = arith.cmpi ne, %parallel_loop3A_298, %parallel_loop3A_299 : i32
          %parallel_loop3A_301 = arith.constant 0 : i32
          %parallel_loop3A_302 = arith.cmpi slt, %parallel_loop3A_298, %parallel_loop3A_301 : i32
          %parallel_loop3A_303 = arith.constant 0 : i32
          %parallel_loop3A_304 = arith.cmpi slt, %parallel_loop3A_297, %parallel_loop3A_303 : i32
          %parallel_loop3A_305 = arith.xori %parallel_loop3A_302, %parallel_loop3A_304 : i1
          %parallel_loop3A_306 = arith.andi %parallel_loop3A_305, %parallel_loop3A_300 : i1
          %parallel_loop3A_307 = arith.addi %parallel_loop3A_298, %parallel_loop3A_297 : i32
          %parallel_loop3A_308 = arith.select %parallel_loop3A_306, %parallel_loop3A_307, %parallel_loop3A_298 : i32
          %parallel_loop3A_309 = arith.constant 0 : i32
          %parallel_loop3A_310 = arith.addi %add3A_201, %parallel_loop3A_309 : i32
          %parallel_loop3A_311 = vector.broadcast %parallel_loop3A_310 : i32 to vector<16xi32>
          %parallel_loop3A_312 = arith.addi %parallel_loop3A_311, %iota3A : vector<16xi32>
          %parallel_loop3A_313 = tpu.vector_load_idx %arg7[%parallel_loop3A_312, %parallel_loop3A_268] : memref<2560x32xf32, #tpu.memory_space<vmem>>[vector<16xi32>, vector<16xi32>], vector<16xf32>,
          %parallel_loop3A_314 = arith.constant 0 : i32
          %parallel_loop3A_315 = arith.index_cast %parallel_loop3A_314 : i32 to index
          %parallel_loop3A_316 = arith.index_cast %parallel_loop3A_292 : i32 to index
          %parallel_loop3A_317 = arith.index_cast %parallel_loop3A_308 : i32 to index
          %parallel_loop3A_318 = arith.constant 0 : index
          %parallel_loop3A_319 = tpu.vector_load %arg8[%parallel_loop3A_315, %parallel_loop3A_316, %parallel_loop3A_317, %parallel_loop3A_318] {strides = array<i32>} : memref<2x4x8x128xf32, #tpu.memory_space<vmem>>, vector<16xf32>,
          tpu.vector_store %arg8[%parallel_loop3A_315, %parallel_loop3A_316, %parallel_loop3A_317, %parallel_loop3A_318], %parallel_loop3A_313 {strides = array<i32>} : memref<2x4x8x128xf32, #tpu.memory_space<vmem>>, vector<16xf32>,
          %parallel_loop3A_320 = arith.constant 16 : i32
          %parallel_loop3A_321 = arith.addi %add3A_201, %parallel_loop3A_320 : i32
          %parallel_loop3A_322 = vector.broadcast %parallel_loop3A_321 : i32 to vector<16xi32>
          %parallel_loop3A_323 = arith.addi %parallel_loop3A_322, %iota3A : vector<16xi32>
          %parallel_loop3A_324 = tpu.vector_load_idx %arg7[%parallel_loop3A_323, %parallel_loop3A_268] : memref<2560x32xf32, #tpu.memory_space<vmem>>[vector<16xi32>, vector<16xi32>], vector<16xf32>,
          %parallel_loop3A_325 = arith.constant 0 : i32
          %parallel_loop3A_326 = arith.index_cast %parallel_loop3A_325 : i32 to index
          %parallel_loop3A_327 = arith.index_cast %parallel_loop3A_292 : i32 to index
          %parallel_loop3A_328 = arith.index_cast %parallel_loop3A_308 : i32 to index
          %parallel_loop3A_329 = arith.constant 16 : index
          %parallel_loop3A_330 = tpu.vector_load %arg8[%parallel_loop3A_326, %parallel_loop3A_327, %parallel_loop3A_328, %parallel_loop3A_329] {strides = array<i32>} : memref<2x4x8x128xf32, #tpu.memory_space<vmem>>, vector<16xf32>,
          tpu.vector_store %arg8[%parallel_loop3A_326, %parallel_loop3A_327, %parallel_loop3A_328, %parallel_loop3A_329], %parallel_loop3A_324 {strides = array<i32>} : memref<2x4x8x128xf32, #tpu.memory_space<vmem>>, vector<16xf32>,
          %parallel_loop3A_331 = arith.constant 32 : i32
          %parallel_loop3A_332 = arith.addi %add3A_201, %parallel_loop3A_331 : i32
          %parallel_loop3A_333 = vector.broadcast %parallel_loop3A_332 : i32 to vector<16xi32>
          %parallel_loop3A_334 = arith.addi %parallel_loop3A_333, %iota3A : vector<16xi32>
          %parallel_loop3A_335 = tpu.vector_load_idx %arg7[%parallel_loop3A_334, %parallel_loop3A_268] : memref<2560x32xf32, #tpu.memory_space<vmem>>[vector<16xi32>, vector<16xi32>], vector<16xf32>,
          %parallel_loop3A_336 = arith.constant 0 : i32
          %parallel_loop3A_337 = arith.index_cast %parallel_loop3A_336 : i32 to index
          %parallel_loop3A_338 = arith.index_cast %parallel_loop3A_292 : i32 to index
          %parallel_loop3A_339 = arith.index_cast %parallel_loop3A_308 : i32 to index
          %parallel_loop3A_340 = arith.constant 32 : index
          %parallel_loop3A_341 = tpu.vector_load %arg8[%parallel_loop3A_337, %parallel_loop3A_338, %parallel_loop3A_339, %parallel_loop3A_340] {strides = array<i32>} : memref<2x4x8x128xf32, #tpu.memory_space<vmem>>, vector<16xf32>,
          tpu.vector_store %arg8[%parallel_loop3A_337, %parallel_loop3A_338, %parallel_loop3A_339, %parallel_loop3A_340], %parallel_loop3A_335 {strides = array<i32>} : memref<2x4x8x128xf32, #tpu.memory_space<vmem>>, vector<16xf32>,
          %parallel_loop3A_342 = arith.constant 48 : i32
          %parallel_loop3A_343 = arith.addi %add3A_201, %parallel_loop3A_342 : i32
          %parallel_loop3A_344 = vector.broadcast %parallel_loop3A_343 : i32 to vector<16xi32>
          %parallel_loop3A_345 = arith.addi %parallel_loop3A_344, %iota3A : vector<16xi32>
          %parallel_loop3A_346 = tpu.vector_load_idx %arg7[%parallel_loop3A_345, %parallel_loop3A_268] : memref<2560x32xf32, #tpu.memory_space<vmem>>[vector<16xi32>, vector<16xi32>], vector<16xf32>,
          %parallel_loop3A_347 = arith.constant 0 : i32
          %parallel_loop3A_348 = arith.index_cast %parallel_loop3A_347 : i32 to index
          %parallel_loop3A_349 = arith.index_cast %parallel_loop3A_292 : i32 to index
          %parallel_loop3A_350 = arith.index_cast %parallel_loop3A_308 : i32 to index
          %parallel_loop3A_351 = arith.constant 48 : index
          %parallel_loop3A_352 = tpu.vector_load %arg8[%parallel_loop3A_348, %parallel_loop3A_349, %parallel_loop3A_350, %parallel_loop3A_351] {strides = array<i32>} : memref<2x4x8x128xf32, #tpu.memory_space<vmem>>, vector<16xf32>,
          tpu.vector_store %arg8[%parallel_loop3A_348, %parallel_loop3A_349, %parallel_loop3A_350, %parallel_loop3A_351], %parallel_loop3A_346 {strides = array<i32>} : memref<2x4x8x128xf32, #tpu.memory_space<vmem>>, vector<16xf32>,
          %parallel_loop3A_353 = arith.constant 64 : i32
          %parallel_loop3A_354 = arith.addi %add3A_201, %parallel_loop3A_353 : i32
          %parallel_loop3A_355 = vector.broadcast %parallel_loop3A_354 : i32 to vector<16xi32>
          %parallel_loop3A_356 = arith.addi %parallel_loop3A_355, %iota3A : vector<16xi32>
          %parallel_loop3A_357 = tpu.vector_load_idx %arg7[%parallel_loop3A_356, %parallel_loop3A_268] : memref<2560x32xf32, #tpu.memory_space<vmem>>[vector<16xi32>, vector<16xi32>], vector<16xf32>,
          %parallel_loop3A_358 = arith.constant 0 : i32
          %parallel_loop3A_359 = arith.index_cast %parallel_loop3A_358 : i32 to index
          %parallel_loop3A_360 = arith.index_cast %parallel_loop3A_292 : i32 to index
          %parallel_loop3A_361 = arith.index_cast %parallel_loop3A_308 : i32 to index
          %parallel_loop3A_362 = arith.constant 64 : index
          %parallel_loop3A_363 = tpu.vector_load %arg8[%parallel_loop3A_359, %parallel_loop3A_360, %parallel_loop3A_361, %parallel_loop3A_362] {strides = array<i32>} : memref<2x4x8x128xf32, #tpu.memory_space<vmem>>, vector<16xf32>,
          tpu.vector_store %arg8[%parallel_loop3A_359, %parallel_loop3A_360, %parallel_loop3A_361, %parallel_loop3A_362], %parallel_loop3A_357 {strides = array<i32>} : memref<2x4x8x128xf32, #tpu.memory_space<vmem>>, vector<16xf32>,
          %parallel_loop3A_364 = arith.constant 80 : i32
          %parallel_loop3A_365 = arith.addi %add3A_201, %parallel_loop3A_364 : i32
          %parallel_loop3A_366 = vector.broadcast %parallel_loop3A_365 : i32 to vector<16xi32>
          %parallel_loop3A_367 = arith.addi %parallel_loop3A_366, %iota3A : vector<16xi32>
          %parallel_loop3A_368 = tpu.vector_load_idx %arg7[%parallel_loop3A_367, %parallel_loop3A_268] : memref<2560x32xf32, #tpu.memory_space<vmem>>[vector<16xi32>, vector<16xi32>], vector<16xf32>,
          %parallel_loop3A_369 = arith.constant 0 : i32
          %parallel_loop3A_370 = arith.index_cast %parallel_loop3A_369 : i32 to index
          %parallel_loop3A_371 = arith.index_cast %parallel_loop3A_292 : i32 to index
          %parallel_loop3A_372 = arith.index_cast %parallel_loop3A_308 : i32 to index
          %parallel_loop3A_373 = arith.constant 80 : index
          %parallel_loop3A_374 = tpu.vector_load %arg8[%parallel_loop3A_370, %parallel_loop3A_371, %parallel_loop3A_372, %parallel_loop3A_373] {strides = array<i32>} : memref<2x4x8x128xf32, #tpu.memory_space<vmem>>, vector<16xf32>,
          tpu.vector_store %arg8[%parallel_loop3A_370, %parallel_loop3A_371, %parallel_loop3A_372, %parallel_loop3A_373], %parallel_loop3A_368 {strides = array<i32>} : memref<2x4x8x128xf32, #tpu.memory_space<vmem>>, vector<16xf32>,
          %parallel_loop3A_375 = arith.constant 96 : i32
          %parallel_loop3A_376 = arith.addi %add3A_201, %parallel_loop3A_375 : i32
          %parallel_loop3A_377 = vector.broadcast %parallel_loop3A_376 : i32 to vector<16xi32>
          %parallel_loop3A_378 = arith.addi %parallel_loop3A_377, %iota3A : vector<16xi32>
          %parallel_loop3A_379 = tpu.vector_load_idx %arg7[%parallel_loop3A_378, %parallel_loop3A_268] : memref<2560x32xf32, #tpu.memory_space<vmem>>[vector<16xi32>, vector<16xi32>], vector<16xf32>,
          %parallel_loop3A_380 = arith.constant 0 : i32
          %parallel_loop3A_381 = arith.index_cast %parallel_loop3A_380 : i32 to index
          %parallel_loop3A_382 = arith.index_cast %parallel_loop3A_292 : i32 to index
          %parallel_loop3A_383 = arith.index_cast %parallel_loop3A_308 : i32 to index
          %parallel_loop3A_384 = arith.constant 96 : index
          %parallel_loop3A_385 = tpu.vector_load %arg8[%parallel_loop3A_381, %parallel_loop3A_382, %parallel_loop3A_383, %parallel_loop3A_384] {strides = array<i32>} : memref<2x4x8x128xf32, #tpu.memory_space<vmem>>, vector<16xf32>,
          tpu.vector_store %arg8[%parallel_loop3A_381, %parallel_loop3A_382, %parallel_loop3A_383, %parallel_loop3A_384], %parallel_loop3A_379 {strides = array<i32>} : memref<2x4x8x128xf32, #tpu.memory_space<vmem>>, vector<16xf32>,
          %parallel_loop3A_386 = arith.constant 112 : i32
          %parallel_loop3A_387 = arith.addi %add3A_201, %parallel_loop3A_386 : i32
          %parallel_loop3A_388 = vector.broadcast %parallel_loop3A_387 : i32 to vector<16xi32>
          %parallel_loop3A_389 = arith.addi %parallel_loop3A_388, %iota3A : vector<16xi32>
          %parallel_loop3A_390 = tpu.vector_load_idx %arg7[%parallel_loop3A_389, %parallel_loop3A_268] : memref<2560x32xf32, #tpu.memory_space<vmem>>[vector<16xi32>, vector<16xi32>], vector<16xf32>,
          %parallel_loop3A_391 = arith.constant 0 : i32
          %parallel_loop3A_392 = arith.index_cast %parallel_loop3A_391 : i32 to index
          %parallel_loop3A_393 = arith.index_cast %parallel_loop3A_292 : i32 to index
          %parallel_loop3A_394 = arith.index_cast %parallel_loop3A_308 : i32 to index
          %parallel_loop3A_395 = arith.constant 112 : index
          %parallel_loop3A_396 = tpu.vector_load %arg8[%parallel_loop3A_392, %parallel_loop3A_393, %parallel_loop3A_394, %parallel_loop3A_395] {strides = array<i32>} : memref<2x4x8x128xf32, #tpu.memory_space<vmem>>, vector<16xf32>,
          tpu.vector_store %arg8[%parallel_loop3A_392, %parallel_loop3A_393, %parallel_loop3A_394, %parallel_loop3A_395], %parallel_loop3A_390 {strides = array<i32>} : memref<2x4x8x128xf32, #tpu.memory_space<vmem>>, vector<16xf32>,
        } {sc.loop_unroll_factor = 8 : i64, sc.parallel_access}
        %dma_start3A_205 = arith.constant 0 : i32
        %dma_start3A_206 = arith.constant 0 : i32
        %dma_start3A_207 = arith.constant 0 : i32
        %dma_start3A_208 = arith.constant 0 : i32
        %dma_start3A_209 = tpu.memref_slice %arg8[%dma_start3A_205, %dma_start3A_206, %dma_start3A_207, %dma_start3A_208] : memref<2x4x8x128xf32, #tpu.memory_space<vmem>> -> memref<1x4x8x128xf32, #tpu.memory_space<vmem>>
        %dma_start3A_210 = tpu.memref_squeeze %dma_start3A_209 : memref<1x4x8x128xf32, #tpu.memory_space<vmem>> -> memref<4x8x128xf32, #tpu.memory_space<vmem>>
        %dma_start3A_211 = arith.constant 0 : i32
        %dma_start3A_212 = arith.constant 0 : i32
        %dma_start3A_213 = arith.constant 0 : i32
        %dma_start3A_214 = tpu.memref_slice %arg4[%add3A_190, %dma_start3A_211, %add3A_161, %dma_start3A_212, %dma_start3A_213] : memref<50x4x128x8x128xf32, #tpu.memory_space<hbm>> -> memref<1x4x1x8x128xf32, #tpu.memory_space<hbm>>
        %dma_start3A_215 = tpu.memref_squeeze %dma_start3A_214 : memref<1x4x1x8x128xf32, #tpu.memory_space<hbm>> -> memref<4x8x128xf32, #tpu.memory_space<hbm>>
        %dma_start3A_216 = arith.constant 0 : i32
        %dma_start3A_217 = arith.constant 0 : i32
        %dma_start3A_218 = arith.constant 0 : i32
        %dma_start3A_219 = tpu.memref_slice %arg4[%add3A_190, %dma_start3A_216, %add3A_161, %dma_start3A_217, %dma_start3A_218] : memref<50x4x128x8x128xf32, #tpu.memory_space<hbm>> -> memref<1x4x1x8x128xf32, #tpu.memory_space<hbm>>
        %dma_start3A_220 = tpu.memref_squeeze %dma_start3A_219 : memref<1x4x1x8x128xf32, #tpu.memory_space<hbm>> -> memref<4x8x128xf32, #tpu.memory_space<hbm>>
        %dma_start3A_221 = arith.constant 0 : i32
        %dma_start3A_222 = arith.constant 0 : i32
        %dma_start3A_223 = arith.constant 0 : i32
        %dma_start3A_224 = tpu.memref_slice %arg8[%dma_start3A_205, %dma_start3A_221, %dma_start3A_222, %dma_start3A_223] : memref<2x4x8x128xf32, #tpu.memory_space<vmem>> -> memref<1x4x8x128xf32, #tpu.memory_space<vmem>>
        %dma_start3A_225 = tpu.memref_squeeze %dma_start3A_224 : memref<1x4x8x128xf32, #tpu.memory_space<vmem>> -> memref<4x8x128xf32, #tpu.memory_space<vmem>>
        tpu.enqueue_dma source(%dma_start3A_225 : memref<4x8x128xf32, #tpu.memory_space<vmem>>) target(%dma_start3A_220 : memref<4x8x128xf32, #tpu.memory_space<hbm>>) target_semaphore(%arg11 : memref<!tpu.dma_semaphore, #tpu.memory_space<semaphore_mem>>)
        %mul3A_226 = arith.constant 2 : i32
        %mul3A_227 = arith.muli %scan3A_185, %mul3A_226 : i32
        %add3A_228 = arith.constant 1 : i32
        %add3A_229 = arith.addi %mul3A_227, %add3A_228 : i32
        %add3A_230 = arith.addi %mul3A_158, %add3A_229 : i32
        %mul3A_231 = arith.constant 10 : i32
        %mul3A_232 = arith.muli %add3A_116, %mul3A_231 : i32
        %add3A_233 = arith.addi %mul3A_232, %add3A_229 : i32
        %ge3A_234 = arith.constant 2 : i32
        %ge3A_235 = arith.cmpi sge, %add3A_233, %ge3A_234 : i32
        %convert_element_type3A_236 = arith.extui %ge3A_235 : i1 to i32
        %cond3A_237 = arith.constant 0 : i32
        %cond3A_238 = arith.cmpi ne, %convert_element_type3A_236, %cond3A_237 : i32
        scf.if %cond3A_238 {
          %dma_wait3A_267 = arith.constant 1 : i32
          %dma_wait3A_268 = arith.constant 0 : i32
          %dma_wait3A_269 = arith.constant 0 : i32
          %dma_wait3A_270 = arith.constant 0 : i32
          %dma_wait3A_271 = tpu.memref_slice %arg8[%dma_wait3A_267, %dma_wait3A_268, %dma_wait3A_269, %dma_wait3A_270] : memref<2x4x8x128xf32, #tpu.memory_space<vmem>> -> memref<1x4x8x128xf32, #tpu.memory_space<vmem>>
          %dma_wait3A_272 = tpu.memref_squeeze %dma_wait3A_271 : memref<1x4x8x128xf32, #tpu.memory_space<vmem>> -> memref<4x8x128xf32, #tpu.memory_space<vmem>>
          %dma_wait3A_273 = arith.constant 0 : i32
          %dma_wait3A_274 = arith.constant 0 : i32
          %dma_wait3A_275 = tpu.memref_slice %arg3[%dma_wait3A_273, %dma_wait3A_274] : memref<1000000x32xf32, #tpu.memory_space<hbm>> -> memref<128x32xf32, #tpu.memory_space<hbm>>
          %dma_wait3A_276 = arith.constant 0 : i32
          %dma_wait3A_277 = arith.constant 0 : i32
          %dma_wait3A_278 = arith.constant 0 : i32
          %dma_wait3A_279 = tpu.memref_slice %arg8[%dma_wait3A_267, %dma_wait3A_276, %dma_wait3A_277, %dma_wait3A_278] : memref<2x4x8x128xf32, #tpu.memory_space<vmem>> -> memref<1x4x8x128xf32, #tpu.memory_space<vmem>>
          %dma_wait3A_280 = tpu.memref_squeeze %dma_wait3A_279 : memref<1x4x8x128xf32, #tpu.memory_space<vmem>> -> memref<4x8x128xf32, #tpu.memory_space<vmem>>
          %dma_wait3A_281 = arith.constant 0 : i32
          %dma_wait3A_282 = arith.constant 0 : i32
          %dma_wait3A_283 = tpu.memref_slice %arg3[%dma_wait3A_281, %dma_wait3A_282] : memref<1000000x32xf32, #tpu.memory_space<hbm>> -> memref<128x32xf32, #tpu.memory_space<hbm>>
          tpu.wait_dma2 semaphore(%arg12 : memref<!tpu.dma_semaphore, #tpu.memory_space<semaphore_mem>>) src(%dma_wait3A_283 : memref<128x32xf32, #tpu.memory_space<hbm>>) dst(%dma_wait3A_280 : memref<4x8x128xf32, #tpu.memory_space<vmem>>)
        } else {
        }
        %mul3A_239 = arith.constant 128 : i32
        %mul3A_240 = arith.muli %add3A_229, %mul3A_239 : i32
        %add3A_241 = arith.constant 1280 : i32
        %add3A_242 = arith.addi %add3A_241, %mul3A_240 : i32
        %parallel_loop3A_243 = arith.constant 0 : i32
        %parallel_loop3A_244 = arith.constant 32 : i32
        %parallel_loop3A_245 = arith.constant 1 : i32
        scf.for %parallel_loop3A_267 = %parallel_loop3A_243 to %parallel_loop3A_244 step %parallel_loop3A_245  : i32 {
          %parallel_loop3A_268 = vector.broadcast %parallel_loop3A_267 : i32 to vector<16xi32>
          %parallel_loop3A_269 = arith.constant 8 : i32
          %parallel_loop3A_270 = arith.divsi %parallel_loop3A_267, %parallel_loop3A_269 : i32
          %parallel_loop3A_271 = arith.constant 0 : i32
          %parallel_loop3A_272 = arith.cmpi sgt, %parallel_loop3A_267, %parallel_loop3A_271 : i32
          %parallel_loop3A_273 = arith.extui %parallel_loop3A_272 : i1 to i32
          %parallel_loop3A_274 = arith.constant 0 : i32
          %parallel_loop3A_275 = arith.cmpi slt, %parallel_loop3A_267, %parallel_loop3A_274 : i32
          %parallel_loop3A_276 = arith.extui %parallel_loop3A_275 : i1 to i32
          %parallel_loop3A_277 = arith.subi %parallel_loop3A_273, %parallel_loop3A_276 : i32
          %parallel_loop3A_278 = arith.constant 0 : i32
          %parallel_loop3A_279 = arith.cmpi sgt, %parallel_loop3A_269, %parallel_loop3A_278 : i32
          %parallel_loop3A_280 = arith.extui %parallel_loop3A_279 : i1 to i32
          %parallel_loop3A_281 = arith.constant 0 : i32
          %parallel_loop3A_282 = arith.cmpi slt, %parallel_loop3A_269, %parallel_loop3A_281 : i32
          %parallel_loop3A_283 = arith.extui %parallel_loop3A_282 : i1 to i32
          %parallel_loop3A_284 = arith.subi %parallel_loop3A_280, %parallel_loop3A_283 : i32
          %parallel_loop3A_285 = arith.cmpi ne, %parallel_loop3A_277, %parallel_loop3A_284 : i32
          %parallel_loop3A_286 = arith.remsi %parallel_loop3A_267, %parallel_loop3A_269 : i32
          %parallel_loop3A_287 = arith.constant 0 : i32
          %parallel_loop3A_288 = arith.cmpi ne, %parallel_loop3A_286, %parallel_loop3A_287 : i32
          %parallel_loop3A_289 = arith.andi %parallel_loop3A_285, %parallel_loop3A_288 : i1
          %parallel_loop3A_290 = arith.constant 1 : i32
          %parallel_loop3A_291 = arith.subi %parallel_loop3A_270, %parallel_loop3A_290 : i32
          %parallel_loop3A_292 = arith.select %parallel_loop3A_289, %parallel_loop3A_291, %parallel_loop3A_270 : i32
          %parallel_loop3A_293 = arith.constant 8 : i32
          %parallel_loop3A_294 = arith.constant 0 : i32
          %parallel_loop3A_295 = arith.cmpi eq, %parallel_loop3A_293, %parallel_loop3A_294 : i32
          %parallel_loop3A_296 = arith.constant 1 : i32
          %parallel_loop3A_297 = arith.select %parallel_loop3A_295, %parallel_loop3A_296, %parallel_loop3A_293 : i32
          %parallel_loop3A_298 = arith.remsi %parallel_loop3A_267, %parallel_loop3A_297 : i32
          %parallel_loop3A_299 = arith.constant 0 : i32
          %parallel_loop3A_300 = arith.cmpi ne, %parallel_loop3A_298, %parallel_loop3A_299 : i32
          %parallel_loop3A_301 = arith.constant 0 : i32
          %parallel_loop3A_302 = arith.cmpi slt, %parallel_loop3A_298, %parallel_loop3A_301 : i32
          %parallel_loop3A_303 = arith.constant 0 : i32
          %parallel_loop3A_304 = arith.cmpi slt, %parallel_loop3A_297, %parallel_loop3A_303 : i32
          %parallel_loop3A_305 = arith.xori %parallel_loop3A_302, %parallel_loop3A_304 : i1
          %parallel_loop3A_306 = arith.andi %parallel_loop3A_305, %parallel_loop3A_300 : i1
          %parallel_loop3A_307 = arith.addi %parallel_loop3A_298, %parallel_loop3A_297 : i32
          %parallel_loop3A_308 = arith.select %parallel_loop3A_306, %parallel_loop3A_307, %parallel_loop3A_298 : i32
          %parallel_loop3A_309 = arith.constant 0 : i32
          %parallel_loop3A_310 = arith.addi %add3A_242, %parallel_loop3A_309 : i32
          %parallel_loop3A_311 = vector.broadcast %parallel_loop3A_310 : i32 to vector<16xi32>
          %parallel_loop3A_312 = arith.addi %parallel_loop3A_311, %iota3A : vector<16xi32>
          %parallel_loop3A_313 = tpu.vector_load_idx %arg7[%parallel_loop3A_312, %parallel_loop3A_268] : memref<2560x32xf32, #tpu.memory_space<vmem>>[vector<16xi32>, vector<16xi32>], vector<16xf32>,
          %parallel_loop3A_314 = arith.constant 1 : i32
          %parallel_loop3A_315 = arith.index_cast %parallel_loop3A_314 : i32 to index
          %parallel_loop3A_316 = arith.index_cast %parallel_loop3A_292 : i32 to index
          %parallel_loop3A_317 = arith.index_cast %parallel_loop3A_308 : i32 to index
          %parallel_loop3A_318 = arith.constant 0 : index
          %parallel_loop3A_319 = tpu.vector_load %arg8[%parallel_loop3A_315, %parallel_loop3A_316, %parallel_loop3A_317, %parallel_loop3A_318] {strides = array<i32>} : memref<2x4x8x128xf32, #tpu.memory_space<vmem>>, vector<16xf32>,
          tpu.vector_store %arg8[%parallel_loop3A_315, %parallel_loop3A_316, %parallel_loop3A_317, %parallel_loop3A_318], %parallel_loop3A_313 {strides = array<i32>} : memref<2x4x8x128xf32, #tpu.memory_space<vmem>>, vector<16xf32>,
          %parallel_loop3A_320 = arith.constant 16 : i32
          %parallel_loop3A_321 = arith.addi %add3A_242, %parallel_loop3A_320 : i32
          %parallel_loop3A_322 = vector.broadcast %parallel_loop3A_321 : i32 to vector<16xi32>
          %parallel_loop3A_323 = arith.addi %parallel_loop3A_322, %iota3A : vector<16xi32>
          %parallel_loop3A_324 = tpu.vector_load_idx %arg7[%parallel_loop3A_323, %parallel_loop3A_268] : memref<2560x32xf32, #tpu.memory_space<vmem>>[vector<16xi32>, vector<16xi32>], vector<16xf32>,
          %parallel_loop3A_325 = arith.constant 1 : i32
          %parallel_loop3A_326 = arith.index_cast %parallel_loop3A_325 : i32 to index
          %parallel_loop3A_327 = arith.index_cast %parallel_loop3A_292 : i32 to index
          %parallel_loop3A_328 = arith.index_cast %parallel_loop3A_308 : i32 to index
          %parallel_loop3A_329 = arith.constant 16 : index
          %parallel_loop3A_330 = tpu.vector_load %arg8[%parallel_loop3A_326, %parallel_loop3A_327, %parallel_loop3A_328, %parallel_loop3A_329] {strides = array<i32>} : memref<2x4x8x128xf32, #tpu.memory_space<vmem>>, vector<16xf32>,
          tpu.vector_store %arg8[%parallel_loop3A_326, %parallel_loop3A_327, %parallel_loop3A_328, %parallel_loop3A_329], %parallel_loop3A_324 {strides = array<i32>} : memref<2x4x8x128xf32, #tpu.memory_space<vmem>>, vector<16xf32>,
          %parallel_loop3A_331 = arith.constant 32 : i32
          %parallel_loop3A_332 = arith.addi %add3A_242, %parallel_loop3A_331 : i32
          %parallel_loop3A_333 = vector.broadcast %parallel_loop3A_332 : i32 to vector<16xi32>
          %parallel_loop3A_334 = arith.addi %parallel_loop3A_333, %iota3A : vector<16xi32>
          %parallel_loop3A_335 = tpu.vector_load_idx %arg7[%parallel_loop3A_334, %parallel_loop3A_268] : memref<2560x32xf32, #tpu.memory_space<vmem>>[vector<16xi32>, vector<16xi32>], vector<16xf32>,
          %parallel_loop3A_336 = arith.constant 1 : i32
          %parallel_loop3A_337 = arith.index_cast %parallel_loop3A_336 : i32 to index
          %parallel_loop3A_338 = arith.index_cast %parallel_loop3A_292 : i32 to index
          %parallel_loop3A_339 = arith.index_cast %parallel_loop3A_308 : i32 to index
          %parallel_loop3A_340 = arith.constant 32 : index
          %parallel_loop3A_341 = tpu.vector_load %arg8[%parallel_loop3A_337, %parallel_loop3A_338, %parallel_loop3A_339, %parallel_loop3A_340] {strides = array<i32>} : memref<2x4x8x128xf32, #tpu.memory_space<vmem>>, vector<16xf32>,
          tpu.vector_store %arg8[%parallel_loop3A_337, %parallel_loop3A_338, %parallel_loop3A_339, %parallel_loop3A_340], %parallel_loop3A_335 {strides = array<i32>} : memref<2x4x8x128xf32, #tpu.memory_space<vmem>>, vector<16xf32>,
          %parallel_loop3A_342 = arith.constant 48 : i32
          %parallel_loop3A_343 = arith.addi %add3A_242, %parallel_loop3A_342 : i32
          %parallel_loop3A_344 = vector.broadcast %parallel_loop3A_343 : i32 to vector<16xi32>
          %parallel_loop3A_345 = arith.addi %parallel_loop3A_344, %iota3A : vector<16xi32>
          %parallel_loop3A_346 = tpu.vector_load_idx %arg7[%parallel_loop3A_345, %parallel_loop3A_268] : memref<2560x32xf32, #tpu.memory_space<vmem>>[vector<16xi32>, vector<16xi32>], vector<16xf32>,
          %parallel_loop3A_347 = arith.constant 1 : i32
          %parallel_loop3A_348 = arith.index_cast %parallel_loop3A_347 : i32 to index
          %parallel_loop3A_349 = arith.index_cast %parallel_loop3A_292 : i32 to index
          %parallel_loop3A_350 = arith.index_cast %parallel_loop3A_308 : i32 to index
          %parallel_loop3A_351 = arith.constant 48 : index
          %parallel_loop3A_352 = tpu.vector_load %arg8[%parallel_loop3A_348, %parallel_loop3A_349, %parallel_loop3A_350, %parallel_loop3A_351] {strides = array<i32>} : memref<2x4x8x128xf32, #tpu.memory_space<vmem>>, vector<16xf32>,
          tpu.vector_store %arg8[%parallel_loop3A_348, %parallel_loop3A_349, %parallel_loop3A_350, %parallel_loop3A_351], %parallel_loop3A_346 {strides = array<i32>} : memref<2x4x8x128xf32, #tpu.memory_space<vmem>>, vector<16xf32>,
          %parallel_loop3A_353 = arith.constant 64 : i32
          %parallel_loop3A_354 = arith.addi %add3A_242, %parallel_loop3A_353 : i32
          %parallel_loop3A_355 = vector.broadcast %parallel_loop3A_354 : i32 to vector<16xi32>
          %parallel_loop3A_356 = arith.addi %parallel_loop3A_355, %iota3A : vector<16xi32>
          %parallel_loop3A_357 = tpu.vector_load_idx %arg7[%parallel_loop3A_356, %parallel_loop3A_268] : memref<2560x32xf32, #tpu.memory_space<vmem>>[vector<16xi32>, vector<16xi32>], vector<16xf32>,
          %parallel_loop3A_358 = arith.constant 1 : i32
          %parallel_loop3A_359 = arith.index_cast %parallel_loop3A_358 : i32 to index
          %parallel_loop3A_360 = arith.index_cast %parallel_loop3A_292 : i32 to index
          %parallel_loop3A_361 = arith.index_cast %parallel_loop3A_308 : i32 to index
          %parallel_loop3A_362 = arith.constant 64 : index
          %parallel_loop3A_363 = tpu.vector_load %arg8[%parallel_loop3A_359, %parallel_loop3A_360, %parallel_loop3A_361, %parallel_loop3A_362] {strides = array<i32>} : memref<2x4x8x128xf32, #tpu.memory_space<vmem>>, vector<16xf32>,
          tpu.vector_store %arg8[%parallel_loop3A_359, %parallel_loop3A_360, %parallel_loop3A_361, %parallel_loop3A_362], %parallel_loop3A_357 {strides = array<i32>} : memref<2x4x8x128xf32, #tpu.memory_space<vmem>>, vector<16xf32>,
          %parallel_loop3A_364 = arith.constant 80 : i32
          %parallel_loop3A_365 = arith.addi %add3A_242, %parallel_loop3A_364 : i32
          %parallel_loop3A_366 = vector.broadcast %parallel_loop3A_365 : i32 to vector<16xi32>
          %parallel_loop3A_367 = arith.addi %parallel_loop3A_366, %iota3A : vector<16xi32>
          %parallel_loop3A_368 = tpu.vector_load_idx %arg7[%parallel_loop3A_367, %parallel_loop3A_268] : memref<2560x32xf32, #tpu.memory_space<vmem>>[vector<16xi32>, vector<16xi32>], vector<16xf32>,
          %parallel_loop3A_369 = arith.constant 1 : i32
          %parallel_loop3A_370 = arith.index_cast %parallel_loop3A_369 : i32 to index
          %parallel_loop3A_371 = arith.index_cast %parallel_loop3A_292 : i32 to index
          %parallel_loop3A_372 = arith.index_cast %parallel_loop3A_308 : i32 to index
          %parallel_loop3A_373 = arith.constant 80 : index
          %parallel_loop3A_374 = tpu.vector_load %arg8[%parallel_loop3A_370, %parallel_loop3A_371, %parallel_loop3A_372, %parallel_loop3A_373] {strides = array<i32>} : memref<2x4x8x128xf32, #tpu.memory_space<vmem>>, vector<16xf32>,
          tpu.vector_store %arg8[%parallel_loop3A_370, %parallel_loop3A_371, %parallel_loop3A_372, %parallel_loop3A_373], %parallel_loop3A_368 {strides = array<i32>} : memref<2x4x8x128xf32, #tpu.memory_space<vmem>>, vector<16xf32>,
          %parallel_loop3A_375 = arith.constant 96 : i32
          %parallel_loop3A_376 = arith.addi %add3A_242, %parallel_loop3A_375 : i32
          %parallel_loop3A_377 = vector.broadcast %parallel_loop3A_376 : i32 to vector<16xi32>
          %parallel_loop3A_378 = arith.addi %parallel_loop3A_377, %iota3A : vector<16xi32>
          %parallel_loop3A_379 = tpu.vector_load_idx %arg7[%parallel_loop3A_378, %parallel_loop3A_268] : memref<2560x32xf32, #tpu.memory_space<vmem>>[vector<16xi32>, vector<16xi32>], vector<16xf32>,
          %parallel_loop3A_380 = arith.constant 1 : i32
          %parallel_loop3A_381 = arith.index_cast %parallel_loop3A_380 : i32 to index
          %parallel_loop3A_382 = arith.index_cast %parallel_loop3A_292 : i32 to index
          %parallel_loop3A_383 = arith.index_cast %parallel_loop3A_308 : i32 to index
          %parallel_loop3A_384 = arith.constant 96 : index
          %parallel_loop3A_385 = tpu.vector_load %arg8[%parallel_loop3A_381, %parallel_loop3A_382, %parallel_loop3A_383, %parallel_loop3A_384] {strides = array<i32>} : memref<2x4x8x128xf32, #tpu.memory_space<vmem>>, vector<16xf32>,
          tpu.vector_store %arg8[%parallel_loop3A_381, %parallel_loop3A_382, %parallel_loop3A_383, %parallel_loop3A_384], %parallel_loop3A_379 {strides = array<i32>} : memref<2x4x8x128xf32, #tpu.memory_space<vmem>>, vector<16xf32>,
          %parallel_loop3A_386 = arith.constant 112 : i32
          %parallel_loop3A_387 = arith.addi %add3A_242, %parallel_loop3A_386 : i32
          %parallel_loop3A_388 = vector.broadcast %parallel_loop3A_387 : i32 to vector<16xi32>
          %parallel_loop3A_389 = arith.addi %parallel_loop3A_388, %iota3A : vector<16xi32>
          %parallel_loop3A_390 = tpu.vector_load_idx %arg7[%parallel_loop3A_389, %parallel_loop3A_268] : memref<2560x32xf32, #tpu.memory_space<vmem>>[vector<16xi32>, vector<16xi32>], vector<16xf32>,
          %parallel_loop3A_391 = arith.constant 1 : i32
          %parallel_loop3A_392 = arith.index_cast %parallel_loop3A_391 : i32 to index
          %parallel_loop3A_393 = arith.index_cast %parallel_loop3A_292 : i32 to index
          %parallel_loop3A_394 = arith.index_cast %parallel_loop3A_308 : i32 to index
          %parallel_loop3A_395 = arith.constant 112 : index
          %parallel_loop3A_396 = tpu.vector_load %arg8[%parallel_loop3A_392, %parallel_loop3A_393, %parallel_loop3A_394, %parallel_loop3A_395] {strides = array<i32>} : memref<2x4x8x128xf32, #tpu.memory_space<vmem>>, vector<16xf32>,
          tpu.vector_store %arg8[%parallel_loop3A_392, %parallel_loop3A_393, %parallel_loop3A_394, %parallel_loop3A_395], %parallel_loop3A_390 {strides = array<i32>} : memref<2x4x8x128xf32, #tpu.memory_space<vmem>>, vector<16xf32>,
        } {sc.loop_unroll_factor = 8 : i64, sc.parallel_access}
        %dma_start3A_246 = arith.constant 1 : i32
        %dma_start3A_247 = arith.constant 0 : i32
        %dma_start3A_248 = arith.constant 0 : i32
        %dma_start3A_249 = arith.constant 0 : i32
        %dma_start3A_250 = tpu.memref_slice %arg8[%dma_start3A_246, %dma_start3A_247, %dma_start3A_248, %dma_start3A_249] : memref<2x4x8x128xf32, #tpu.memory_space<vmem>> -> memref<1x4x8x128xf32, #tpu.memory_space<vmem>>
        %dma_start3A_251 = tpu.memref_squeeze %dma_start3A_250 : memref<1x4x8x128xf32, #tpu.memory_space<vmem>> -> memref<4x8x128xf32, #tpu.memory_space<vmem>>
        %dma_start3A_252 = arith.constant 0 : i32
        %dma_start3A_253 = arith.constant 0 : i32
        %dma_start3A_254 = arith.constant 0 : i32
        %dma_start3A_255 = tpu.memref_slice %arg4[%add3A_230, %dma_start3A_252, %add3A_161, %dma_start3A_253, %dma_start3A_254] : memref<50x4x128x8x128xf32, #tpu.memory_space<hbm>> -> memref<1x4x1x8x128xf32, #tpu.memory_space<hbm>>
        %dma_start3A_256 = tpu.memref_squeeze %dma_start3A_255 : memref<1x4x1x8x128xf32, #tpu.memory_space<hbm>> -> memref<4x8x128xf32, #tpu.memory_space<hbm>>
        %dma_start3A_257 = arith.constant 0 : i32
        %dma_start3A_258 = arith.constant 0 : i32
        %dma_start3A_259 = arith.constant 0 : i32
        %dma_start3A_260 = tpu.memref_slice %arg4[%add3A_230, %dma_start3A_257, %add3A_161, %dma_start3A_258, %dma_start3A_259] : memref<50x4x128x8x128xf32, #tpu.memory_space<hbm>> -> memref<1x4x1x8x128xf32, #tpu.memory_space<hbm>>
        %dma_start3A_261 = tpu.memref_squeeze %dma_start3A_260 : memref<1x4x1x8x128xf32, #tpu.memory_space<hbm>> -> memref<4x8x128xf32, #tpu.memory_space<hbm>>
        %dma_start3A_262 = arith.constant 0 : i32
        %dma_start3A_263 = arith.constant 0 : i32
        %dma_start3A_264 = arith.constant 0 : i32
        %dma_start3A_265 = tpu.memref_slice %arg8[%dma_start3A_246, %dma_start3A_262, %dma_start3A_263, %dma_start3A_264] : memref<2x4x8x128xf32, #tpu.memory_space<vmem>> -> memref<1x4x8x128xf32, #tpu.memory_space<vmem>>
        %dma_start3A_266 = tpu.memref_squeeze %dma_start3A_265 : memref<1x4x8x128xf32, #tpu.memory_space<vmem>> -> memref<4x8x128xf32, #tpu.memory_space<vmem>>
        tpu.enqueue_dma source(%dma_start3A_266 : memref<4x8x128xf32, #tpu.memory_space<vmem>>) target(%dma_start3A_261 : memref<4x8x128xf32, #tpu.memory_space<hbm>>) target_semaphore(%arg12 : memref<!tpu.dma_semaphore, #tpu.memory_space<semaphore_mem>>)
      }
      %scan3A_184 = arith.constant 5 : i32
    }
    %scan3A_18 = arith.constant 10 : i32
    %dma_wait3A = arith.constant 0 : i32
    %dma_wait3A_19 = arith.constant 0 : i32
    %dma_wait3A_20 = arith.constant 0 : i32
    %dma_wait3A_21 = arith.constant 0 : i32
    %dma_wait3A_22 = tpu.memref_slice %arg8[%dma_wait3A, %dma_wait3A_19, %dma_wait3A_20, %dma_wait3A_21] : memref<2x4x8x128xf32, #tpu.memory_space<vmem>> -> memref<1x4x8x128xf32, #tpu.memory_space<vmem>>
    %dma_wait3A_23 = tpu.memref_squeeze %dma_wait3A_22 : memref<1x4x8x128xf32, #tpu.memory_space<vmem>> -> memref<4x8x128xf32, #tpu.memory_space<vmem>>
    %dma_wait3A_24 = arith.constant 0 : i32
    %dma_wait3A_25 = arith.constant 0 : i32
    %dma_wait3A_26 = tpu.memref_slice %arg3[%dma_wait3A_24, %dma_wait3A_25] : memref<1000000x32xf32, #tpu.memory_space<hbm>> -> memref<128x32xf32, #tpu.memory_space<hbm>>
    %dma_wait3A_27 = arith.constant 0 : i32
    %dma_wait3A_28 = arith.constant 0 : i32
    %dma_wait3A_29 = arith.constant 0 : i32
    %dma_wait3A_30 = tpu.memref_slice %arg8[%dma_wait3A, %dma_wait3A_27, %dma_wait3A_28, %dma_wait3A_29] : memref<2x4x8x128xf32, #tpu.memory_space<vmem>> -> memref<1x4x8x128xf32, #tpu.memory_space<vmem>>
    %dma_wait3A_31 = tpu.memref_squeeze %dma_wait3A_30 : memref<1x4x8x128xf32, #tpu.memory_space<vmem>> -> memref<4x8x128xf32, #tpu.memory_space<vmem>>
    %dma_wait3A_32 = arith.constant 0 : i32
    %dma_wait3A_33 = arith.constant 0 : i32
    %dma_wait3A_34 = tpu.memref_slice %arg3[%dma_wait3A_32, %dma_wait3A_33] : memref<1000000x32xf32, #tpu.memory_space<hbm>> -> memref<128x32xf32, #tpu.memory_space<hbm>>
    tpu.wait_dma2 semaphore(%arg11 : memref<!tpu.dma_semaphore, #tpu.memory_space<semaphore_mem>>) src(%dma_wait3A_34 : memref<128x32xf32, #tpu.memory_space<hbm>>) dst(%dma_wait3A_31 : memref<4x8x128xf32, #tpu.memory_space<vmem>>)
    %dma_wait3A_35 = arith.constant 1 : i32
    %dma_wait3A_36 = arith.constant 0 : i32
    %dma_wait3A_37 = arith.constant 0 : i32
    %dma_wait3A_38 = arith.constant 0 : i32
    %dma_wait3A_39 = tpu.memref_slice %arg8[%dma_wait3A_35, %dma_wait3A_36, %dma_wait3A_37, %dma_wait3A_38] : memref<2x4x8x128xf32, #tpu.memory_space<vmem>> -> memref<1x4x8x128xf32, #tpu.memory_space<vmem>>
    %dma_wait3A_40 = tpu.memref_squeeze %dma_wait3A_39 : memref<1x4x8x128xf32, #tpu.memory_space<vmem>> -> memref<4x8x128xf32, #tpu.memory_space<vmem>>
    %dma_wait3A_41 = arith.constant 0 : i32
    %dma_wait3A_42 = arith.constant 0 : i32
    %dma_wait3A_43 = tpu.memref_slice %arg3[%dma_wait3A_41, %dma_wait3A_42] : memref<1000000x32xf32, #tpu.memory_space<hbm>> -> memref<128x32xf32, #tpu.memory_space<hbm>>
    %dma_wait3A_44 = arith.constant 0 : i32
    %dma_wait3A_45 = arith.constant 0 : i32
    %dma_wait3A_46 = arith.constant 0 : i32
    %dma_wait3A_47 = tpu.memref_slice %arg8[%dma_wait3A_35, %dma_wait3A_44, %dma_wait3A_45, %dma_wait3A_46] : memref<2x4x8x128xf32, #tpu.memory_space<vmem>> -> memref<1x4x8x128xf32, #tpu.memory_space<vmem>>
    %dma_wait3A_48 = tpu.memref_squeeze %dma_wait3A_47 : memref<1x4x8x128xf32, #tpu.memory_space<vmem>> -> memref<4x8x128xf32, #tpu.memory_space<vmem>>
    %dma_wait3A_49 = arith.constant 0 : i32
    %dma_wait3A_50 = arith.constant 0 : i32
    %dma_wait3A_51 = tpu.memref_slice %arg3[%dma_wait3A_49, %dma_wait3A_50] : memref<1000000x32xf32, #tpu.memory_space<hbm>> -> memref<128x32xf32, #tpu.memory_space<hbm>>
    tpu.wait_dma2 semaphore(%arg12 : memref<!tpu.dma_semaphore, #tpu.memory_space<semaphore_mem>>) src(%dma_wait3A_51 : memref<128x32xf32, #tpu.memory_space<hbm>>) dst(%dma_wait3A_48 : memref<4x8x128xf32, #tpu.memory_space<vmem>>)
    return
  }
}

</mosaic_0001>

<sc_bundles>
// kernel: kernel.3.cloned.1.call-start
scs
__scs_entry_jumppad:
0x0: {  	(pc) =	sbr.rel $0x88, $3  }
0x1: {  	(tag) =	ssettag $0x0;
	lr =	simm.s32 $0x1  }
0x2: {  	[smem:$0x3F9F] =	sst lr;
	_ =	strace $0xD0000000  }
0x3: {  	_ = 	snop  }
0x4: {  	_ = 	snop  }
0x5: {  	_ = 	snop  }
0x6: {  	_ = 	snop  }
0x7: {  	_ = 	snop  }
__scs_overlays_trampoline_lowered:
0x8: {  	[smem:$0x3FAE] =	sst s0  }
0x9: {  	[smem:$0x3FAF] =	sst s1  }
0xa: {  	[smem:$0x3FB0] =	sst s2  }
0xb: {  	[smem:$0x3FB1] =	sst s3  }
0xc: {  	[smem:$0x3FB2] =	sst s4  }
0xd: {  	[smem:$0x3FB3] =	sst s5  }
0xe: {  	[smem:$0x3FB4] =	sst s6  }
0xf: {  	[smem:$0x3FB5] =	sst s7  }
0x10: {  	[smem:$0x3FB6] =	sst s8  }
0x11: {  	[smem:$0x3FB7] =	sst s9;
	s0 =	simm.s32 @!p0 $0x0  }
0x12: {  	s1 =	sld [smem:$0x3F9D];
	s0 =	simm.s32 @p0 $0x1  }
0x13: {  	[smem:$0x3FB8] =	sst s0;
	s0 =	simm.s32 @!p1 $0x0  }
0x14: {  	s2 =	sld [smem:$0x3F9C];
	s0 =	simm.s32 @p1 $0x1  }
0x15: {  	[smem:$0x3FB9] =	sst s0;
	s0 =	simm.s32 @!p2 $0x0  }
0x16: {  	s3 =	sld [smem:$0x3FDB];
	s0 =	simm.s32 @p2 $0x1  }
0x17: {  	s4 =	simm.s32 $0x1BF5;
	[smem:$0x3FBB] =	sst s0  }
0x18: {  	s0 =	sld [smem:$0x3F9E];
	_ =	swait.ge [sflag:s4], $0x0  }
0x19: {  	s7 =	sld [smem:$0x3F9F]  }
0x1a: {  	s8 =	sadd.s32 $0xFFFFE003, lr  }
0x1b: {  	s9 =	sadd.s32 $0xFFFFFEF7, lr;
	s5 =	simm.s32 $0xFFFFFFFF;
	p2 =	slt.u32 s8, $0xFFFFF086  }
0x1c: {  	p1 =	slt.u32 s9, $0xF7A;
	s5 =	simm.s32 @!p2 $0x0  }
0x1d: {  	s5 =	simm.s32 @p1 $0x1;
	p0 =	seq.s32 s7, s2  }
0x1e: {  	s7 =	smul.u32 @!p0 $0xF7A, s2;
	p2 =	seq.s32 @!p0 s5, $0x0  }
0x1f: {  	s9 =	smul.u32 $0xF7A, s1;
	s8 =	simm.s32 @!p0 $0x1BF5;
	p2 =	por !p2, p0  }
0x20: {  	[sflag:s8] =	ssyncset.s32 @!p0 $0xFFFFF086;
	s6 =	sadd.s32 @!p0 s3, s7;
	s7 =	simm.s32 @!p0 $0x108  }
0x21: {  	s3 =	sadd.s32 s3, s9;
	s6 =	sadd.s32 @!p0 $0x88, s6;
	s7 =	simm.s32 @p2 $0x1082  }
0x22: {  	[simem:s7], [sflag:s8] =	dma.local @!p0 [hbm:s6], $0xF7A  }
0x23: {  	s9 =	sor.u32 $0xD0000000, s2;
	s6 =	simm.s32 $0x108;
	_ =	swait.ge @!p0 [sflag:s8], $0x0  }
0x24: {  	s3 =	sadd.s32 $0x88, s3;
	s6 =	simm.s32 @!p1 $0x1082;
	[sflag:s4] =	ssyncset.s32 $0xFFFFF086  }
0x25: {  	[simem:s6], [sflag:s4] =	dma.local [hbm:s3], $0xF7A  }
0x26: {  	[smem:$0x3F9F] =	sst s1;
	(tag) =	ssettag s2;
	_ =	strace s9  }
0x27: {  	s1 =	sld [smem:$0x3FAF]  }
0x28: {  	s2 =	sld [smem:$0x3FB0]  }
0x29: {  	s4 =	sld [smem:$0x3FB2]  }
0x2a: {  	p0 =	seq.s32 s5, $0x0;
	s5 =	sld [smem:$0x3FB3]  }
0x2b: {  	s6 =	sld [smem:$0x3FB4]  }
0x2c: {  	s7 =	sld [smem:$0x3FB5]  }
0x2d: {  	s3 =	simm.s32 $0x108;
	s8 =	sld [smem:$0x3FB6]  }
0x2e: {  	s3 =	simm.s32 @!p0 $0x1082;
	s9 =	sld [smem:$0x3FB7]  }
0x2f: {  	lr =	sadd.s32 s0, s3;
	s0 =	sld [smem:$0x3FAE]  }
0x30: {  	s3 =	sld [smem:$0x3FB1]  }
0x31: {  	[smem:$0x3FBA] =	sst s10  }
0x32: {  	s10 =	sld [smem:$0x3FB8];
	_ =	sdelay $0x3  }
0x33: {  	p0 =	seq.s32 s10, $0x1;
	s10 =	sld [smem:$0x3FBA];
	_ =	sdelay $0x3  }
0x34: {  	[smem:$0x3FBA] =	sst s10  }
0x35: {  	s10 =	sld [smem:$0x3FB9];
	_ =	sdelay $0x3  }
0x36: {  	p1 =	seq.s32 s10, $0x1;
	s10 =	sld [smem:$0x3FBA];
	_ =	sdelay $0x3  }
0x37: {  	[smem:$0x3FBA] =	sst s10  }
0x38: {  	s10 =	sld [smem:$0x3FBB]  }
0x39: {  	_ = 	snop;
	(pc) =	sbr.ind lr, $3  }
0x3a: {  	_ = 	snop  }
0x3b: {  	_ = 	snop  }
0x3c: {  	p2 =	seq.s32 s10, $0x1;
	s10 =	sld [smem:$0x3FBA]  }
0x3d: {  	_ =	shalt  }
0x3e: {  	_ =	shalt  }
0x3f: {  	_ =	shalt  }
0x40: {  	_ =	shalt  }
0x41: {  	_ =	shalt  }
0x42: {  	_ =	shalt  }
0x43: {  	_ =	shalt  }
0x44: {  	_ =	shalt  }
0x45: {  	_ =	shalt  }
0x46: {  	_ =	shalt  }
0x47: {  	_ =	shalt  }
0x48: {  	_ =	shalt  }
0x49: {  	_ =	shalt  }
0x4a: {  	_ =	shalt  }
0x4b: {  	_ =	shalt  }
0x4c: {  	_ =	shalt  }
0x4d: {  	_ =	shalt  }
0x4e: {  	_ =	shalt  }
0x4f: {  	_ =	shalt  }
0x50: {  	_ =	shalt  }
0x51: {  	_ =	shalt  }
0x52: {  	_ =	shalt  }
0x53: {  	_ =	shalt  }
0x54: {  	_ =	shalt  }
0x55: {  	_ =	shalt  }
0x56: {  	_ =	shalt  }
0x57: {  	_ =	shalt  }
0x58: {  	_ =	shalt  }
0x59: {  	_ =	shalt  }
0x5a: {  	_ =	shalt  }
0x5b: {  	_ =	shalt  }
0x5c: {  	_ =	shalt  }
0x5d: {  	_ =	shalt  }
0x5e: {  	_ =	shalt  }
0x5f: {  	_ =	shalt  }
0x60: {  	_ =	shalt  }
0x61: {  	_ =	shalt  }
0x62: {  	_ =	shalt  }
0x63: {  	_ =	shalt  }
0x64: {  	_ =	shalt  }
0x65: {  	_ =	shalt  }
0x66: {  	_ =	shalt  }
0x67: {  	_ =	shalt  }
0x68: {  	_ =	shalt  }
0x69: {  	_ =	shalt  }
0x6a: {  	_ =	shalt  }
0x6b: {  	_ =	shalt  }
0x6c: {  	_ =	shalt  }
0x6d: {  	_ =	shalt  }
0x6e: {  	_ =	shalt  }
0x6f: {  	_ =	shalt  }
0x70: {  	_ =	shalt  }
0x71: {  	_ =	shalt  }
0x72: {  	_ =	shalt  }
0x73: {  	_ =	shalt  }
0x74: {  	_ =	shalt  }
0x75: {  	_ =	shalt  }
0x76: {  	_ =	shalt  }
0x77: {  	_ =	shalt  }
0x78: {  	_ =	shalt  }
0x79: {  	_ =	shalt  }
0x7a: {  	_ =	shalt  }
0x7b: {  	_ =	shalt  }
0x7c: {  	_ =	shalt  }
0x7d: {  	_ =	shalt  }
0x7e: {  	_ =	shalt  }
0x7f: {  	_ =	shalt  }
0x80: {  	_ =	shalt  }
0x81: {  	_ =	shalt  }
0x82: {  	_ =	shalt  }
0x83: {  	_ =	shalt  }
0x84: {  	_ =	shalt  }
0x85: {  	_ =	shalt  }
0x86: {  	_ =	shalt  }
0x87: {  	_ =	shalt  }
.Lfunc_end0:
.L_simem_size_0:
called_computation_lowered:
.L_overlay_start_0:
0x88: {  	s2 =	sld [smem:$0x3FD9]  }
0x89: {  	s3 =	sld [smem:$0x3FFE];
	_ =	sdelay $0x1  }
0x8a: {  	s1 =	srdreg.scid  }
0x8b: {  	s0 =	sand.u32 $0x1, s1  }
0x8c: {  	s17 =	sshll.u32 s0, $0xA;
	s2 =	sadd.s32 s3, s2  }
0x8d: {  	s2 =	sadd.s32 s2, s17  }
0x8e: {  	[smem:$0x3FC6] =	sst s2  }
0x8f: {  	_ = 	snop  }
0x90: {  	s2 =	sld [smem:$0x3FD0];
	(tm) =	ssettm $0x1  }
0x91: {  	s18 =	sld [smem:$0x3FFB];
	_ =	sdelay $0x3  }
0x92: {  	_ =	strace s18  }
0x93: {  	s3 =	sld [smem:$0x3FFC];
	_ =	sdelay $0x3  }
0x94: {  	_ =	strace s3  }
0x95: {  	s3 =	sld [smem:$0x3FFD];
	_ =	sdelay $0x3  }
0x96: {  	_ =	strace s3  }
0x97: {  	_ =	strace $0x8FFFFFFF  }
0x98: {  	s19 =	sld [smem:$0x3FDB];
	_ =	sdelay $0x1  }
0x99: {  	s4 =	simm.s32 $_scs_section_size  }
0x9a: {  	s5 =	simm.s32 $_size__tile_overlayer_lowered;
	s6 =	simm.s32 $_tile_overlayer_lowered  }
0x9b: {  	s22 =	simm.s32 $0x1BFF;
	s21 =	sshll.u32 s6, $0x1;
	s3 =	sadd.s32 s4, s19  }
0x9c: {  	s7 =	simm.s32 $0x0;
	s20 =	sshll.u32 s5, $0x1;
	s5 =	sadd.s32 s21, s3  }
0x9d: {  	[timem:s7], [sflag:s22] =	dma.local [hbm:s5], s20  }
0x9e: {  	_ =	swait.ge [sflag:s22], s20  }
0x9f: {  	s4 =	ssub.s32 $0x0, s20;
	[sflag:s22] =	ssyncset.done $0x0  }
0xa0: {  	[sflag:s22] =	ssyncadd.s32 s4;
	_ =	sdelay $0x1  }
0xa1: {  	s23 =	simm.s32 $0x1B8B  }
0xa2: {  	_ =	swait.ge [sflag:s23], $0x1  }
0xa3: {  	[sflag:s23] =	ssyncset.done $0x0  }
0xa4: {  	s25 =	simm.s32 $0x1B8E;
	s24 =	sld [smem:$0x3FFE];
	[sflag:s23] =	ssyncadd.s32 $0xFFFFFFFF  }
0xa5: {  	s26 =	simm.s32 $execute0_lowered;
	[smem:$0x3FD2] =	sst s25  }
0xa6: {  	s5 =	sshll.u32 s26, $0x1;
	_ =	strace $0x80000046;
	[dreg:$0x1] =	wrdreg $0xFFFFFFFF  }
0xa7: {  	s28 =	simm.s32 $_size_execute0_lowered;
	s3 =	sadd.s32 s3, s5;
	[dreg:$0x0] =	wrdreg $0x0  }
0xa8: {  	s5 =	sshll.u32 s28, $0x1;
	[dreg:$0x2] =	wrdreg s3  }
0xa9: {  	[dreg:$0x3] =	wrdreg s5  }
0xaa: {  	[dreg:$0x4] =	wrdreg $0xC0  }
0xab: {  	_ =	task [dreg:s7], $0x5FFFF  }
0xac: {  	[dreg:$0x1] =	wrdreg $0xFFFFFFFF  }
0xad: {  	[dreg:$0x0] =	wrdreg $0x60  }
0xae: {  	[dreg:$0x2] =	wrdreg s24  }
0xaf: {  	[dreg:$0x3] =	wrdreg s2  }
0xb0: {  	[dreg:$0x4] =	wrdreg $0x9  }
0xb1: {  	_ =	task.clear_ibuf [dreg:s7], $0x5FFFF;
	_ =	strace $0x90000046  }
0xb2: {  	s29 =	simm.s32 $0x9;
	_ =	strace $0x80000048  }
0xb3: {  	_ =	swait.ge [sflag:s29], $0x1  }
0xb4: {  	[sflag:s29] =	ssyncadd.s32 $0xFFFFFFFF  }
0xb5: {  	_ =	strace $0x90000048  }
0xb6: {  	_ =	sfence  }
0xb7: {  	s30 =	sld [smem:$0x0];
	_ =	sdelay $0x2  }
0xb8: {  	s31 =	sshll.u32 s1, $0xD;
	s1 =	sshrl.u32 s1, $0x2  }
0xb9: {  	s3 =	sand.u32 $0x4000, s31;
	s1 =	sadd.s32 s1, s30  }
0xba: {  	s0 =	sor.u32 s3, s0;
	s1 =	sshll.u32 s1, $0x11  }
0xbb: {  	s0 =	sor.u32 s1, s0  }
0xbc: {  	s0 =	sadd.s32 $0x8F2B, s0  }
0xbd: {  	[sflag:s0] =	ssyncadd.remote.s32 $0x1  }
0xbe: {  	_ =	sfence.sel $0xFFFF  }
0xbf: {  	[dreg:$0x0] =	wrdreg $0xFFFFFFFF;
	(pc) =	sbr.abs _section_cstart, $3  }
0xc0: {  	[dreg:$0x1] =	wrdreg $0xFFFFFFFF  }
0xc1: {  	_ =	task.clear_ibuf [dreg:s7], $0x2FFFF;
	_ =	strace $0x9FFFFFFF  }
0xc2: {  	(tm) =	ssettm $0x7FFFFFFF  }
0xc3: {  	_ =	shalt  }
tec
execute0_lowered:
.L_overlay_start_1:
0x0: {  	(tag) =	ssettag $0x1  }
0x1: {  	s0 =	rddreg [dreg:$0x0];
	s1 =	srdreg.scid  }
0x2: {  	s3 =	stileid.u32;
	s2 =	rddreg [dreg:$0x1]  }
0x3: {  	s9 =	simm.s32 $0x6400;
	s11 =	simm.s32 $0x6E00;
	s15 =	simm.s32 $0x400  }
0x4: {  	s16 =	simm.s32 $0x20000;
	s1 =	sand.u32 $0x1, s1;
	s4 =	sshll.u32 s3, $0x1  }
0x5: {  	s17 =	simm.s32 $0x1AE00;
	s3 =	simm.s32 $0x0;
	s5 =	sor.u32 s1, s4  }
0x6: {  	v12 =	vlaneseq.u32;
	s18 =	simm.s32 $0x1BE00;
	[smem:$0x7FF] =	sst s3;
	s4 =	smul.u32 $0xC80, s5  }
0x7: {  	s20 =	simm.s32 $0x3;
	v0 =	vmul.u32 $0x20, v12;
	s1 =	ssub.s32 $0x2, s1;
	_ =	strace $0x80000047  }
0x8: {  	v13 =	vmul.u32 $0x32, v12;
	s6 =	sshrl.u32 s1, $0x1;
	s7 =	sadd.s32 s4, s0;
	s0 =	sadd.s32 $0xF42A00, s0  }
0x9: {  	[tilespmem:$0x1FFD0] =	vst v0;
	s30 =	ssub.s32 s1, s6;
	[dreg:$0x3] =	wrdreg s0;
	s31 =	sadd.s32 $0x600, s7  }
0xa: {  	s21 =	simm.s32 $0x4;
	v14 =	vor.u32 $0x500, v12;
	[tilespmem:$0x1FFE0] =	vst v13;
	s0 =	smax.u32 s30, $0x1;
	[dreg:$0x4] =	wrdreg s31  }
0xb: {  	[tilespmem:$0x1FFF0] =	vst v14;
	s6 =	sshll.u32 s5, $0x2;
	s1 =	simm.s32 $0x0;
	[dreg:$0x5] =	wrdreg s0  }
.LBB2_1:
0xc: {  	s0 =	rddreg [dreg:$0x4];
	s24 =	simm.s32 $0x0  }
0xd: {  	[tilespmem:s3], [sflag:$0x5] =	stream.linear.gather [hbm4b:s0+s3], $0x6400, $0x38;
	[tilespmem:$0x1CE00] =	vst v63  }
0xe: {  	s25 =	sand.u32 $0x4, s24  }
0xf: {  	s0 =	sor.u32 $0x1, s25  }
0x10: {  	s7 =	smul.u32 $0x320, s0  }
0x11: {  	s5 =	sor.u32 $0x2, s25  }
0x12: {  	s8 =	sor.u32 $0x3, s25;
	s22 =	smul.u32 $0x320, s5;
	s7 =	sadd.s32 $0x0, s7  }
0x13: {  	[dreg:$0x6] =	wrdreg s1;
	s23 =	smul.u32 $0x320, s8;
	v0 =	vadd.s32 s7, v13  }
0x14: {  	s4 =	simm.s32 $0x5;
	s30 =	simm.s32 $0x0;
	s26 =	sadd.s32 $0x0, s22  }
0x15: {  	_ =	swait.ge [sflag:s4], $0x6400;
	s31 =	smul.u32 $0x320, s25;
	s28 =	sadd.s32 $0x0, s23;
	v1 =	vadd.s32 s26, v13  }
0x16: {  	[sflag:s4] =	ssyncset.done $0x0;
	s29 =	sshll.u32 s0, $0x4;
	s0 =	simm.s32 $0x4;
	v2 =	vadd.s32 s28, v13  }
0x17: {  	[sflag:s4] =	ssyncadd.s32 $0xFFFF9C00;
	s22 =	sor.u32 s30, s29;
	s23 =	sadd.s32 $0x0, s31  }
0x18: {  	s1 =	sshll.u32 s25, $0x4;
	s5 =	sshll.u32 s5, $0x4;
	s24 =	sand.u32 $0x4, s0;
	v3 =	vor.u32 s22, v12;
	v4 =	vadd.s32 s23, v13;
	v0 =	vld.idx.msk [tilespmem:v0+s3+$0x0], $0xffff  }
0x19: {  	s8 =	sshll.u32 s8, $0x4;
	s5 =	sor.u32 s30, s5;
	s25 =	sor.u32 $0x1, s24  }
0x1a: {  	s8 =	sor.u32 s30, s8;
	s4 =	sor.u32 $0x2, s24;
	v6 =	vor.u32 s5, v12;
	s10 =	smul.u32 $0x320, s25;
	v5 =	vld.idx.msk [tilespmem:v1+s3+$0x0], $0xffff  }
0x1b: {  	s1 =	sor.u32 s1, s30;
	s12 =	sor.u32 $0x3, s24;
	v8 =	vor.u32 s8, v12;
	s13 =	smul.u32 $0x320, s4;
	v7 =	vld.idx.msk [tilespmem:v2+s3+$0x0], $0xffff  }
0x1c: {  	s14 =	sshll.u32 s4, $0x4;
	s19 =	sshll.u32 s12, $0x4;
	s5 =	smul.u32 $0x320, s12  }
0x1d: {  	s25 =	sshll.u32 s25, $0x4;
	s28 =	smul.u32 $0x320, s24;
	s23 =	sadd.s32 $0x0, s10;
	v1 =	vor.u32 s1, v12;
	[tilespmem:v3+s9+$0x0] =	vst.idx.msk $0xffff, v0;
	v0 =	vld.idx.msk [tilespmem:v4+s3+$0x0], $0xffff  }
0x1e: {  	s26 =	simm.s32 $0x0;
	s24 =	sshll.u32 s24, $0x4;
	s29 =	sadd.s32 $0x0, s13;
	v2 =	vadd.s32 s23, v13  }
0x1f: {  	s7 =	sor.u32 s26, s25;
	s30 =	sadd.s32 $0x0, s5;
	s31 =	sadd.s32 $0x0, s28;
	[tilespmem:v6+s9+$0x0] =	vst.idx.msk $0xffff, v5;
	v3 =	vadd.s32 s29, v13  }
0x20: {  	s8 =	sor.u32 s26, s19;
	s5 =	sor.u32 s26, s14;
	s1 =	sor.u32 s24, s26;
	v5 =	vadd.s32 s30, v13;
	v4 =	vadd.s32 s31, v13;
	[tilespmem:v8+s9+$0x0] =	vst.idx.msk $0xffff, v7  }
.LBB2_2:
0x21: {  	s0 =	sadd.s32 $0x4, s0  }
0x22: {  	[tilespmem:v1+s9+$0x0] =	vst.idx.msk $0xffff, v0;
	s22 =	sand.u32 $0x4, s0  }
0x23: {  	p0 =	slt.u32 s0, $0x4C;
	v6 =	vld.idx.msk [tilespmem:v2+s3+$0x0], $0xffff;
	s23 =	sor.u32 $0x1, s22;
	s24 =	sor.u32 $0x2, s22  }
0x24: {  	v7 =	vor.u32 s7, v12;
	s25 =	sor.u32 $0x3, s22;
	v8 =	vld.idx.msk [tilespmem:v3+s3+$0x0], $0xffff;
	s7 =	smul.u32 $0x320, s23;
	s26 =	sshll.u32 s24, $0x4  }
0x25: {  	v9 =	vor.u32 s5, v12;
	s28 =	sshll.u32 s25, $0x4;
	v10 =	vld.idx.msk [tilespmem:v5+s3+$0x0], $0xffff;
	s5 =	sshll.u32 s23, $0x4;
	s23 =	smul.u32 $0x320, s24  }
0x26: {  	v11 =	vor.u32 s8, v12;
	s29 =	sshrl.u32 s0, $0x3;
	s24 =	smul.u32 $0x320, s25;
	v0 =	vld.idx.msk [tilespmem:v4+s3+$0x0], $0xffff  }
.Ltmp0:
0x27: {  	v1 =	vor.u32 s1, v12;
	s8 =	sshll.u32 s29, $0x7;
	s7 =	sadd.s32 s29, s7;
	(pc) =	sbr.rel @p0 .LBB2_2-.Ltmp0, $4  }
0x28: {  	s1 =	smul.u32 $0x320, s22;
	s22 =	sshll.u32 s22, $0x4;
	s23 =	sadd.s32 s29, s23;
	v2 =	vadd.s32 s7, v13  }
0x29: {  	s7 =	sor.u32 s8, s5;
	v3 =	vadd.s32 s23, v13;
	s5 =	sor.u32 s8, s26;
	s23 =	sadd.s32 s29, s24;
	[tilespmem:v7+s9+$0x0] =	vst.idx.msk $0xffff, v6  }
0x2a: {  	s24 =	sadd.s32 s29, s1;
	s1 =	sor.u32 s22, s8;
	s8 =	sor.u32 s8, s28;
	v5 =	vadd.s32 s23, v13;
	[tilespmem:v9+s9+$0x0] =	vst.idx.msk $0xffff, v8  }
0x2b: {  	v4 =	vadd.s32 s24, v13;
	[tilespmem:v11+s9+$0x0] =	vst.idx.msk $0xffff, v10  }
0x2c: {  	_ =	sdelay $0x3  }
0x2d: {  	v2 =	vld.idx.msk [tilespmem:v2+s3+$0x0], $0xffff;
	v6 =	vor.u32 s7, v12  }
0x2e: {  	v3 =	vld.idx.msk [tilespmem:v3+s3+$0x0], $0xffff;
	v7 =	vor.u32 s5, v12  }
0x2f: {  	v5 =	vld.idx.msk [tilespmem:v5+s3+$0x0], $0xffff;
	v8 =	vor.u32 s8, v12  }
0x30: {  	v4 =	vld.idx.msk [tilespmem:v4+s3+$0x0], $0xffff;
	v9 =	vor.u32 s1, v12  }
0x31: {  	[tilespmem:v1+s9+$0x0] =	vst.idx.msk $0xffff, v0  }
0x32: {  	[tilespmem:v6+s9+$0x0] =	vst.idx.msk $0xffff, v2  }
0x33: {  	[tilespmem:v7+s9+$0x0] =	vst.idx.msk $0xffff, v3  }
0x34: {  	[tilespmem:v8+s9+$0x0] =	vst.idx.msk $0xffff, v5  }
0x35: {  	[tilespmem:v9+s9+$0x0] =	vst.idx.msk $0xffff, v4  }
0x36: {  	s31 =	simm.s32 $0x500;
	s23 =	simm.s32 $0x0;
	s0 =	rddreg [dreg:$0x3]  }
0x37: {  	[tilespmem:s11], [sflag:$0x1] =	stream.indirect.gather [hbm4b:s0+s31], $0x20, s9, s31, $0xb8;
	[tilespmem:$0x1CE00] =	vst v63  }
.LBB2_4:
0x38: {  	s26 =	sshllo.u32 s23, $0x1  }
0x39: {  	s0 =	smul.u32 $0xCD, s26;
	_ =	sdelay $0x1  }
0x3a: {  	s0 =	sshrl.u32 s0, $0xA  }
0x3b: {  	s25 =	sand.u32 $0x3F, s0  }
0x3c: {  	s0 =	smul.u32 $0x5, s25;
	_ =	sdelay $0x1  }
0x3d: {  	s1 =	simm.s32 $0x0;
	s0 =	ssub.s32 s26, s0  }
0x3e: {  	s4 =	simm.s32 $0x0;
	s1 =	sand.u32 $0x4, s1;
	s0 =	smul.u32 $0xA, s0  }
0x3f: {  	s7 =	sor.u32 $0x2, s1;
	s10 =	sor.u32 $0x3, s1;
	s5 =	smul.u32 $0x1900, s25  }
0x40: {  	s30 =	sor.u32 $0x1, s1;
	s13 =	smul.u32 $0x320, s1;
	s24 =	sand.u32 $0xFE, s0  }
0x41: {  	s31 =	sshll.u32 s1, $0x4;
	s8 =	smul.u32 $0x320, s7;
	s0 =	sor.u32 s24, s5  }
0x42: {  	s1 =	simm.s32 $0x4;
	s22 =	smul.u32 $0x320, s10;
	s29 =	sadd.s32 $0x0, s0  }
0x43: {  	s7 =	sshll.u32 s7, $0x4;
	s12 =	smul.u32 $0x320, s30;
	s8 =	sadd.s32 s29, s8  }
0x44: {  	s19 =	sshll.u32 s30, $0x4;
	s5 =	sshll.u32 s10, $0x4;
	s14 =	sadd.s32 s29, s22;
	v0 =	vadd.s32 s8, v13  }
0x45: {  	s7 =	sor.u32 s4, s7;
	s5 =	sor.u32 s4, s5;
	s10 =	sadd.s32 s29, s12;
	v1 =	vadd.s32 s14, v13  }
0x46: {  	s22 =	sor.u32 s4, s19;
	s14 =	sadd.s32 s13, s29;
	s13 =	sand.u32 $0x4, s1  }
0x47: {  	s8 =	sor.u32 s31, s4;
	v2 =	vadd.s32 s14, v13;
	s12 =	sor.u32 $0x3, s13;
	s19 =	sor.u32 $0x2, s13  }
0x48: {  	v3 =	vadd.s32 s10, v13;
	s4 =	sor.u32 $0x1, s13;
	s31 =	sshll.u32 s13, $0x4;
	s13 =	smul.u32 $0x320, s13  }
0x49: {  	v7 =	vadd.s32 s7, v14;
	s30 =	smul.u32 $0x320, s12;
	v6 =	vld.idx.msk [tilespmem:v0+s3+$0x0], $0xffff  }
0x4a: {  	v9 =	vadd.s32 s5, v14;
	s10 =	smul.u32 $0x320, s19;
	v8 =	vld.idx.msk [tilespmem:v1+s3+$0x0], $0xffff  }
0x4b: {  	s28 =	sshll.u32 s23, $0x1;
	s5 =	sadd.s32 $0x0, s0;
	s14 =	smul.u32 $0x320, s4  }
0x4c: {  	v4 =	vadd.s32 s8, v14;
	s29 =	sshll.u32 s19, $0x4;
	s19 =	sshll.u32 s4, $0x4;
	s4 =	simm.s32 $0x0;
	v0 =	vld.idx.msk [tilespmem:v2+s3+$0x0], $0xffff  }
0x4d: {  	s8 =	sadd.s32 s5, s10;
	s10 =	sshll.u32 s12, $0x4;
	s12 =	sadd.s32 s5, s14;
	v1 =	vld.idx.msk [tilespmem:v3+s3+$0x0], $0xffff;
	v3 =	vadd.s32 s22, v14  }
0x4e: {  	s14 =	sadd.s32 s5, s30;
	s30 =	sadd.s32 s13, s5;
	s5 =	sor.u32 s4, s19;
	v5 =	vadd.s32 s8, v13;
	[tilespmem:v7+s9+$0x0] =	vst.idx.msk $0xffff, v6  }
0x4f: {  	s7 =	sor.u32 s4, s10;
	s22 =	sor.u32 s4, s29;
	s8 =	sor.u32 s31, s4;
	v2 =	vadd.s32 s12, v13;
	v7 =	vadd.s32 s14, v13;
	v6 =	vadd.s32 s30, v13;
	[tilespmem:v9+s9+$0x0] =	vst.idx.msk $0xffff, v8  }
.LBB2_5:
0x50: {  	s1 =	sadd.s32 $0x4, s1  }
0x51: {  	[tilespmem:v4+s9+$0x0] =	vst.idx.msk $0xffff, v0;
	s10 =	sand.u32 $0x4, s1  }
0x52: {  	s4 =	sshrl.u32 s1, $0x3;
	p0 =	slt.u32 s1, $0x4C;
	[tilespmem:v3+s9+$0x0] =	vst.idx.msk $0xffff, v1;
	s14 =	sor.u32 $0x3, s10  }
0x53: {  	s12 =	sor.u32 $0x1, s10;
	s13 =	sor.u32 $0x2, s10;
	v8 =	vld.idx.msk [tilespmem:v5+s3+$0x0], $0xffff;
	s30 =	smul.u32 $0x320, s14  }
0x54: {  	v9 =	vadd.s32 s22, v14;
	s19 =	sshll.u32 s10, $0x4;
	s29 =	sshll.u32 s13, $0x4;
	v10 =	vld.idx.msk [tilespmem:v7+s3+$0x0], $0xffff;
	s13 =	smul.u32 $0x320, s13  }
0x55: {  	v11 =	vadd.s32 s7, v14;
	s22 =	sadd.s32 s4, s0;
	s31 =	sshll.u32 s12, $0x4;
	s7 =	smul.u32 $0x320, s12;
	v0 =	vld.idx.msk [tilespmem:v6+s3+$0x0], $0xffff  }
.Ltmp1:
0x56: {  	v4 =	vadd.s32 s8, v14;
	v3 =	vadd.s32 s5, v14;
	s4 =	sshll.u32 s4, $0x7;
	v1 =	vld.idx.msk [tilespmem:v2+s3+$0x0], $0xffff;
	(pc) =	sbr.rel @p0 .LBB2_5-.Ltmp1, $4  }
0x57: {  	s5 =	smul.u32 $0x320, s10;
	s10 =	sshll.u32 s14, $0x4;
	s8 =	sadd.s32 s22, s13  }
0x58: {  	s12 =	sadd.s32 s22, s7;
	s7 =	sor.u32 s4, s10;
	v5 =	vadd.s32 s8, v13;
	s8 =	sadd.s32 s22, s30  }
0x59: {  	s10 =	sadd.s32 s5, s22;
	s5 =	sor.u32 s4, s31;
	v2 =	vadd.s32 s12, v13;
	s22 =	sor.u32 s4, s29;
	v7 =	vadd.s32 s8, v13;
	[tilespmem:v9+s9+$0x0] =	vst.idx.msk $0xffff, v8  }
0x5a: {  	v6 =	vadd.s32 s10, v13;
	s8 =	sor.u32 s19, s4;
	[tilespmem:v11+s9+$0x0] =	vst.idx.msk $0xffff, v10  }
0x5b: {  	_ =	sdelay $0x3  }
0x5c: {  	v5 =	vld.idx.msk [tilespmem:v5+s3+$0x0], $0xffff;
	v8 =	vadd.s32 s22, v14  }
0x5d: {  	v7 =	vld.idx.msk [tilespmem:v7+s3+$0x0], $0xffff;
	v9 =	vadd.s32 s7, v14  }
0x5e: {  	v6 =	vld.idx.msk [tilespmem:v6+s3+$0x0], $0xffff;
	v10 =	vadd.s32 s8, v14  }
0x5f: {  	s0 =	smul.u32 $0xCD, s28;
	[tilespmem:v4+s9+$0x0] =	vst.idx.msk $0xffff, v0;
	v62 =	vld.idx.msk [tilespmem:v2+s3+$0x0], $0xffff;
	v63 =	vadd.s32 s5, v14  }
0x60: {  	[tilespmem:v3+s9+$0x0] =	vst.idx.msk $0xffff, v1  }
0x61: {  	s0 =	sshrl.u32 s0, $0xA;
	[tilespmem:v8+s9+$0x0] =	vst.idx.msk $0xffff, v5  }
0x62: {  	s0 =	sand.u32 $0x3F, s0;
	[tilespmem:v9+s9+$0x0] =	vst.idx.msk $0xffff, v7  }
0x63: {  	s1 =	smul.u32 $0x5, s0;
	[tilespmem:v10+s9+$0x0] =	vst.idx.msk $0xffff, v6  }
0x64: {  	s13 =	simm.s32 $0x500;
	s14 =	simm.s32 $0x6900;
	s19 =	simm.s32 $0x10E00;
	[tilespmem:v63+s9+$0x0] =	vst.idx.msk $0xffff, v62  }
0x65: {  	s22 =	simm.s32 $0x1;
	s1 =	ssub.s32 s28, s1;
	s4 =	rddreg [dreg:$0x3]  }
0x66: {  	[tilespmem:s19], [sflag:$0x2] =	stream.indirect.gather [hbm4b:s4+s13], $0x20, s14, s13, $0xb8;
	[tilespmem:$0x1CE00] =	vst v63  }
0x67: {  	s0 =	sadd.s32 s0, s6;
	s1 =	smul.u32 $0xA, s1;
	_ =	swait.ge [sflag:s22], $0xA000  }
0x68: {  	s30 =	smul.u32 $0x14, s23;
	s31 =	sshll.u32 s0, $0xA;
	[sflag:s22] =	ssyncset.done $0x0  }
0x69: {  	s29 =	sand.u32 $0xFE, s1;
	s1 =	simm.s32 $0x0;
	[sflag:s22] =	ssyncadd.s32 $0xFFFF6000  }
.LBB2_7:
0x6a: {  	v13 =	vld [tilespmem:$0x1FFD0];
	_ =	sdelay $0x1  }
0x6b: {  	s5 =	simm.s32 $0x0;
	s7 =	sshll.u32 s1, $0x8  }
0x6c: {  	v0 =	vmov s5;
	v1 =	vmov s7  }
0x6d: {  	v0 =	vshrl.u32 v0, $0x3;
	v1 =	vshll.u32 v1, $0x5  }
0x6e: {  	v0 =	vshll.u32 v0, $0x3;
	v12 =	vor.u32 v13, v1  }
0x6f: {  	s0 =	sor.u32 s30, s1;
	v4 =	vbroadcast v0, $0x0;
	v0 =	vor.u32 $0x6, v12  }
0x70: {  	p0 =	seq.s32 s0, $0x0;
	v1 =	vor.u32 $0x7, v12;
	[tilespmem:$0x1FE20] =	vst v0  }
0x71: {  	s4 =	sor.u32 $0x10, s7;
	s0 =	simm.s32 @!p0 $0x3;
	v0 =	vor.u32 v0, v4;
	[tilespmem:$0x1FE30] =	vst v1  }
0x72: {  	v2 =	vmov s4;
	v3 =	vor.u32 $0x5, v12;
	v1 =	vor.u32 v1, v4;
	_ =	swait.ge @!p0 [sflag:s0], $0x1000  }
0x73: {  	v2 =	vshll.u32 v2, $0x5;
	v6 =	vor.u32 $0x1, v12;
	[tilespmem:$0x1FE40] =	vst v3;
	v3 =	vor.u32 v3, v4  }
0x74: {  	v17 =	vor.u32 v13, v2;
	v5 =	vor.u32 v12, v4;
	v7 =	vor.u32 $0x2, v12;
	[sflag:s0] =	ssyncset.done @!p0 $0x0;
	[tilespmem:$0x1FE50] =	vst v6  }
0x75: {  	v8 =	vor.u32 $0x6, v17;
	[tilespmem:$0x1FE60] =	vst v7;
	[sflag:s0] =	ssyncadd.s32 @!p0 $0xFFFFF000  }
0x76: {  	v2 =	vor.u32 v6, v4;
	v0 =	vld.idx.msk [tilespmem:v0+s11+$0x0], $0xffff;
	[tilespmem:$0x1FE70] =	vst v8  }
0x77: {  	v9 =	vor.u32 $0x7, v17;
	v1 =	vld.idx.msk [tilespmem:v1+s11+$0x0], $0xffff  }
0x78: {  	v10 =	vor.u32 $0x5, v17;
	v3 =	vld.idx.msk [tilespmem:v3+s11+$0x0], $0xffff;
	[tilespmem:$0x1FE80] =	vst v9  }
0x79: {  	v11 =	vor.u32 $0x4, v12;
	v6 =	vor.u32 v7, v4;
	v5 =	vld.idx.msk [tilespmem:v5+s11+$0x0], $0xffff;
	[tilespmem:$0x1FE90] =	vst v10  }
0x7a: {  	[tilespmem:$0x1FEA0] =	vst v11  }
0x7b: {  	v14 =	vor.u32 $0x1, v17;
	v2 =	vld.idx.msk [tilespmem:v2+s11+$0x0], $0xffff;
	[tilespmem:$0x1FEB0] =	vst v12  }
0x7c: {  	s10 =	sor.u32 $0x20, s7;
	v7 =	vor.u32 v8, v4;
	s0 =	simm.s32 $0x1B000;
	[tilespmem:$0x1FEC0] =	vst v14  }
0x7d: {  	v8 =	vor.u32 v9, v4;
	v9 =	vmov s10;
	v12 =	vor.u32 $0x3, v12;
	[tilespmem:s0+$0x100] =	vst v0  }
0x7e: {  	v10 =	vor.u32 v10, v4;
	v9 =	vshll.u32 v9, $0x5;
	v6 =	vld.idx.msk [tilespmem:v6+s11+$0x0], $0xffff;
	[tilespmem:$0x1FED0] =	vst v12  }
0x7f: {  	v15 =	vor.u32 v13, v9;
	[tilespmem:s0+$0x180] =	vst v1  }
0x80: {  	v11 =	vor.u32 v11, v4;
	v9 =	vor.u32 v14, v4;
	v14 =	vor.u32 $0x6, v15;
	[tilespmem:s0+$0x80] =	vst v3  }
0x81: {  	v7 =	vld.idx.msk [tilespmem:v7+s11+$0x0], $0xffff;
	[tilespmem:$0x1FEE0] =	vst v14  }
0x82: {  	v0 =	vor.u32 v12, v4;
	v12 =	vor.u32 $0x7, v15;
	v3 =	vld.idx.msk [tilespmem:v8+s11+$0x0], $0xffff;
	[tilespmem:s0+$0xFFFFFE00] =	vst v5  }
0x83: {  	v5 =	vld.idx.msk [tilespmem:v10+s11+$0x0], $0xffff;
	[tilespmem:$0x1FEF0] =	vst v12  }
0x84: {  	v1 =	vor.u32 v14, v4;
	v14 =	vor.u32 $0x5, v15;
	[tilespmem:s0+$0xFFFFFE80] =	vst v2  }
0x85: {  	v8 =	vor.u32 v12, v4;
	v12 =	vor.u32 $0x4, v17;
	v11 =	vld.idx.msk [tilespmem:v11+s11+$0x0], $0xffff;
	[tilespmem:$0x1FF00] =	vst v14  }
0x86: {  	s12 =	sor.u32 $0x30, s7;
	[tilespmem:$0x1FF10] =	vst v12  }
0x87: {  	v16 =	vor.u32 $0x1, v15;
	v10 =	vmov s12;
	v9 =	vld.idx.msk [tilespmem:v9+s11+$0x0], $0xffff;
	[tilespmem:s0+$0xFFFFFF00] =	vst v6  }
0x88: {  	v10 =	vshll.u32 v10, $0x5;
	v0 =	vld.idx.msk [tilespmem:v0+s11+$0x0], $0xffff;
	[tilespmem:$0x1FF20] =	vst v16  }
0x89: {  	v2 =	vor.u32 v14, v4;
	v14 =	vor.u32 v13, v10;
	v10 =	vor.u32 $0x2, v17;
	[tilespmem:s0+$0x110] =	vst v7  }
0x8a: {  	[tilespmem:$0x1FF30] =	vst v10  }
0x8b: {  	[tilespmem:s0+$0x190] =	vst v3  }
0x8c: {  	v6 =	vor.u32 v16, v4;
	v16 =	vor.u32 $0x6, v14;
	[tilespmem:s0+$0x90] =	vst v5  }
0x8d: {  	v1 =	vld.idx.msk [tilespmem:v1+s11+$0x0], $0xffff;
	[tilespmem:$0x1FF40] =	vst v16  }
0x8e: {  	v12 =	vor.u32 v12, v4;
	v7 =	vor.u32 v10, v4;
	v10 =	vor.u32 $0x7, v14;
	v5 =	vld.idx.msk [tilespmem:v8+s11+$0x0], $0xffff;
	[tilespmem:s0+$0x0] =	vst v11  }
0x8f: {  	v2 =	vld.idx.msk [tilespmem:v2+s11+$0x0], $0xffff;
	[tilespmem:$0x1FF50] =	vst v10  }
0x90: {  	v3 =	vor.u32 v16, v4;
	v16 =	vor.u32 $0x5, v14;
	[tilespmem:s0+$0xFFFFFE90] =	vst v9  }
0x91: {  	[tilespmem:$0x1FF60] =	vst v16  }
0x92: {  	v18 =	vor.u32 $0x4, v15;
	[tilespmem:s0+$0xFFFFFF80] =	vst v0  }
0x93: {  	v11 =	vld.idx.msk [tilespmem:v12+s11+$0x0], $0xffff;
	v12 =	vor.u32 $0x3, v17;
	[tilespmem:$0x1FF70] =	vst v18  }
0x94: {  	s13 =	sor.u32 $0x40, s7;
	v8 =	vor.u32 v10, v4;
	v6 =	vld.idx.msk [tilespmem:v6+s11+$0x0], $0xffff;
	[tilespmem:$0x1FF80] =	vst v12  }
0x95: {  	v10 =	vmov s13;
	v0 =	vor.u32 v18, v4;
	v18 =	vor.u32 $0x2, v15;
	[tilespmem:s0+$0x120] =	vst v1  }
0x96: {  	v9 =	vor.u32 v16, v4;
	v10 =	vshll.u32 v10, $0x5;
	v7 =	vld.idx.msk [tilespmem:v7+s11+$0x0], $0xffff;
	[tilespmem:$0x1FF90] =	vst v18  }
0x97: {  	v16 =	vor.u32 v13, v10;
	[tilespmem:s0+$0x1A0] =	vst v5  }
0x98: {  	v10 =	vor.u32 v12, v4;
	v12 =	vor.u32 $0x6, v16;
	v3 =	vld.idx.msk [tilespmem:v3+s11+$0x0], $0xffff;
	[tilespmem:s0+$0xA0] =	vst v2  }
0x99: {  	v2 =	vld.idx.msk [tilespmem:v8+s11+$0x0], $0xffff;
	[tilespmem:$0x1FFA0] =	vst v12  }
0x9a: {  	v1 =	vor.u32 v18, v4;
	v18 =	vor.u32 $0x7, v16;
	[tilespmem:s0+$0x10] =	vst v11  }
0x9b: {  	v8 =	vld.idx.msk [tilespmem:v9+s11+$0x0], $0xffff;
	[tilespmem:$0x1FFB0] =	vst v18  }
0x9c: {  	v5 =	vor.u32 v12, v4;
	v12 =	vor.u32 $0x5, v16;
	[tilespmem:s0+$0xFFFFFEA0] =	vst v6  }
0x9d: {  	s14 =	sor.u32 $0x50, s7;
	v41 =	vor.u32 $0x2, v14;
	v9 =	vor.u32 v18, v4;
	[tilespmem:$0x1FFC0] =	vst v12  }
0x9e: {  	v11 =	vmov s14;
	v18 =	vor.u32 $0x4, v14;
	v6 =	vor.u32 v12, v4;
	v0 =	vld.idx.msk [tilespmem:v0+s11+$0x0], $0xffff  }
0x9f: {  	v33 =	vmovc v15;
	v15 =	vor.u32 $0x3, v15;
	v11 =	vshll.u32 v11, $0x5;
	v12 =	vor.u32 v18, v4;
	[tilespmem:s0+$0xFFFFFF10] =	vst v7;
	v7 =	vld.idx.msk [tilespmem:v10+s11+$0x0], $0xffff  }
0xa0: {  	v37 =	vmov v18;
	v18 =	vor.u32 v13, v11;
	v10 =	vor.u32 v15, v4;
	[tilespmem:s0+$0x130] =	vst v3;
	v1 =	vld.idx.msk [tilespmem:v1+s11+$0x0], $0xffff  }
0xa1: {  	v42 =	vor.u32 $0x6, v18;
	v3 =	vor.u32 v41, v4;
	[tilespmem:s0+$0x1B0] =	vst v2;
	v5 =	vld.idx.msk [tilespmem:v5+s11+$0x0], $0xffff  }
0xa2: {  	s19 =	sor.u32 $0x60, s7;
	v43 =	vor.u32 $0x7, v18;
	[tilespmem:s0+$0xB0] =	vst v8;
	v2 =	vld.idx.msk [tilespmem:v9+s11+$0x0], $0xffff;
	v8 =	vor.u32 v42, v4  }
0xa3: {  	v45 =	vor.u32 $0x5, v18;
	v9 =	vmov s19;
	v6 =	vld.idx.msk [tilespmem:v6+s11+$0x0], $0xffff;
	[tilespmem:s0+$0x20] =	vst v0;
	v0 =	vor.u32 v43, v4  }
0xa4: {  	v47 =	vor.u32 $0x4, v16;
	v9 =	vshll.u32 v9, $0x5;
	[tilespmem:s0+$0xFFFFFF90] =	vst v7;
	v7 =	vor.u32 v45, v4;
	v11 =	vld.idx.msk [tilespmem:v12+s11+$0x0], $0xffff  }
0xa5: {  	s22 =	sor.u32 $0x70, s7;
	v48 =	vor.u32 $0x3, v14;
	v19 =	vor.u32 v13, v9;
	v9 =	vor.u32 v47, v4;
	v10 =	vld.idx.msk [tilespmem:v10+s11+$0x0], $0xffff;
	[tilespmem:s0+$0xFFFFFF20] =	vst v1  }
0xa6: {  	v53 =	vor.u32 $0x2, v16;
	v1 =	vmov s22;
	v12 =	vor.u32 v48, v4;
	[tilespmem:s0+$0x140] =	vst v5;
	v3 =	vld.idx.msk [tilespmem:v3+s11+$0x0], $0xffff  }
0xa7: {  	v32 =	vmovc v17;
	v54 =	vor.u32 $0x6, v19;
	v5 =	vor.u32 v53, v4;
	[tilespmem:s0+$0x1C0] =	vst v2;
	v1 =	vshll.u32 v1, $0x5;
	v8 =	vld.idx.msk [tilespmem:v8+s11+$0x0], $0xffff  }
0xa8: {  	v56 =	vor.u32 $0x7, v19;
	v20 =	vor.u32 v13, v1;
	[tilespmem:s0+$0xC0] =	vst v6;
	v6 =	vor.u32 v54, v4;
	v1 =	vld.idx.msk [tilespmem:v0+s11+$0x0], $0xffff  }
0xa9: {  	v34 =	vmovc v14;
	v60 =	vor.u32 $0x1, v14;
	v61 =	vor.u32 $0x5, v19;
	v13 =	vor.u32 v56, v4;
	v7 =	vld.idx.msk [tilespmem:v7+s11+$0x0], $0xffff;
	[tilespmem:s0+$0x30] =	vst v11  }
0xaa: {  	v62 =	vor.u32 $0x1, v16;
	v17 =	vor.u32 v17, v4;
	[tilespmem:s0+$0xFFFFFFA0] =	vst v10;
	v10 =	vor.u32 v61, v4;
	v9 =	vld.idx.msk [tilespmem:v9+s11+$0x0], $0xffff  }
0xab: {  	v36 =	vmovc v15;
	v14 =	vor.u32 v60, v4;
	v55 =	vor.u32 $0x1, v18;
	v63 =	vor.u32 $0x4, v18;
	[tilespmem:s0+$0xFFFFFF30] =	vst v3;
	v15 =	vld.idx.msk [tilespmem:v12+s11+$0x0], $0xffff  }
0xac: {  	v50 =	vor.u32 $0x1, v19;
	v0 =	vor.u32 $0x3, v16;
	[tilespmem:s0+$0x150] =	vst v8;
	v8 =	vor.u32 v63, v4;
	v11 =	vld.idx.msk [tilespmem:v5+s11+$0x0], $0xffff  }
0xad: {  	v35 =	vmovc v16;
	v58 =	vor.u32 $0x2, v19;
	v59 =	vor.u32 $0x3, v19;
	v16 =	vor.u32 v0, v4;
	v44 =	vld.idx.msk [tilespmem:v6+s11+$0x0], $0xffff;
	[tilespmem:s0+$0x1D0] =	vst v1  }
0xae: {  	v2 =	vor.u32 $0x2, v18;
	v46 =	vor.u32 $0x1, v20;
	v49 =	vor.u32 $0x2, v20;
	[tilespmem:s0+$0xD0] =	vst v7;
	v12 =	vld.idx.msk [tilespmem:v13+s11+$0x0], $0xffff  }
0xaf: {  	v51 =	vor.u32 $0x3, v20;
	v57 =	vor.u32 $0x4, v20;
	v52 =	vor.u32 $0x6, v20;
	v13 =	vld.idx.msk [tilespmem:v10+s11+$0x0], $0xffff;
	[tilespmem:s0+$0x40] =	vst v9  }
0xb0: {  	v39 =	vmovc v18;
	v3 =	vor.u32 $0x3, v18;
	v18 =	vor.u32 v2, v4;
	v6 =	vor.u32 $0x4, v19;
	[tilespmem:s0+$0xFFFFFFB0] =	vst v15;
	v15 =	vld.idx.msk [tilespmem:v14+s11+$0x0], $0xffff  }
0xb1: {  	s8 =	sshll.u32 s1, $0x1;
	v38 =	vmovc v19;
	v40 =	vmovc v20;
	v5 =	vor.u32 $0x5, v20;
	v7 =	vor.u32 $0x7, v20;
	v1 =	vor.u32 v6, v4;
	v10 =	vld.idx.msk [tilespmem:v8+s11+$0x0], $0xffff  }
0xb2: {  	s7 =	simm.s32 $0x1B000;
	s22 =	sadd.s32 s29, s8;
	v14 =	vor.u32 v5, v4;
	v8 =	vor.u32 v62, v4;
	v9 =	vld.idx.msk [tilespmem:v16+s11+$0x0], $0xffff;
	v16 =	vor.u32 v7, v4  }
.LBB2_8:
0xb3: {  	_ =	sdelay $0x2  }
0xb4: {  	[tilespmem:s0+$0x50] =	vst v10  }
0xb5: {  	s5 =	sadd.s32 $0x8, s5;
	v24 =	vld.idx.msk [tilespmem:v1+s11+$0x0], $0xffff  }
0xb6: {  	[tilespmem:s0+$0xFFFFFF40] =	vst v11;
	v11 =	vmov s5;
	v1 =	vld [tilespmem:$0x1FEB0]  }
0xb7: {  	v11 =	vshrl.u32 v11, $0x3  }
0xb8: {  	v11 =	vshll.u32 v11, $0x3  }
0xb9: {  	[tilespmem:s0+$0x1E0] =	vst v12;
	v12 =	vbroadcast v11, $0x0;
	_ =	sdelay $0x1  }
0xba: {  	v23 =	vor.u32 v1, v12;
	v1 =	vld [tilespmem:$0x1FE50]  }
0xbb: {  	v17 =	vld.idx.msk [tilespmem:v17+s11+$0x0], $0xffff  }
0xbc: {  	v29 =	vld [tilespmem:$0x1FE40]  }
0xbd: {  	v30 =	vld [tilespmem:$0x1FE20]  }
0xbe: {  	v31 =	vld [tilespmem:$0x1FF30]  }
0xbf: {  	v25 =	vor.u32 v1, v12;
	v1 =	vld [tilespmem:$0x1FF80]  }
0xc0: {  	v19 =	vor.u32 v3, v4;
	[tilespmem:s0+$0xE0] =	vst v13;
	v18 =	vld.idx.msk [tilespmem:v18+s11+$0x0], $0xffff  }
0xc1: {  	[tilespmem:s0+$0xFFFFFEB0] =	vst v15;
	v15 =	vor.u32 v33, v4;
	v16 =	vld.idx.msk [tilespmem:v16+s11+$0x0], $0xffff  }
0xc2: {  	v22 =	vor.u32 v58, v4;
	v14 =	vld.idx.msk [tilespmem:v14+s11+$0x0], $0xffff  }
0xc3: {  	v20 =	vld.idx.msk [tilespmem:v8+s11+$0x0], $0xffff  }
0xc4: {  	[tilespmem:s0+$0xFFFFFFC0] =	vst v9;
	v26 =	vor.u32 v1, v12;
	v1 =	vld [tilespmem:$0x1FEC0]  }
0xc5: {  	v19 =	vld.idx.msk [tilespmem:v19+s11+$0x0], $0xffff;
	[tilespmem:s0+$0xFFFFFE10] =	vst v17  }
0xc6: {  	v15 =	vld.idx.msk [tilespmem:v15+s11+$0x0], $0xffff;
	[tilespmem:s0+$0xFFFFFF50] =	vst v18  }
0xc7: {  	v22 =	vld.idx.msk [tilespmem:v22+s11+$0x0], $0xffff  }
0xc8: {  	[tilespmem:s0+$0xF0] =	vst v14;
	v14 =	vld.idx.msk [tilespmem:v23+s11+$0x0], $0xffff  }
0xc9: {  	v18 =	vor.u32 v1, v12;
	v1 =	vld [tilespmem:$0x1FE60]  }
0xca: {  	v21 =	vor.u32 v55, v4;
	v23 =	vor.u32 v29, v12;
	v29 =	vld [tilespmem:$0x1FE90]  }
0xcb: {  	[tilespmem:s0+$0x60] =	vst v24;
	v24 =	vld.idx.msk [tilespmem:v25+s11+$0x0], $0xffff  }
0xcc: {  	v25 =	vor.u32 v30, v12;
	[tilespmem:s0+$0xFFFFFEC0] =	vst v20;
	v20 =	vld [tilespmem:$0x1FE30]  }
0xcd: {  	[tilespmem:s0+$0x1F0] =	vst v16;
	v30 =	vld [tilespmem:$0x1FF20]  }
0xce: {  	[tilespmem:s0+$0xFFFFFFD0] =	vst v19;
	v27 =	vor.u32 v1, v12;
	v1 =	vld [tilespmem:$0x1FED0]  }
0xcf: {  	[tilespmem:s0+$0xFFFFFE20] =	vst v15;
	s0 =	sadd.s32 $0x400, s0;
	v21 =	vld.idx.msk [tilespmem:v21+s11+$0x0], $0xffff  }
0xd0: {  	[tilespmem:s0+$0xFFFFFE00] =	vst v14;
	v14 =	vld [tilespmem:$0x1FF10]  }
0xd1: {  	v25 =	vld.idx.msk [tilespmem:v25+s11+$0x0], $0xffff  }
0xd2: {  	[tilespmem:s0+$0xFFFFFE80] =	vst v24;
	v24 =	vor.u32 v29, v12;
	v29 =	vld [tilespmem:$0x1FE70]  }
0xd3: {  	v20 =	vor.u32 v20, v12;
	v17 =	vor.u32 v1, v12;
	v1 =	vld [tilespmem:$0x1FEA0]  }
0xd4: {  	v19 =	vld.idx.msk [tilespmem:v27+s11+$0x0], $0xffff  }
0xd5: {  	[tilespmem:s7+$0xFFFFFF60] =	vst v22;
	v22 =	vld.idx.msk [tilespmem:v23+s11+$0x0], $0xffff  }
0xd6: {  	[tilespmem:s7+$0xFFFFFED0] =	vst v21;
	v21 =	vor.u32 v30, v12;
	v30 =	vld [tilespmem:$0x1FEF0]  }
0xd7: {  	v27 =	vor.u32 v31, v12;
	v31 =	vld [tilespmem:$0x1FF00]  }
0xd8: {  	v20 =	vld.idx.msk [tilespmem:v20+s11+$0x0], $0xffff;
	v16 =	vor.u32 v1, v12  }
0xd9: {  	v29 =	vor.u32 v29, v12;
	[tilespmem:s0+$0xFFFFFF00] =	vst v19;
	v19 =	vld [tilespmem:$0x1FE80]  }
0xda: {  	v17 =	vld.idx.msk [tilespmem:v17+s11+$0x0], $0xffff;
	[tilespmem:s0+$0x80] =	vst v22  }
0xdb: {  	v24 =	vld.idx.msk [tilespmem:v24+s11+$0x0], $0xffff  }
0xdc: {  	v18 =	vld.idx.msk [tilespmem:v18+s11+$0x0], $0xffff;
	[tilespmem:s0+$0x100] =	vst v25;
	v25 =	vor.u32 v31, v12  }
0xdd: {  	v15 =	vld.idx.msk [tilespmem:v16+s11+$0x0], $0xffff;
	v16 =	vor.u32 v59, v4  }
0xde: {  	v29 =	vld.idx.msk [tilespmem:v29+s11+$0x0], $0xffff;
	v19 =	vor.u32 v19, v12  }
0xdf: {  	v23 =	vor.u32 v57, v4;
	v31 =	vld [tilespmem:$0x1FF60];
	[tilespmem:s0+$0xFFFFFF80] =	vst v17  }
0xe0: {  	v28 =	vor.u32 v50, v4;
	v17 =	vld [tilespmem:$0x1FF90];
	[tilespmem:s0+$0x90] =	vst v24  }
0xe1: {  	v25 =	vld.idx.msk [tilespmem:v25+s11+$0x0], $0xffff  }
0xe2: {  	[tilespmem:s0+$0x180] =	vst v20;
	v16 =	vld.idx.msk [tilespmem:v16+s11+$0x0], $0xffff  }
0xe3: {  	[tilespmem:s0+$0x0] =	vst v15;
	v19 =	vld.idx.msk [tilespmem:v19+s11+$0x0], $0xffff  }
0xe4: {  	v22 =	vor.u32 v34, v4;
	v15 =	vld.idx.msk [tilespmem:v23+s11+$0x0], $0xffff  }
0xe5: {  	v23 =	vld.idx.msk [tilespmem:v28+s11+$0x0], $0xffff  }
0xe6: {  	[tilespmem:s0+$0xFFFFFE90] =	vst v18;
	v18 =	vld [tilespmem:$0x1FEE0]  }
0xe7: {  	v20 =	vor.u32 v46, v4;
	v28 =	vld [tilespmem:$0x1FF70]  }
0xe8: {  	v30 =	vor.u32 v30, v12;
	v21 =	vld.idx.msk [tilespmem:v21+s11+$0x0], $0xffff;
	[tilespmem:s7+$0xFFFFFFE0] =	vst v16  }
0xe9: {  	v14 =	vor.u32 v14, v12;
	v16 =	vld.idx.msk [tilespmem:v22+s11+$0x0], $0xffff;
	[tilespmem:s0+$0x190] =	vst v19  }
0xea: {  	v19 =	vld [tilespmem:$0x1FF40];
	[tilespmem:s7+$0x70] =	vst v15  }
0xeb: {  	v18 =	vor.u32 v18, v12;
	v15 =	vld.idx.msk [tilespmem:v27+s11+$0x0], $0xffff;
	[tilespmem:s7+$0xFFFFFEE0] =	vst v23  }
0xec: {  	[tilespmem:s0+$0x110] =	vst v29;
	v24 =	vor.u32 v35, v4;
	v20 =	vld.idx.msk [tilespmem:v20+s11+$0x0], $0xffff  }
0xed: {  	v29 =	vor.u32 v49, v4;
	[tilespmem:s0+$0xFFFFFEA0] =	vst v21;
	v21 =	vld.idx.msk [tilespmem:v30+s11+$0x0], $0xffff  }
0xee: {  	v14 =	vld.idx.msk [tilespmem:v14+s11+$0x0], $0xffff  }
0xef: {  	v28 =	vor.u32 v28, v12;
	v30 =	vld [tilespmem:$0x1FF50]  }
0xf0: {  	[tilespmem:s7+$0xFFFFFE30] =	vst v16;
	v18 =	vld.idx.msk [tilespmem:v18+s11+$0x0], $0xffff  }
0xf1: {  	[tilespmem:s0+$0xFFFFFF10] =	vst v15;
	v15 =	vld.idx.msk [tilespmem:v24+s11+$0x0], $0xffff  }
0xf2: {  	[tilespmem:s7+$0xFFFFFEF0] =	vst v20;
	v16 =	vld.idx.msk [tilespmem:v29+s11+$0x0], $0xffff  }
0xf3: {  	v19 =	vor.u32 v19, v12;
	v20 =	vld.idx.msk [tilespmem:v26+s11+$0x0], $0xffff;
	[tilespmem:s0+$0x10] =	vst v14  }
0xf4: {  	v30 =	vor.u32 v30, v12;
	[tilespmem:s0+$0x1A0] =	vst v21;
	v21 =	vld.idx.msk [tilespmem:v28+s11+$0x0], $0xffff  }
0xf5: {  	v24 =	vor.u32 v39, v4;
	v28 =	vld [tilespmem:$0x1FFA0]  }
0xf6: {  	v17 =	vor.u32 v17, v12;
	[tilespmem:s0+$0x120] =	vst v18;
	v18 =	vld [tilespmem:$0x1FFC0]  }
0xf7: {  	v13 =	vor.u32 v36, v12;
	[tilespmem:s7+$0xFFFFFE40] =	vst v15;
	v15 =	vld [tilespmem:$0x1FFB0]  }
0xf8: {  	v31 =	vor.u32 v31, v12;
	v19 =	vld.idx.msk [tilespmem:v19+s11+$0x0], $0xffff  }
0xf9: {  	[tilespmem:s0+$0xA0] =	vst v25;
	v27 =	vor.u32 v37, v12;
	v14 =	vld.idx.msk [tilespmem:v30+s11+$0x0], $0xffff  }
0xfa: {  	v24 =	vld.idx.msk [tilespmem:v24+s11+$0x0], $0xffff;
	[tilespmem:s7+$0xFFFFFF70] =	vst v16;
	v28 =	vor.u32 v28, v12  }
0xfb: {  	[tilespmem:s0+$0xFFFFFF90] =	vst v20;
	v16 =	vld.idx.msk [tilespmem:v17+s11+$0x0], $0xffff;
	v17 =	vor.u32 v38, v4  }
0xfc: {  	v13 =	vld.idx.msk [tilespmem:v13+s11+$0x0], $0xffff;
	[tilespmem:s0+$0x20] =	vst v21;
	v15 =	vor.u32 v15, v12  }
0xfd: {  	v22 =	vor.u32 v41, v12;
	v26 =	vld.idx.msk [tilespmem:v31+s11+$0x0], $0xffff;
	[tilespmem:s0+$0x130] =	vst v19  }
0xfe: {  	v21 =	vld.idx.msk [tilespmem:v27+s11+$0x0], $0xffff;
	v18 =	vor.u32 v18, v12;
	[tilespmem:s0+$0x1B0] =	vst v14  }
0xff: {  	v14 =	vor.u32 v51, v4;
	[tilespmem:s7+$0xFFFFFE50] =	vst v24;
	v19 =	vld.idx.msk [tilespmem:v28+s11+$0x0], $0xffff  }
0x100: {  	v28 =	vor.u32 v42, v12;
	[tilespmem:s0+$0xFFFFFF20] =	vst v16;
	v17 =	vld.idx.msk [tilespmem:v17+s11+$0x0], $0xffff  }
0x101: {  	[tilespmem:s0+$0xFFFFFFA0] =	vst v13;
	v13 =	vor.u32 v40, v4;
	v15 =	vld.idx.msk [tilespmem:v15+s11+$0x0], $0xffff  }
0x102: {  	[tilespmem:s0+$0xB0] =	vst v26;
	v16 =	vor.u32 v43, v12;
	v22 =	vld.idx.msk [tilespmem:v22+s11+$0x0], $0xffff  }
0x103: {  	v11 =	vor.u32 v53, v12;
	[tilespmem:s0+$0x30] =	vst v21;
	v18 =	vld.idx.msk [tilespmem:v18+s11+$0x0], $0xffff  }
0x104: {  	v20 =	vor.u32 v45, v12;
	v14 =	vld.idx.msk [tilespmem:v14+s11+$0x0], $0xffff;
	[tilespmem:s0+$0x140] =	vst v19  }
0x105: {  	v25 =	vor.u32 v47, v12;
	[tilespmem:s7+$0xFFFFFE60] =	vst v17;
	v19 =	vld.idx.msk [tilespmem:v28+s11+$0x0], $0xffff  }
0x106: {  	v23 =	vor.u32 v48, v12;
	v30 =	vld.idx.msk [tilespmem:v13+s11+$0x0], $0xffff;
	[tilespmem:s0+$0x1C0] =	vst v15  }
0x107: {  	v9 =	vor.u32 v0, v12;
	[tilespmem:s0+$0xFFFFFF30] =	vst v22;
	v15 =	vld.idx.msk [tilespmem:v16+s11+$0x0], $0xffff;
	v16 =	vor.u32 v52, v4  }
0x108: {  	v8 =	vor.u32 v62, v12;
	v10 =	vor.u32 v60, v12;
	v11 =	vld.idx.msk [tilespmem:v11+s11+$0x0], $0xffff;
	[tilespmem:s0+$0xC0] =	vst v18;
	v4 =	vmov v12  }
0x109: {  	v1 =	vor.u32 v6, v12;
	[tilespmem:s7+$0x160] =	vst v44;
	v18 =	vld.idx.msk [tilespmem:v20+s11+$0x0], $0xffff;
	v12 =	vor.u32 v54, v4  }
0x10a: {  	v20 =	vld.idx.msk [tilespmem:v25+s11+$0x0], $0xffff;
	[tilespmem:s7+$0xFFFFFFF0] =	vst v14;
	v29 =	vor.u32 v56, v4  }
0x10b: {  	v13 =	vor.u32 v61, v4;
	v14 =	vld.idx.msk [tilespmem:v23+s11+$0x0], $0xffff;
	[tilespmem:s0+$0x150] =	vst v19  }
0x10c: {  	v31 =	vor.u32 v63, v4;
	v19 =	vld.idx.msk [tilespmem:v16+s11+$0x0], $0xffff  }
0x10d: {  	p0 =	slt.u32 s5, $0x18;
	[tilespmem:s0+$0x1D0] =	vst v15;
	v15 =	vld.idx.msk [tilespmem:v10+s11+$0x0], $0xffff  }
.Ltmp2:
0x10e: {  	[tilespmem:s7+$0xFFFFFE70] =	vst v30;
	v44 =	vld.idx.msk [tilespmem:v12+s11+$0x0], $0xffff;
	(pc) =	sbr.rel @p0 .LBB2_8-.Ltmp2, $4  }
0x10f: {  	[tilespmem:s0+$0xD0] =	vst v18;
	v12 =	vld.idx.msk [tilespmem:v29+s11+$0x0], $0xffff  }
0x110: {  	[tilespmem:s0+$0x40] =	vst v20;
	v13 =	vld.idx.msk [tilespmem:v13+s11+$0x0], $0xffff  }
0x111: {  	v17 =	vor.u32 v32, v4;
	v18 =	vor.u32 v2, v4;
	[tilespmem:s0+$0xFFFFFFB0] =	vst v14;
	v10 =	vld.idx.msk [tilespmem:v31+s11+$0x0], $0xffff  }
0x112: {  	v16 =	vor.u32 v7, v4;
	v14 =	vor.u32 v5, v4;
	v9 =	vld.idx.msk [tilespmem:v9+s11+$0x0], $0xffff;
	[tilespmem:s7+$0x170] =	vst v19;
	s7 =	smov.u32 s0  }
0x113: {  	_ =	sdelay $0x3  }
0x114: {  	v0 =	vld.idx.msk [tilespmem:v17+s11+$0x0], $0xffff  }
0x115: {  	v2 =	vor.u32 v33, v4;
	_ =	sdelay $0x3  }
0x116: {  	[tilespmem:s0+$0xFFFFFE10] =	vst v0  }
0x117: {  	v0 =	vld.idx.msk [tilespmem:v2+s11+$0x0], $0xffff  }
0x118: {  	v2 =	vor.u32 v34, v4;
	_ =	sdelay $0x3  }
0x119: {  	[tilespmem:s0+$0xFFFFFE20] =	vst v0  }
0x11a: {  	v0 =	vld.idx.msk [tilespmem:v2+s11+$0x0], $0xffff  }
0x11b: {  	[tilespmem:s0+$0xFFFFFEB0] =	vst v15;
	v2 =	vor.u32 v35, v4  }
0x11c: {  	v5 =	vld.idx.msk [tilespmem:v8+s11+$0x0], $0xffff  }
0x11d: {  	v6 =	vor.u32 v55, v4  }
0x11e: {  	[tilespmem:s0+$0xFFFFFF40] =	vst v11  }
0x11f: {  	[tilespmem:s7+$0xFFFFFE30] =	vst v0;
	v0 =	vor.u32 v3, v4  }
0x120: {  	[tilespmem:s7+$0x160] =	vst v44;
	v2 =	vld.idx.msk [tilespmem:v2+s11+$0x0], $0xffff  }
0x121: {  	v7 =	vld.idx.msk [tilespmem:v18+s11+$0x0], $0xffff;
	[tilespmem:s0+$0xFFFFFEC0] =	vst v5;
	v3 =	vor.u32 v39, v4  }
0x122: {  	[tilespmem:s0+$0x1E0] =	vst v12;
	v5 =	vld.idx.msk [tilespmem:v6+s11+$0x0], $0xffff  }
0x123: {  	v8 =	vor.u32 v50, v4;
	[tilespmem:s0+$0xFFFFFFC0] =	vst v9;
	v6 =	vld.idx.msk [tilespmem:v16+s11+$0x0], $0xffff  }
0x124: {  	[tilespmem:s0+$0x50] =	vst v10;
	v9 =	vor.u32 v58, v4;
	v0 =	vld.idx.msk [tilespmem:v0+s11+$0x0], $0xffff  }
0x125: {  	[tilespmem:s7+$0xFFFFFE40] =	vst v2;
	v2 =	vor.u32 v59, v4  }
0x126: {  	[tilespmem:s0+$0xFFFFFF50] =	vst v7;
	v3 =	vld.idx.msk [tilespmem:v3+s11+$0x0], $0xffff  }
0x127: {  	v1 =	vld.idx.msk [tilespmem:v1+s11+$0x0], $0xffff;
	v7 =	vor.u32 v38, v4;
	[tilespmem:s7+$0xFFFFFED0] =	vst v5  }
0x128: {  	[tilespmem:s0+$0x1F0] =	vst v6;
	v5 =	vor.u32 v57, v4;
	v6 =	vld.idx.msk [tilespmem:v8+s11+$0x0], $0xffff  }
0x129: {  	v8 =	vld.idx.msk [tilespmem:v9+s11+$0x0], $0xffff;
	[tilespmem:s0+$0xFFFFFFD0] =	vst v0;
	v0 =	vor.u32 v46, v4  }
0x12a: {  	[tilespmem:s0+$0xE0] =	vst v13;
	v9 =	vor.u32 v49, v4;
	v2 =	vld.idx.msk [tilespmem:v2+s11+$0x0], $0xffff  }
0x12b: {  	v10 =	vld.idx.msk [tilespmem:v14+s11+$0x0], $0xffff;
	[tilespmem:s7+$0xFFFFFE50] =	vst v3;
	v3 =	vor.u32 v51, v4  }
0x12c: {  	[tilespmem:s0+$0x60] =	vst v1;
	v1 =	vor.u32 v40, v4;
	v4 =	vor.u32 v52, v4;
	v7 =	vld.idx.msk [tilespmem:v7+s11+$0x0], $0xffff  }
0x12d: {  	v5 =	vld.idx.msk [tilespmem:v5+s11+$0x0], $0xffff;
	[tilespmem:s7+$0xFFFFFEE0] =	vst v6  }
0x12e: {  	[tilespmem:s7+$0xFFFFFF60] =	vst v8;
	v0 =	vld.idx.msk [tilespmem:v0+s11+$0x0], $0xffff  }
0x12f: {  	[tilespmem:s7+$0xFFFFFFE0] =	vst v2;
	v2 =	vld.idx.msk [tilespmem:v9+s11+$0x0], $0xffff  }
0x130: {  	[tilespmem:s0+$0xF0] =	vst v10;
	v3 =	vld.idx.msk [tilespmem:v3+s11+$0x0], $0xffff  }
0x131: {  	v4 =	vld.idx.msk [tilespmem:v4+s11+$0x0], $0xffff;
	[tilespmem:s7+$0xFFFFFE60] =	vst v7  }
0x132: {  	[tilespmem:s7+$0x70] =	vst v5;
	v1 =	vld.idx.msk [tilespmem:v1+s11+$0x0], $0xffff  }
0x133: {  	[tilespmem:s7+$0xFFFFFEF0] =	vst v0  }
0x134: {  	[tilespmem:s7+$0xFFFFFF70] =	vst v2  }
0x135: {  	[tilespmem:s7+$0xFFFFFFF0] =	vst v3  }
0x136: {  	[tilespmem:s7+$0x170] =	vst v4  }
0x137: {  	[tilespmem:s7+$0xFFFFFE70] =	vst v1  }
0x138: {  	v13 =	vld [tilespmem:$0x1FFD0]  }
0x139: {  	s8 =	sor.u32 $0x1, s8  }
0x13a: {  	s4 =	sshll.u32 s22, $0x13;
	s22 =	sshll.u32 s8, $0x7;
	s0 =	simm.s32 $0x0  }
0x13b: {  	s4 =	sor.u32 s31, s4;
	v0 =	vmov s0;
	v1 =	vmov s22  }
0x13c: {  	s4 =	sshrl.u32 s4, $0x3;
	v0 =	vshrl.u32 v0, $0x3;
	v1 =	vshll.u32 v1, $0x5  }
0x13d: {  	s4 =	sadd.s32 s2, s4;
	v0 =	vshll.u32 v0, $0x3;
	s7 =	sadd.s32 s30, s8;
	v12 =	vor.u32 v13, v1  }
0x13e: {  	v4 =	vbroadcast v0, $0x0;
	[hbm4b:s4+s15] =	stream.strided.scatter [tilespmem:s17], [sflag:$0x3], $0x1000, s16, s15, $0x38;
	v0 =	vor.u32 $0x6, v12;
	[tilespmem:$0x1CE00] =	vst v63  }
0x13f: {  	p0 =	seq.s32 s7, $0x1;
	v1 =	vor.u32 $0x7, v12;
	[tilespmem:$0x1FC70] =	vst v0  }
0x140: {  	s5 =	sor.u32 $0x10, s22;
	s4 =	simm.s32 @!p0 $0x4;
	v0 =	vor.u32 v0, v4;
	[tilespmem:$0x1FC80] =	vst v1  }
0x141: {  	v2 =	vmov s5;
	v3 =	vor.u32 $0x5, v12;
	v1 =	vor.u32 v1, v4;
	_ =	swait.ge @!p0 [sflag:s4], $0x1000  }
0x142: {  	v2 =	vshll.u32 v2, $0x5;
	v6 =	vor.u32 $0x1, v12;
	[tilespmem:$0x1FC90] =	vst v3;
	v3 =	vor.u32 v3, v4  }
0x143: {  	v17 =	vor.u32 v13, v2;
	v5 =	vor.u32 v12, v4;
	v7 =	vor.u32 $0x2, v12;
	[sflag:s4] =	ssyncset.done @!p0 $0x0;
	[tilespmem:$0x1FCA0] =	vst v6  }
0x144: {  	v8 =	vor.u32 $0x6, v17;
	[tilespmem:$0x1FCB0] =	vst v7;
	[sflag:s4] =	ssyncadd.s32 @!p0 $0xFFFFF000  }
0x145: {  	v2 =	vor.u32 v6, v4;
	v0 =	vld.idx.msk [tilespmem:v0+s11+$0x0], $0xffff;
	[tilespmem:$0x1FCC0] =	vst v8  }
0x146: {  	v9 =	vor.u32 $0x7, v17;
	v1 =	vld.idx.msk [tilespmem:v1+s11+$0x0], $0xffff  }
0x147: {  	v10 =	vor.u32 $0x5, v17;
	v3 =	vld.idx.msk [tilespmem:v3+s11+$0x0], $0xffff;
	[tilespmem:$0x1FCD0] =	vst v9  }
0x148: {  	v11 =	vor.u32 $0x4, v12;
	v6 =	vor.u32 v7, v4;
	v5 =	vld.idx.msk [tilespmem:v5+s11+$0x0], $0xffff;
	[tilespmem:$0x1FCE0] =	vst v10  }
0x149: {  	[tilespmem:$0x1FCF0] =	vst v11  }
0x14a: {  	v14 =	vor.u32 $0x1, v17;
	v2 =	vld.idx.msk [tilespmem:v2+s11+$0x0], $0xffff;
	[tilespmem:$0x1FD00] =	vst v12  }
0x14b: {  	s10 =	sor.u32 $0x20, s22;
	s5 =	simm.s32 $0x1C1F0;
	v7 =	vor.u32 v8, v4;
	[tilespmem:$0x1FD10] =	vst v14  }
0x14c: {  	v8 =	vor.u32 v9, v4;
	v9 =	vmov s10;
	v12 =	vor.u32 $0x3, v12;
	[tilespmem:s5+$0xFFFFFF10] =	vst v0  }
0x14d: {  	v10 =	vor.u32 v10, v4;
	v9 =	vshll.u32 v9, $0x5;
	v6 =	vld.idx.msk [tilespmem:v6+s11+$0x0], $0xffff;
	[tilespmem:$0x1FD20] =	vst v12  }
0x14e: {  	v15 =	vor.u32 v13, v9;
	[tilespmem:s5+$0xFFFFFF90] =	vst v1  }
0x14f: {  	v11 =	vor.u32 v11, v4;
	v9 =	vor.u32 v14, v4;
	v14 =	vor.u32 $0x6, v15;
	[tilespmem:s5+$0xFFFFFE90] =	vst v3  }
0x150: {  	v7 =	vld.idx.msk [tilespmem:v7+s11+$0x0], $0xffff;
	[tilespmem:$0x1FD30] =	vst v14  }
0x151: {  	v0 =	vor.u32 v12, v4;
	v12 =	vor.u32 $0x7, v15;
	v3 =	vld.idx.msk [tilespmem:v8+s11+$0x0], $0xffff;
	[tilespmem:s5+$0xFFFFFC10] =	vst v5  }
0x152: {  	v5 =	vld.idx.msk [tilespmem:v10+s11+$0x0], $0xffff;
	[tilespmem:$0x1FD40] =	vst v12  }
0x153: {  	v1 =	vor.u32 v14, v4;
	v14 =	vor.u32 $0x5, v15;
	[tilespmem:s5+$0xFFFFFC90] =	vst v2  }
0x154: {  	v8 =	vor.u32 v12, v4;
	v12 =	vor.u32 $0x4, v17;
	v11 =	vld.idx.msk [tilespmem:v11+s11+$0x0], $0xffff;
	[tilespmem:$0x1FD50] =	vst v14  }
0x155: {  	s12 =	sor.u32 $0x30, s22;
	[tilespmem:$0x1FD60] =	vst v12  }
0x156: {  	v16 =	vor.u32 $0x1, v15;
	v10 =	vmov s12;
	v9 =	vld.idx.msk [tilespmem:v9+s11+$0x0], $0xffff;
	[tilespmem:s5+$0xFFFFFD10] =	vst v6  }
0x157: {  	v10 =	vshll.u32 v10, $0x5;
	v0 =	vld.idx.msk [tilespmem:v0+s11+$0x0], $0xffff;
	[tilespmem:$0x1FD70] =	vst v16  }
0x158: {  	v2 =	vor.u32 v14, v4;
	v14 =	vor.u32 v13, v10;
	v10 =	vor.u32 $0x2, v17;
	[tilespmem:s5+$0xFFFFFF20] =	vst v7  }
0x159: {  	[tilespmem:$0x1FD80] =	vst v10  }
0x15a: {  	[tilespmem:s5+$0xFFFFFFA0] =	vst v3  }
0x15b: {  	v6 =	vor.u32 v16, v4;
	v16 =	vor.u32 $0x6, v14;
	[tilespmem:s5+$0xFFFFFEA0] =	vst v5  }
0x15c: {  	v1 =	vld.idx.msk [tilespmem:v1+s11+$0x0], $0xffff;
	[tilespmem:$0x1FD90] =	vst v16  }
0x15d: {  	v12 =	vor.u32 v12, v4;
	v7 =	vor.u32 v10, v4;
	v10 =	vor.u32 $0x7, v14;
	v5 =	vld.idx.msk [tilespmem:v8+s11+$0x0], $0xffff;
	[tilespmem:s5+$0xFFFFFE10] =	vst v11  }
0x15e: {  	v2 =	vld.idx.msk [tilespmem:v2+s11+$0x0], $0xffff;
	[tilespmem:$0x1FDA0] =	vst v10  }
0x15f: {  	v3 =	vor.u32 v16, v4;
	v16 =	vor.u32 $0x5, v14;
	[tilespmem:s5+$0xFFFFFCA0] =	vst v9  }
0x160: {  	[tilespmem:$0x1FDB0] =	vst v16  }
0x161: {  	v18 =	vor.u32 $0x4, v15;
	[tilespmem:s5+$0xFFFFFD90] =	vst v0  }
0x162: {  	v11 =	vld.idx.msk [tilespmem:v12+s11+$0x0], $0xffff;
	v12 =	vor.u32 $0x3, v17;
	[tilespmem:$0x1FDC0] =	vst v18  }
0x163: {  	s13 =	sor.u32 $0x40, s22;
	v8 =	vor.u32 v10, v4;
	v6 =	vld.idx.msk [tilespmem:v6+s11+$0x0], $0xffff;
	[tilespmem:$0x1FDD0] =	vst v12  }
0x164: {  	v10 =	vmov s13;
	v0 =	vor.u32 v18, v4;
	v18 =	vor.u32 $0x2, v15;
	[tilespmem:s5+$0xFFFFFF30] =	vst v1  }
0x165: {  	v9 =	vor.u32 v16, v4;
	v10 =	vshll.u32 v10, $0x5;
	v7 =	vld.idx.msk [tilespmem:v7+s11+$0x0], $0xffff;
	[tilespmem:$0x1FDE0] =	vst v18  }
0x166: {  	v16 =	vor.u32 v13, v10;
	[tilespmem:s5+$0xFFFFFFB0] =	vst v5  }
0x167: {  	v10 =	vor.u32 v12, v4;
	v12 =	vor.u32 $0x6, v16;
	v3 =	vld.idx.msk [tilespmem:v3+s11+$0x0], $0xffff;
	[tilespmem:s5+$0xFFFFFEB0] =	vst v2  }
0x168: {  	v2 =	vld.idx.msk [tilespmem:v8+s11+$0x0], $0xffff;
	[tilespmem:$0x1FDF0] =	vst v12  }
0x169: {  	v1 =	vor.u32 v18, v4;
	v18 =	vor.u32 $0x7, v16;
	[tilespmem:s5+$0xFFFFFE20] =	vst v11  }
0x16a: {  	v8 =	vld.idx.msk [tilespmem:v9+s11+$0x0], $0xffff;
	[tilespmem:$0x1FE00] =	vst v18  }
0x16b: {  	v5 =	vor.u32 v12, v4;
	v12 =	vor.u32 $0x5, v16;
	[tilespmem:s5+$0xFFFFFCB0] =	vst v6  }
0x16c: {  	s14 =	sor.u32 $0x50, s22;
	v41 =	vor.u32 $0x2, v14;
	v9 =	vor.u32 v18, v4;
	[tilespmem:$0x1FE10] =	vst v12  }
0x16d: {  	v11 =	vmov s14;
	v18 =	vor.u32 $0x4, v14;
	v6 =	vor.u32 v12, v4;
	v0 =	vld.idx.msk [tilespmem:v0+s11+$0x0], $0xffff  }
0x16e: {  	v33 =	vmovc v15;
	v15 =	vor.u32 $0x3, v15;
	v11 =	vshll.u32 v11, $0x5;
	v12 =	vor.u32 v18, v4;
	[tilespmem:s5+$0xFFFFFD20] =	vst v7;
	v7 =	vld.idx.msk [tilespmem:v10+s11+$0x0], $0xffff  }
0x16f: {  	v37 =	vmov v18;
	v18 =	vor.u32 v13, v11;
	v10 =	vor.u32 v15, v4;
	[tilespmem:s5+$0xFFFFFF40] =	vst v3;
	v1 =	vld.idx.msk [tilespmem:v1+s11+$0x0], $0xffff  }
0x170: {  	v42 =	vor.u32 $0x6, v18;
	v3 =	vor.u32 v41, v4;
	[tilespmem:s5+$0xFFFFFFC0] =	vst v2;
	v5 =	vld.idx.msk [tilespmem:v5+s11+$0x0], $0xffff  }
0x171: {  	s19 =	sor.u32 $0x60, s22;
	v43 =	vor.u32 $0x7, v18;
	[tilespmem:s5+$0xFFFFFEC0] =	vst v8;
	v2 =	vld.idx.msk [tilespmem:v9+s11+$0x0], $0xffff;
	v8 =	vor.u32 v42, v4  }
0x172: {  	v45 =	vor.u32 $0x5, v18;
	v9 =	vmov s19;
	v6 =	vld.idx.msk [tilespmem:v6+s11+$0x0], $0xffff;
	[tilespmem:s5+$0xFFFFFE30] =	vst v0;
	v0 =	vor.u32 v43, v4  }
0x173: {  	v47 =	vor.u32 $0x4, v16;
	v9 =	vshll.u32 v9, $0x5;
	[tilespmem:s5+$0xFFFFFDA0] =	vst v7;
	v7 =	vor.u32 v45, v4;
	v11 =	vld.idx.msk [tilespmem:v12+s11+$0x0], $0xffff  }
0x174: {  	s22 =	sor.u32 $0x70, s22;
	v48 =	vor.u32 $0x3, v14;
	v19 =	vor.u32 v13, v9;
	v9 =	vor.u32 v47, v4;
	v10 =	vld.idx.msk [tilespmem:v10+s11+$0x0], $0xffff;
	[tilespmem:s5+$0xFFFFFD30] =	vst v1  }
0x175: {  	v53 =	vor.u32 $0x2, v16;
	v1 =	vmov s22;
	v12 =	vor.u32 v48, v4;
	[tilespmem:s5+$0xFFFFFF50] =	vst v5;
	v3 =	vld.idx.msk [tilespmem:v3+s11+$0x0], $0xffff  }
0x176: {  	v32 =	vmovc v17;
	v54 =	vor.u32 $0x6, v19;
	v5 =	vor.u32 v53, v4;
	[tilespmem:s5+$0xFFFFFFD0] =	vst v2;
	v1 =	vshll.u32 v1, $0x5;
	v8 =	vld.idx.msk [tilespmem:v8+s11+$0x0], $0xffff  }
0x177: {  	v56 =	vor.u32 $0x7, v19;
	v20 =	vor.u32 v13, v1;
	[tilespmem:s5+$0xFFFFFED0] =	vst v6;
	v6 =	vor.u32 v54, v4;
	v1 =	vld.idx.msk [tilespmem:v0+s11+$0x0], $0xffff  }
0x178: {  	v34 =	vmovc v14;
	v60 =	vor.u32 $0x1, v14;
	v61 =	vor.u32 $0x5, v19;
	v13 =	vor.u32 v56, v4;
	v7 =	vld.idx.msk [tilespmem:v7+s11+$0x0], $0xffff;
	[tilespmem:s5+$0xFFFFFE40] =	vst v11  }
0x179: {  	v62 =	vor.u32 $0x1, v16;
	v17 =	vor.u32 v17, v4;
	[tilespmem:s5+$0xFFFFFDB0] =	vst v10;
	v10 =	vor.u32 v61, v4;
	v9 =	vld.idx.msk [tilespmem:v9+s11+$0x0], $0xffff  }
0x17a: {  	v36 =	vmovc v15;
	v14 =	vor.u32 v60, v4;
	v55 =	vor.u32 $0x1, v18;
	v63 =	vor.u32 $0x4, v18;
	[tilespmem:s5+$0xFFFFFD40] =	vst v3;
	v15 =	vld.idx.msk [tilespmem:v12+s11+$0x0], $0xffff  }
0x17b: {  	v50 =	vor.u32 $0x1, v19;
	v0 =	vor.u32 $0x3, v16;
	[tilespmem:s5+$0xFFFFFF60] =	vst v8;
	v8 =	vor.u32 v63, v4;
	v11 =	vld.idx.msk [tilespmem:v5+s11+$0x0], $0xffff  }
0x17c: {  	v35 =	vmovc v16;
	v58 =	vor.u32 $0x2, v19;
	v59 =	vor.u32 $0x3, v19;
	v16 =	vor.u32 v0, v4;
	v44 =	vld.idx.msk [tilespmem:v6+s11+$0x0], $0xffff;
	[tilespmem:s5+$0xFFFFFFE0] =	vst v1  }
0x17d: {  	v2 =	vor.u32 $0x2, v18;
	v46 =	vor.u32 $0x1, v20;
	v49 =	vor.u32 $0x2, v20;
	[tilespmem:s5+$0xFFFFFEE0] =	vst v7;
	v12 =	vld.idx.msk [tilespmem:v13+s11+$0x0], $0xffff  }
0x17e: {  	v51 =	vor.u32 $0x3, v20;
	v57 =	vor.u32 $0x4, v20;
	v52 =	vor.u32 $0x6, v20;
	v13 =	vld.idx.msk [tilespmem:v10+s11+$0x0], $0xffff;
	[tilespmem:s5+$0xFFFFFE50] =	vst v9  }
0x17f: {  	v39 =	vmovc v18;
	v3 =	vor.u32 $0x3, v18;
	v18 =	vor.u32 v2, v4;
	v6 =	vor.u32 $0x4, v19;
	[tilespmem:s5+$0xFFFFFDC0] =	vst v15;
	v15 =	vld.idx.msk [tilespmem:v14+s11+$0x0], $0xffff  }
0x180: {  	v38 =	vmovc v19;
	v40 =	vmovc v20;
	v5 =	vor.u32 $0x5, v20;
	v7 =	vor.u32 $0x7, v20;
	v1 =	vor.u32 v6, v4;
	v10 =	vld.idx.msk [tilespmem:v8+s11+$0x0], $0xffff  }
0x181: {  	s8 =	sadd.s32 s29, s8;
	s7 =	simm.s32 $0x1C1F0;
	v14 =	vor.u32 v5, v4;
	v8 =	vor.u32 v62, v4;
	v9 =	vld.idx.msk [tilespmem:v16+s11+$0x0], $0xffff;
	v16 =	vor.u32 v7, v4  }
.LBB2_10:
0x182: {  	_ =	sdelay $0x2  }
0x183: {  	[tilespmem:s5+$0xFFFFFE60] =	vst v10  }
0x184: {  	s0 =	sadd.s32 $0x8, s0;
	v24 =	vld.idx.msk [tilespmem:v1+s11+$0x0], $0xffff  }
0x185: {  	[tilespmem:s5+$0xFFFFFD50] =	vst v11;
	v11 =	vmov s0;
	v1 =	vld [tilespmem:$0x1FD00]  }
0x186: {  	v11 =	vshrl.u32 v11, $0x3  }
0x187: {  	v11 =	vshll.u32 v11, $0x3  }
0x188: {  	[tilespmem:s5+$0xFFFFFFF0] =	vst v12;
	v12 =	vbroadcast v11, $0x0;
	_ =	sdelay $0x1  }
0x189: {  	v23 =	vor.u32 v1, v12;
	v1 =	vld [tilespmem:$0x1FCA0]  }
0x18a: {  	v17 =	vld.idx.msk [tilespmem:v17+s11+$0x0], $0xffff  }
0x18b: {  	v29 =	vld [tilespmem:$0x1FC90]  }
0x18c: {  	v30 =	vld [tilespmem:$0x1FC70]  }
0x18d: {  	v31 =	vld [tilespmem:$0x1FD80]  }
0x18e: {  	v25 =	vor.u32 v1, v12;
	v1 =	vld [tilespmem:$0x1FDD0]  }
0x18f: {  	v19 =	vor.u32 v3, v4;
	[tilespmem:s5+$0xFFFFFEF0] =	vst v13;
	v18 =	vld.idx.msk [tilespmem:v18+s11+$0x0], $0xffff  }
0x190: {  	[tilespmem:s5+$0xFFFFFCC0] =	vst v15;
	v15 =	vor.u32 v33, v4;
	v16 =	vld.idx.msk [tilespmem:v16+s11+$0x0], $0xffff  }
0x191: {  	v22 =	vor.u32 v58, v4;
	v14 =	vld.idx.msk [tilespmem:v14+s11+$0x0], $0xffff  }
0x192: {  	v20 =	vld.idx.msk [tilespmem:v8+s11+$0x0], $0xffff  }
0x193: {  	[tilespmem:s5+$0xFFFFFDD0] =	vst v9;
	v26 =	vor.u32 v1, v12;
	v1 =	vld [tilespmem:$0x1FD10]  }
0x194: {  	v19 =	vld.idx.msk [tilespmem:v19+s11+$0x0], $0xffff;
	[tilespmem:s5+$0xFFFFFC20] =	vst v17  }
0x195: {  	v15 =	vld.idx.msk [tilespmem:v15+s11+$0x0], $0xffff;
	[tilespmem:s5+$0xFFFFFD60] =	vst v18  }
0x196: {  	v22 =	vld.idx.msk [tilespmem:v22+s11+$0x0], $0xffff  }
0x197: {  	[tilespmem:s5+$0xFFFFFF00] =	vst v14;
	v14 =	vld.idx.msk [tilespmem:v23+s11+$0x0], $0xffff  }
0x198: {  	v18 =	vor.u32 v1, v12;
	v1 =	vld [tilespmem:$0x1FCB0]  }
0x199: {  	v21 =	vor.u32 v55, v4;
	v23 =	vor.u32 v29, v12;
	v29 =	vld [tilespmem:$0x1FCE0]  }
0x19a: {  	[tilespmem:s5+$0xFFFFFE70] =	vst v24;
	v24 =	vld.idx.msk [tilespmem:v25+s11+$0x0], $0xffff  }
0x19b: {  	v25 =	vor.u32 v30, v12;
	[tilespmem:s5+$0xFFFFFCD0] =	vst v20;
	v20 =	vld [tilespmem:$0x1FC80]  }
0x19c: {  	[tilespmem:s5+$0x0] =	vst v16;
	v30 =	vld [tilespmem:$0x1FD70]  }
0x19d: {  	[tilespmem:s5+$0xFFFFFDE0] =	vst v19;
	v27 =	vor.u32 v1, v12;
	v1 =	vld [tilespmem:$0x1FD20]  }
0x19e: {  	[tilespmem:s5+$0xFFFFFC30] =	vst v15;
	s5 =	sadd.s32 $0x400, s5;
	v21 =	vld.idx.msk [tilespmem:v21+s11+$0x0], $0xffff  }
0x19f: {  	[tilespmem:s5+$0xFFFFFC10] =	vst v14;
	v14 =	vld [tilespmem:$0x1FD60]  }
0x1a0: {  	v25 =	vld.idx.msk [tilespmem:v25+s11+$0x0], $0xffff  }
0x1a1: {  	[tilespmem:s5+$0xFFFFFC90] =	vst v24;
	v24 =	vor.u32 v29, v12;
	v29 =	vld [tilespmem:$0x1FCC0]  }
0x1a2: {  	v20 =	vor.u32 v20, v12;
	v17 =	vor.u32 v1, v12;
	v1 =	vld [tilespmem:$0x1FCF0]  }
0x1a3: {  	v19 =	vld.idx.msk [tilespmem:v27+s11+$0x0], $0xffff  }
0x1a4: {  	[tilespmem:s7+$0xFFFFFD70] =	vst v22;
	v22 =	vld.idx.msk [tilespmem:v23+s11+$0x0], $0xffff  }
0x1a5: {  	[tilespmem:s7+$0xFFFFFCE0] =	vst v21;
	v21 =	vor.u32 v30, v12;
	v30 =	vld [tilespmem:$0x1FD40]  }
0x1a6: {  	v27 =	vor.u32 v31, v12;
	v31 =	vld [tilespmem:$0x1FD50]  }
0x1a7: {  	v20 =	vld.idx.msk [tilespmem:v20+s11+$0x0], $0xffff;
	v16 =	vor.u32 v1, v12  }
0x1a8: {  	v29 =	vor.u32 v29, v12;
	[tilespmem:s5+$0xFFFFFD10] =	vst v19;
	v19 =	vld [tilespmem:$0x1FCD0]  }
0x1a9: {  	v17 =	vld.idx.msk [tilespmem:v17+s11+$0x0], $0xffff;
	[tilespmem:s5+$0xFFFFFE90] =	vst v22  }
0x1aa: {  	v24 =	vld.idx.msk [tilespmem:v24+s11+$0x0], $0xffff  }
0x1ab: {  	v18 =	vld.idx.msk [tilespmem:v18+s11+$0x0], $0xffff;
	[tilespmem:s5+$0xFFFFFF10] =	vst v25;
	v25 =	vor.u32 v31, v12  }
0x1ac: {  	v15 =	vld.idx.msk [tilespmem:v16+s11+$0x0], $0xffff;
	v16 =	vor.u32 v59, v4  }
0x1ad: {  	v29 =	vld.idx.msk [tilespmem:v29+s11+$0x0], $0xffff;
	v19 =	vor.u32 v19, v12  }
0x1ae: {  	v23 =	vor.u32 v57, v4;
	v31 =	vld [tilespmem:$0x1FDB0];
	[tilespmem:s5+$0xFFFFFD90] =	vst v17  }
0x1af: {  	v28 =	vor.u32 v50, v4;
	v17 =	vld [tilespmem:$0x1FDE0];
	[tilespmem:s5+$0xFFFFFEA0] =	vst v24  }
0x1b0: {  	v25 =	vld.idx.msk [tilespmem:v25+s11+$0x0], $0xffff  }
0x1b1: {  	[tilespmem:s5+$0xFFFFFF90] =	vst v20;
	v16 =	vld.idx.msk [tilespmem:v16+s11+$0x0], $0xffff  }
0x1b2: {  	[tilespmem:s5+$0xFFFFFE10] =	vst v15;
	v19 =	vld.idx.msk [tilespmem:v19+s11+$0x0], $0xffff  }
0x1b3: {  	v22 =	vor.u32 v34, v4;
	v15 =	vld.idx.msk [tilespmem:v23+s11+$0x0], $0xffff  }
0x1b4: {  	v23 =	vld.idx.msk [tilespmem:v28+s11+$0x0], $0xffff  }
0x1b5: {  	[tilespmem:s5+$0xFFFFFCA0] =	vst v18;
	v18 =	vld [tilespmem:$0x1FD30]  }
0x1b6: {  	v20 =	vor.u32 v46, v4;
	v28 =	vld [tilespmem:$0x1FDC0]  }
0x1b7: {  	v30 =	vor.u32 v30, v12;
	v21 =	vld.idx.msk [tilespmem:v21+s11+$0x0], $0xffff;
	[tilespmem:s7+$0xFFFFFDF0] =	vst v16  }
0x1b8: {  	v14 =	vor.u32 v14, v12;
	v16 =	vld.idx.msk [tilespmem:v22+s11+$0x0], $0xffff;
	[tilespmem:s5+$0xFFFFFFA0] =	vst v19  }
0x1b9: {  	v19 =	vld [tilespmem:$0x1FD90];
	[tilespmem:s7+$0xFFFFFE80] =	vst v15  }
0x1ba: {  	v18 =	vor.u32 v18, v12;
	v15 =	vld.idx.msk [tilespmem:v27+s11+$0x0], $0xffff;
	[tilespmem:s7+$0xFFFFFCF0] =	vst v23  }
0x1bb: {  	[tilespmem:s5+$0xFFFFFF20] =	vst v29;
	v24 =	vor.u32 v35, v4;
	v20 =	vld.idx.msk [tilespmem:v20+s11+$0x0], $0xffff  }
0x1bc: {  	v29 =	vor.u32 v49, v4;
	[tilespmem:s5+$0xFFFFFCB0] =	vst v21;
	v21 =	vld.idx.msk [tilespmem:v30+s11+$0x0], $0xffff  }
0x1bd: {  	v14 =	vld.idx.msk [tilespmem:v14+s11+$0x0], $0xffff  }
0x1be: {  	v28 =	vor.u32 v28, v12;
	v30 =	vld [tilespmem:$0x1FDA0]  }
0x1bf: {  	[tilespmem:s7+$0xFFFFFC40] =	vst v16;
	v18 =	vld.idx.msk [tilespmem:v18+s11+$0x0], $0xffff  }
0x1c0: {  	[tilespmem:s5+$0xFFFFFD20] =	vst v15;
	v15 =	vld.idx.msk [tilespmem:v24+s11+$0x0], $0xffff  }
0x1c1: {  	[tilespmem:s7+$0xFFFFFD00] =	vst v20;
	v16 =	vld.idx.msk [tilespmem:v29+s11+$0x0], $0xffff  }
0x1c2: {  	v19 =	vor.u32 v19, v12;
	v20 =	vld.idx.msk [tilespmem:v26+s11+$0x0], $0xffff;
	[tilespmem:s5+$0xFFFFFE20] =	vst v14  }
0x1c3: {  	v30 =	vor.u32 v30, v12;
	[tilespmem:s5+$0xFFFFFFB0] =	vst v21;
	v21 =	vld.idx.msk [tilespmem:v28+s11+$0x0], $0xffff  }
0x1c4: {  	v24 =	vor.u32 v39, v4;
	v28 =	vld [tilespmem:$0x1FDF0]  }
0x1c5: {  	v17 =	vor.u32 v17, v12;
	[tilespmem:s5+$0xFFFFFF30] =	vst v18;
	v18 =	vld [tilespmem:$0x1FE10]  }
0x1c6: {  	v13 =	vor.u32 v36, v12;
	[tilespmem:s7+$0xFFFFFC50] =	vst v15;
	v15 =	vld [tilespmem:$0x1FE00]  }
0x1c7: {  	v31 =	vor.u32 v31, v12;
	v19 =	vld.idx.msk [tilespmem:v19+s11+$0x0], $0xffff  }
0x1c8: {  	[tilespmem:s5+$0xFFFFFEB0] =	vst v25;
	v27 =	vor.u32 v37, v12;
	v14 =	vld.idx.msk [tilespmem:v30+s11+$0x0], $0xffff  }
0x1c9: {  	v24 =	vld.idx.msk [tilespmem:v24+s11+$0x0], $0xffff;
	[tilespmem:s7+$0xFFFFFD80] =	vst v16;
	v28 =	vor.u32 v28, v12  }
0x1ca: {  	[tilespmem:s5+$0xFFFFFDA0] =	vst v20;
	v16 =	vld.idx.msk [tilespmem:v17+s11+$0x0], $0xffff;
	v17 =	vor.u32 v38, v4  }
0x1cb: {  	v13 =	vld.idx.msk [tilespmem:v13+s11+$0x0], $0xffff;
	[tilespmem:s5+$0xFFFFFE30] =	vst v21;
	v15 =	vor.u32 v15, v12  }
0x1cc: {  	v22 =	vor.u32 v41, v12;
	v26 =	vld.idx.msk [tilespmem:v31+s11+$0x0], $0xffff;
	[tilespmem:s5+$0xFFFFFF40] =	vst v19  }
0x1cd: {  	v21 =	vld.idx.msk [tilespmem:v27+s11+$0x0], $0xffff;
	v18 =	vor.u32 v18, v12;
	[tilespmem:s5+$0xFFFFFFC0] =	vst v14  }
0x1ce: {  	v14 =	vor.u32 v51, v4;
	[tilespmem:s7+$0xFFFFFC60] =	vst v24;
	v19 =	vld.idx.msk [tilespmem:v28+s11+$0x0], $0xffff  }
0x1cf: {  	v28 =	vor.u32 v42, v12;
	[tilespmem:s5+$0xFFFFFD30] =	vst v16;
	v17 =	vld.idx.msk [tilespmem:v17+s11+$0x0], $0xffff  }
0x1d0: {  	[tilespmem:s5+$0xFFFFFDB0] =	vst v13;
	v13 =	vor.u32 v40, v4;
	v15 =	vld.idx.msk [tilespmem:v15+s11+$0x0], $0xffff  }
0x1d1: {  	[tilespmem:s5+$0xFFFFFEC0] =	vst v26;
	v16 =	vor.u32 v43, v12;
	v22 =	vld.idx.msk [tilespmem:v22+s11+$0x0], $0xffff  }
0x1d2: {  	v11 =	vor.u32 v53, v12;
	[tilespmem:s5+$0xFFFFFE40] =	vst v21;
	v18 =	vld.idx.msk [tilespmem:v18+s11+$0x0], $0xffff  }
0x1d3: {  	v20 =	vor.u32 v45, v12;
	v14 =	vld.idx.msk [tilespmem:v14+s11+$0x0], $0xffff;
	[tilespmem:s5+$0xFFFFFF50] =	vst v19  }
0x1d4: {  	v25 =	vor.u32 v47, v12;
	[tilespmem:s7+$0xFFFFFC70] =	vst v17;
	v19 =	vld.idx.msk [tilespmem:v28+s11+$0x0], $0xffff  }
0x1d5: {  	v23 =	vor.u32 v48, v12;
	v30 =	vld.idx.msk [tilespmem:v13+s11+$0x0], $0xffff;
	[tilespmem:s5+$0xFFFFFFD0] =	vst v15  }
0x1d6: {  	v9 =	vor.u32 v0, v12;
	[tilespmem:s5+$0xFFFFFD40] =	vst v22;
	v15 =	vld.idx.msk [tilespmem:v16+s11+$0x0], $0xffff;
	v16 =	vor.u32 v52, v4  }
0x1d7: {  	v8 =	vor.u32 v62, v12;
	v10 =	vor.u32 v60, v12;
	v11 =	vld.idx.msk [tilespmem:v11+s11+$0x0], $0xffff;
	[tilespmem:s5+$0xFFFFFED0] =	vst v18;
	v4 =	vmov v12  }
0x1d8: {  	v1 =	vor.u32 v6, v12;
	[tilespmem:s7+$0xFFFFFF70] =	vst v44;
	v18 =	vld.idx.msk [tilespmem:v20+s11+$0x0], $0xffff;
	v12 =	vor.u32 v54, v4  }
0x1d9: {  	v20 =	vld.idx.msk [tilespmem:v25+s11+$0x0], $0xffff;
	[tilespmem:s7+$0xFFFFFE00] =	vst v14;
	v29 =	vor.u32 v56, v4  }
0x1da: {  	v13 =	vor.u32 v61, v4;
	v14 =	vld.idx.msk [tilespmem:v23+s11+$0x0], $0xffff;
	[tilespmem:s5+$0xFFFFFF60] =	vst v19  }
0x1db: {  	v31 =	vor.u32 v63, v4;
	v19 =	vld.idx.msk [tilespmem:v16+s11+$0x0], $0xffff  }
0x1dc: {  	p0 =	slt.u32 s0, $0x18;
	[tilespmem:s5+$0xFFFFFFE0] =	vst v15;
	v15 =	vld.idx.msk [tilespmem:v10+s11+$0x0], $0xffff  }
.Ltmp3:
0x1dd: {  	[tilespmem:s7+$0xFFFFFC80] =	vst v30;
	v44 =	vld.idx.msk [tilespmem:v12+s11+$0x0], $0xffff;
	(pc) =	sbr.rel @p0 .LBB2_10-.Ltmp3, $4  }
0x1de: {  	[tilespmem:s5+$0xFFFFFEE0] =	vst v18;
	v12 =	vld.idx.msk [tilespmem:v29+s11+$0x0], $0xffff  }
0x1df: {  	[tilespmem:s5+$0xFFFFFE50] =	vst v20;
	v13 =	vld.idx.msk [tilespmem:v13+s11+$0x0], $0xffff  }
0x1e0: {  	v17 =	vor.u32 v32, v4;
	v18 =	vor.u32 v2, v4;
	[tilespmem:s5+$0xFFFFFDC0] =	vst v14;
	v10 =	vld.idx.msk [tilespmem:v31+s11+$0x0], $0xffff  }
0x1e1: {  	v16 =	vor.u32 v7, v4;
	v14 =	vor.u32 v5, v4;
	v9 =	vld.idx.msk [tilespmem:v9+s11+$0x0], $0xffff;
	[tilespmem:s7+$0xFFFFFF80] =	vst v19;
	s7 =	smov.u32 s5  }
0x1e2: {  	_ =	sdelay $0x3  }
0x1e3: {  	v0 =	vld.idx.msk [tilespmem:v17+s11+$0x0], $0xffff  }
0x1e4: {  	v2 =	vor.u32 v33, v4;
	_ =	sdelay $0x3  }
0x1e5: {  	[tilespmem:s5+$0xFFFFFC20] =	vst v0  }
0x1e6: {  	v0 =	vld.idx.msk [tilespmem:v2+s11+$0x0], $0xffff  }
0x1e7: {  	v37 =	vor.u32 v34, v4;
	_ =	sdelay $0x3  }
0x1e8: {  	[tilespmem:s5+$0xFFFFFC30] =	vst v0  }
0x1e9: {  	v0 =	vld.idx.msk [tilespmem:v37+s11+$0x0], $0xffff  }
0x1ea: {  	v41 =	vor.u32 v35, v4;
	_ =	sdelay $0x1  }
0x1eb: {  	[tilespmem:s5+$0xFFFFFCC0] =	vst v15  }
0x1ec: {  	[tilespmem:s5+$0xFFFFFD50] =	vst v11;
	v5 =	vld.idx.msk [tilespmem:v8+s11+$0x0], $0xffff  }
0x1ed: {  	v6 =	vor.u32 v55, v4;
	[tilespmem:s7+$0xFFFFFC40] =	vst v0  }
0x1ee: {  	v42 =	vor.u32 v3, v4;
	[tilespmem:s7+$0xFFFFFF70] =	vst v44;
	v2 =	vld.idx.msk [tilespmem:v41+s11+$0x0], $0xffff  }
0x1ef: {  	v43 =	vor.u32 v39, v4;
	[tilespmem:s5+$0xFFFFFFF0] =	vst v12  }
0x1f0: {  	v7 =	vld.idx.msk [tilespmem:v18+s11+$0x0], $0xffff;
	[tilespmem:s5+$0xFFFFFEF0] =	vst v13  }
0x1f1: {  	v45 =	vld.idx.msk [tilespmem:v16+s11+$0x0], $0xffff;
	[tilespmem:s5+$0xFFFFFCD0] =	vst v5  }
0x1f2: {  	v48 =	vor.u32 v58, v4;
	[tilespmem:s5+$0xFFFFFDD0] =	vst v9;
	v5 =	vld.idx.msk [tilespmem:v6+s11+$0x0], $0xffff  }
0x1f3: {  	v47 =	vor.u32 v50, v4;
	v0 =	vld.idx.msk [tilespmem:v42+s11+$0x0], $0xffff;
	[tilespmem:s7+$0xFFFFFC50] =	vst v2  }
0x1f4: {  	v50 =	vor.u32 v59, v4;
	[tilespmem:s5+$0xFFFFFE60] =	vst v10;
	v3 =	vld.idx.msk [tilespmem:v43+s11+$0x0], $0xffff  }
0x1f5: {  	v54 =	vor.u32 v38, v4;
	v53 =	vld.idx.msk [tilespmem:v14+s11+$0x0], $0xffff;
	[tilespmem:s5+$0xFFFFFD60] =	vst v7  }
0x1f6: {  	v62 =	vor.u32 v52, v4;
	v1 =	vld.idx.msk [tilespmem:v1+s11+$0x0], $0xffff;
	[tilespmem:s5+$0x0] =	vst v45  }
0x1f7: {  	v55 =	vor.u32 v57, v4;
	v57 =	vld.idx.msk [tilespmem:v48+s11+$0x0], $0xffff;
	[tilespmem:s7+$0xFFFFFCE0] =	vst v5  }
0x1f8: {  	v59 =	vor.u32 v49, v4;
	v56 =	vld.idx.msk [tilespmem:v47+s11+$0x0], $0xffff;
	[tilespmem:s5+$0xFFFFFDE0] =	vst v0  }
0x1f9: {  	v58 =	vor.u32 v46, v4;
	v2 =	vld.idx.msk [tilespmem:v50+s11+$0x0], $0xffff;
	[tilespmem:s7+$0xFFFFFC60] =	vst v3  }
0x1fa: {  	v60 =	vor.u32 v51, v4;
	[tilespmem:s5+$0xFFFFFF00] =	vst v53;
	v7 =	vld.idx.msk [tilespmem:v54+s11+$0x0], $0xffff  }
0x1fb: {  	v61 =	vor.u32 v40, v4;
	v4 =	vld.idx.msk [tilespmem:v62+s11+$0x0], $0xffff;
	[tilespmem:s5+$0xFFFFFE70] =	vst v1  }
0x1fc: {  	v5 =	vld.idx.msk [tilespmem:v55+s11+$0x0], $0xffff;
	[tilespmem:s7+$0xFFFFFD70] =	vst v57  }
0x1fd: {  	v63 =	vld.idx.msk [tilespmem:v59+s11+$0x0], $0xffff;
	[tilespmem:s7+$0xFFFFFCF0] =	vst v56  }
0x1fe: {  	v0 =	vld.idx.msk [tilespmem:v58+s11+$0x0], $0xffff;
	[tilespmem:s7+$0xFFFFFDF0] =	vst v2  }
0x1ff: {  	v3 =	vld.idx.msk [tilespmem:v60+s11+$0x0], $0xffff;
	[tilespmem:s7+$0xFFFFFC70] =	vst v7  }
0x200: {  	s1 =	sadd.s32 $0x1, s1;
	[tilespmem:s7+$0xFFFFFF80] =	vst v4;
	v1 =	vld.idx.msk [tilespmem:v61+s11+$0x0], $0xffff  }
0x201: {  	p0 =	sne.s32 s1, $0x5;
	[tilespmem:s7+$0xFFFFFE80] =	vst v5  }
.Ltmp4:
0x202: {  	s0 =	sshll.u32 s8, $0x13;
	[tilespmem:s7+$0xFFFFFD80] =	vst v63;
	(pc) =	sbr.rel @p0 .LBB2_7-.Ltmp4, $4  }
0x203: {  	s0 =	sor.u32 s31, s0;
	[tilespmem:s7+$0xFFFFFD00] =	vst v0  }
0x204: {  	s0 =	sshrl.u32 s0, $0x3;
	[tilespmem:s7+$0xFFFFFE00] =	vst v3  }
0x205: {  	s0 =	sadd.s32 s2, s0;
	[tilespmem:s7+$0xFFFFFC80] =	vst v1  }
0x206: {  	[hbm4b:s0+s15] =	stream.strided.scatter [tilespmem:s18], [sflag:$0x4], $0x1000, s16, s15, $0x38;
	[tilespmem:$0x1CE00] =	vst v63  }
0x207: {  	p0 =	sgt.u32 s26, $0x12  }
.Ltmp5:
0x208: {  	_ = 	snop;
	(pc) =	sbr.rel @p0 .LBB2_16-.Ltmp5, $1  }
0x209: {  	_ =	sdelay $0x3  }
0x20a: {  	s0 =	sadd.s32 $0x2, s28  }
0x20b: {  	s1 =	sand.u32 $0xFF, s0  }
0x20c: {  	s1 =	smul.u32 $0xCD, s1;
	_ =	sdelay $0x1  }
0x20d: {  	s1 =	sshrl.u32 s1, $0xA  }
0x20e: {  	s4 =	smul.u32 $0x5, s1;
	_ =	sdelay $0x1  }
0x20f: {  	s0 =	ssub.s32 s0, s4  }
0x210: {  	s30 =	simm.s32 $0x0;
	s0 =	smul.u32 $0xA, s0  }
0x211: {  	v13 =	vld [tilespmem:$0x1FFE0];
	s1 =	smul.u32 $0x1900, s1;
	s4 =	sand.u32 $0x4, s30  }
0x212: {  	s5 =	sor.u32 $0x2, s4;
	s0 =	sand.u32 $0xFE, s0  }
0x213: {  	s31 =	sor.u32 $0x3, s4;
	s7 =	smul.u32 $0x320, s5;
	s0 =	sor.u32 s0, s1  }
0x214: {  	s8 =	smul.u32 $0x320, s31;
	s10 =	sadd.s32 $0x0, s0  }
0x215: {  	s26 =	simm.s32 $0x0;
	s12 =	sor.u32 $0x1, s4;
	s7 =	sadd.s32 s10, s7  }
0x216: {  	s13 =	sshll.u32 s4, $0x4;
	s4 =	smul.u32 $0x320, s4;
	s19 =	sadd.s32 s10, s8;
	v0 =	vadd.s32 s7, v13  }
0x217: {  	s5 =	sshll.u32 s5, $0x4;
	s14 =	smul.u32 $0x320, s12;
	s22 =	sshll.u32 s12, $0x4;
	v1 =	vadd.s32 s19, v13  }
0x218: {  	s28 =	sshll.u32 s31, $0x4;
	s1 =	simm.s32 $0x4;
	s4 =	sadd.s32 s4, s10  }
0x219: {  	s5 =	sor.u32 s26, s5;
	s14 =	sadd.s32 s10, s14;
	s10 =	sand.u32 $0x4, s1;
	v2 =	vadd.s32 s4, v13  }
0x21a: {  	v12 =	vlaneseq.u32;
	s7 =	sor.u32 s26, s28;
	s4 =	sor.u32 $0x3, s10;
	v3 =	vadd.s32 s14, v13;
	s29 =	sor.u32 $0x2, s10  }
0x21b: {  	v7 =	vor.u32 s5, v12;
	s30 =	sor.u32 $0x1, s10;
	s19 =	sshll.u32 s10, $0x4;
	s10 =	smul.u32 $0x320, s10;
	v6 =	vld.idx.msk [tilespmem:v0+s3+$0x0], $0xffff  }
0x21c: {  	s12 =	sor.u32 s13, s26;
	s8 =	sor.u32 s26, s22;
	s14 =	smul.u32 $0x320, s4;
	v9 =	vor.u32 s7, v12;
	v8 =	vld.idx.msk [tilespmem:v1+s3+$0x0], $0xffff  }
0x21d: {  	s26 =	sadd.s32 $0x0, s0;
	s28 =	simm.s32 $0x0;
	s22 =	smul.u32 $0x320, s29  }
0x21e: {  	v4 =	vor.u32 s12, v12;
	s13 =	sshll.u32 s29, $0x4;
	s31 =	smul.u32 $0x320, s30;
	s4 =	sshll.u32 s4, $0x4;
	v0 =	vld.idx.msk [tilespmem:v2+s3+$0x0], $0xffff  }
0x21f: {  	s5 =	sshll.u32 s30, $0x4;
	s7 =	sor.u32 s28, s4;
	s22 =	sadd.s32 s26, s22;
	v1 =	vld.idx.msk [tilespmem:v3+s3+$0x0], $0xffff;
	v3 =	vor.u32 s8, v12  }
0x220: {  	s29 =	sadd.s32 s26, s31;
	s30 =	sadd.s32 s26, s14;
	s31 =	sadd.s32 s10, s26;
	v5 =	vadd.s32 s22, v13;
	[tilespmem:v7+s9+$0x0] =	vst.idx.msk $0xffff, v6  }
0x221: {  	s5 =	sor.u32 s28, s5;
	s22 =	sor.u32 s28, s13;
	v2 =	vadd.s32 s29, v13;
	s8 =	sor.u32 s19, s28;
	v7 =	vadd.s32 s30, v13;
	v6 =	vadd.s32 s31, v13;
	[tilespmem:v9+s9+$0x0] =	vst.idx.msk $0xffff, v8  }
.LBB2_14:
0x222: {  	s1 =	sadd.s32 $0x4, s1  }
0x223: {  	[tilespmem:v4+s9+$0x0] =	vst.idx.msk $0xffff, v0;
	s10 =	sand.u32 $0x4, s1  }
0x224: {  	s4 =	sshrl.u32 s1, $0x3;
	p0 =	slt.u32 s1, $0x4C;
	[tilespmem:v3+s9+$0x0] =	vst.idx.msk $0xffff, v1;
	s14 =	sor.u32 $0x3, s10  }
0x225: {  	s12 =	sor.u32 $0x1, s10;
	s13 =	sor.u32 $0x2, s10;
	v8 =	vld.idx.msk [tilespmem:v5+s3+$0x0], $0xffff;
	s28 =	smul.u32 $0x320, s14  }
0x226: {  	v9 =	vor.u32 s22, v12;
	s19 =	sshll.u32 s10, $0x4;
	s26 =	sshll.u32 s13, $0x4;
	v10 =	vld.idx.msk [tilespmem:v7+s3+$0x0], $0xffff;
	s13 =	smul.u32 $0x320, s13  }
0x227: {  	v11 =	vor.u32 s7, v12;
	s22 =	sadd.s32 s4, s0;
	s29 =	sshll.u32 s12, $0x4;
	s7 =	smul.u32 $0x320, s12;
	v0 =	vld.idx.msk [tilespmem:v6+s3+$0x0], $0xffff  }
.Ltmp6:
0x228: {  	v4 =	vor.u32 s8, v12;
	v3 =	vor.u32 s5, v12;
	s4 =	sshll.u32 s4, $0x7;
	v1 =	vld.idx.msk [tilespmem:v2+s3+$0x0], $0xffff;
	(pc) =	sbr.rel @p0 .LBB2_14-.Ltmp6, $4  }
0x229: {  	s5 =	smul.u32 $0x320, s10;
	s10 =	sshll.u32 s14, $0x4;
	s8 =	sadd.s32 s22, s13  }
0x22a: {  	s12 =	sadd.s32 s22, s7;
	s7 =	sor.u32 s4, s10;
	v5 =	vadd.s32 s8, v13;
	s8 =	sadd.s32 s22, s28  }
0x22b: {  	s10 =	sadd.s32 s5, s22;
	s5 =	sor.u32 s4, s29;
	v2 =	vadd.s32 s12, v13;
	s22 =	sor.u32 s4, s26;
	v7 =	vadd.s32 s8, v13;
	[tilespmem:v9+s9+$0x0] =	vst.idx.msk $0xffff, v8  }
0x22c: {  	v6 =	vadd.s32 s10, v13;
	s8 =	sor.u32 s19, s4;
	[tilespmem:v11+s9+$0x0] =	vst.idx.msk $0xffff, v10  }
0x22d: {  	_ =	sdelay $0x3  }
0x22e: {  	v5 =	vld.idx.msk [tilespmem:v5+s3+$0x0], $0xffff;
	v8 =	vor.u32 s22, v12  }
0x22f: {  	v7 =	vld.idx.msk [tilespmem:v7+s3+$0x0], $0xffff;
	v9 =	vor.u32 s7, v12  }
0x230: {  	v6 =	vld.idx.msk [tilespmem:v6+s3+$0x0], $0xffff;
	v10 =	vor.u32 s8, v12  }
0x231: {  	[tilespmem:v4+s9+$0x0] =	vst.idx.msk $0xffff, v0;
	v62 =	vld.idx.msk [tilespmem:v2+s3+$0x0], $0xffff;
	v63 =	vor.u32 s5, v12  }
0x232: {  	[tilespmem:v3+s9+$0x0] =	vst.idx.msk $0xffff, v1  }
0x233: {  	[tilespmem:v8+s9+$0x0] =	vst.idx.msk $0xffff, v5  }
0x234: {  	[tilespmem:v9+s9+$0x0] =	vst.idx.msk $0xffff, v7  }
0x235: {  	[tilespmem:v10+s9+$0x0] =	vst.idx.msk $0xffff, v6  }
0x236: {  	[tilespmem:v63+s9+$0x0] =	vst.idx.msk $0xffff, v62  }
0x237: {  	s1 =	simm.s32 $0x500;
	s0 =	rddreg [dreg:$0x3]  }
0x238: {  	[tilespmem:s11], [sflag:$0x1] =	stream.indirect.gather [hbm4b:s0+s1], $0x20, s9, s1, $0xb8;
	[tilespmem:$0x1CE00] =	vst v63  }
.LBB2_16:
0x239: {  	s1 =	simm.s32 $0x2  }
0x23a: {  	_ =	swait.ge [sflag:s1], $0xA000  }
0x23b: {  	s0 =	sadd.s32 s25, s6;
	[sflag:s1] =	ssyncset.done $0x0  }
0x23c: {  	s25 =	simm.s32 $0x0;
	[sflag:s1] =	ssyncadd.s32 $0xFFFF6000;
	s1 =	sshll.u32 s0, $0xA  }
.LBB2_17:
0x23d: {  	v13 =	vld [tilespmem:$0x1FFD0]  }
0x23e: {  	s7 =	sshll.u32 s25, $0x8  }
0x23f: {  	s5 =	simm.s32 $0x0;
	s0 =	sadd.s32 $0x500, s7  }
0x240: {  	v0 =	vmov s5;
	v1 =	vmov s0  }
0x241: {  	v0 =	vshrl.u32 v0, $0x3;
	v1 =	vshll.u32 v1, $0x5  }
0x242: {  	v0 =	vshll.u32 v0, $0x3;
	v12 =	vor.u32 v13, v1  }
0x243: {  	v4 =	vbroadcast v0, $0x0;
	v0 =	vor.u32 $0x6, v12  }
0x244: {  	v1 =	vor.u32 $0x7, v12;
	[tilespmem:$0x1FAC0] =	vst v0  }
0x245: {  	s19 =	sadd.s32 $0x510, s7;
	v0 =	vor.u32 v0, v4;
	[tilespmem:$0x1FAD0] =	vst v1  }
0x246: {  	v2 =	vmov s19;
	v3 =	vor.u32 $0x5, v12;
	v1 =	vor.u32 v1, v4;
	_ =	swait.ge [sflag:s20], $0x1000  }
0x247: {  	v2 =	vshll.u32 v2, $0x5;
	v6 =	vor.u32 $0x1, v12;
	[tilespmem:$0x1FAE0] =	vst v3;
	v3 =	vor.u32 v3, v4  }
0x248: {  	v17 =	vor.u32 v13, v2;
	v5 =	vor.u32 v12, v4;
	v7 =	vor.u32 $0x2, v12;
	[sflag:s20] =	ssyncset.done $0x0;
	[tilespmem:$0x1FAF0] =	vst v6  }
0x249: {  	v8 =	vor.u32 $0x6, v17;
	[tilespmem:$0x1FB00] =	vst v7;
	[sflag:s20] =	ssyncadd.s32 $0xFFFFF000  }
0x24a: {  	v2 =	vor.u32 v6, v4;
	v0 =	vld.idx.msk [tilespmem:v0+s11+$0x0], $0xffff;
	[tilespmem:$0x1FB10] =	vst v8  }
0x24b: {  	v9 =	vor.u32 $0x7, v17;
	v1 =	vld.idx.msk [tilespmem:v1+s11+$0x0], $0xffff  }
0x24c: {  	v10 =	vor.u32 $0x5, v17;
	v3 =	vld.idx.msk [tilespmem:v3+s11+$0x0], $0xffff;
	[tilespmem:$0x1FB20] =	vst v9  }
0x24d: {  	v11 =	vor.u32 $0x4, v12;
	v6 =	vor.u32 v7, v4;
	v5 =	vld.idx.msk [tilespmem:v5+s11+$0x0], $0xffff;
	[tilespmem:$0x1FB30] =	vst v10  }
0x24e: {  	[tilespmem:$0x1FB40] =	vst v11  }
0x24f: {  	v14 =	vor.u32 $0x1, v17;
	v2 =	vld.idx.msk [tilespmem:v2+s11+$0x0], $0xffff;
	[tilespmem:$0x1FB50] =	vst v12  }
0x250: {  	s22 =	sadd.s32 $0x520, s7;
	s0 =	simm.s32 $0x1B000;
	v7 =	vor.u32 v8, v4;
	[tilespmem:$0x1FB60] =	vst v14  }
0x251: {  	v8 =	vor.u32 v9, v4;
	v9 =	vmov s22;
	v12 =	vor.u32 $0x3, v12;
	[tilespmem:s0+$0x100] =	vst v0  }
0x252: {  	v10 =	vor.u32 v10, v4;
	v9 =	vshll.u32 v9, $0x5;
	v6 =	vld.idx.msk [tilespmem:v6+s11+$0x0], $0xffff;
	[tilespmem:$0x1FB70] =	vst v12  }
0x253: {  	v15 =	vor.u32 v13, v9;
	[tilespmem:s0+$0x180] =	vst v1  }
0x254: {  	v11 =	vor.u32 v11, v4;
	v9 =	vor.u32 v14, v4;
	v14 =	vor.u32 $0x6, v15;
	[tilespmem:s0+$0x80] =	vst v3  }
0x255: {  	v7 =	vld.idx.msk [tilespmem:v7+s11+$0x0], $0xffff;
	[tilespmem:$0x1FB80] =	vst v14  }
0x256: {  	v0 =	vor.u32 v12, v4;
	v12 =	vor.u32 $0x7, v15;
	v3 =	vld.idx.msk [tilespmem:v8+s11+$0x0], $0xffff;
	[tilespmem:s0+$0xFFFFFE00] =	vst v5  }
0x257: {  	v5 =	vld.idx.msk [tilespmem:v10+s11+$0x0], $0xffff;
	[tilespmem:$0x1FB90] =	vst v12  }
0x258: {  	v1 =	vor.u32 v14, v4;
	v14 =	vor.u32 $0x5, v15;
	[tilespmem:s0+$0xFFFFFE80] =	vst v2  }
0x259: {  	v8 =	vor.u32 v12, v4;
	v12 =	vor.u32 $0x4, v17;
	v11 =	vld.idx.msk [tilespmem:v11+s11+$0x0], $0xffff;
	[tilespmem:$0x1FBA0] =	vst v14  }
0x25a: {  	s4 =	sadd.s32 $0x530, s7;
	[tilespmem:$0x1FBB0] =	vst v12  }
0x25b: {  	v16 =	vor.u32 $0x1, v15;
	v10 =	vmov s4;
	v9 =	vld.idx.msk [tilespmem:v9+s11+$0x0], $0xffff;
	[tilespmem:s0+$0xFFFFFF00] =	vst v6  }
0x25c: {  	v10 =	vshll.u32 v10, $0x5;
	v0 =	vld.idx.msk [tilespmem:v0+s11+$0x0], $0xffff;
	[tilespmem:$0x1FBC0] =	vst v16  }
0x25d: {  	v2 =	vor.u32 v14, v4;
	v14 =	vor.u32 v13, v10;
	v10 =	vor.u32 $0x2, v17;
	[tilespmem:s0+$0x110] =	vst v7  }
0x25e: {  	[tilespmem:$0x1FBD0] =	vst v10  }
0x25f: {  	[tilespmem:s0+$0x190] =	vst v3  }
0x260: {  	v6 =	vor.u32 v16, v4;
	v16 =	vor.u32 $0x6, v14;
	[tilespmem:s0+$0x90] =	vst v5  }
0x261: {  	v1 =	vld.idx.msk [tilespmem:v1+s11+$0x0], $0xffff;
	[tilespmem:$0x1FBE0] =	vst v16  }
0x262: {  	v12 =	vor.u32 v12, v4;
	v7 =	vor.u32 v10, v4;
	v10 =	vor.u32 $0x7, v14;
	v5 =	vld.idx.msk [tilespmem:v8+s11+$0x0], $0xffff;
	[tilespmem:s0+$0x0] =	vst v11  }
0x263: {  	v2 =	vld.idx.msk [tilespmem:v2+s11+$0x0], $0xffff;
	[tilespmem:$0x1FBF0] =	vst v10  }
0x264: {  	v3 =	vor.u32 v16, v4;
	v16 =	vor.u32 $0x5, v14;
	[tilespmem:s0+$0xFFFFFE90] =	vst v9  }
0x265: {  	[tilespmem:$0x1FC00] =	vst v16  }
0x266: {  	v18 =	vor.u32 $0x4, v15;
	[tilespmem:s0+$0xFFFFFF80] =	vst v0  }
0x267: {  	v11 =	vld.idx.msk [tilespmem:v12+s11+$0x0], $0xffff;
	v12 =	vor.u32 $0x3, v17;
	[tilespmem:$0x1FC10] =	vst v18  }
0x268: {  	s26 =	sadd.s32 $0x540, s7;
	v8 =	vor.u32 v10, v4;
	v6 =	vld.idx.msk [tilespmem:v6+s11+$0x0], $0xffff;
	[tilespmem:$0x1FC20] =	vst v12  }
0x269: {  	v10 =	vmov s26;
	v0 =	vor.u32 v18, v4;
	v18 =	vor.u32 $0x2, v15;
	[tilespmem:s0+$0x120] =	vst v1  }
0x26a: {  	v9 =	vor.u32 v16, v4;
	v10 =	vshll.u32 v10, $0x5;
	v7 =	vld.idx.msk [tilespmem:v7+s11+$0x0], $0xffff;
	[tilespmem:$0x1FC30] =	vst v18  }
0x26b: {  	v16 =	vor.u32 v13, v10;
	[tilespmem:s0+$0x1A0] =	vst v5  }
0x26c: {  	v10 =	vor.u32 v12, v4;
	v12 =	vor.u32 $0x6, v16;
	v3 =	vld.idx.msk [tilespmem:v3+s11+$0x0], $0xffff;
	[tilespmem:s0+$0xA0] =	vst v2  }
0x26d: {  	v2 =	vld.idx.msk [tilespmem:v8+s11+$0x0], $0xffff;
	[tilespmem:$0x1FC40] =	vst v12  }
0x26e: {  	v1 =	vor.u32 v18, v4;
	v18 =	vor.u32 $0x7, v16;
	[tilespmem:s0+$0x10] =	vst v11  }
0x26f: {  	v8 =	vld.idx.msk [tilespmem:v9+s11+$0x0], $0xffff;
	[tilespmem:$0x1FC50] =	vst v18  }
0x270: {  	v5 =	vor.u32 v12, v4;
	v12 =	vor.u32 $0x5, v16;
	[tilespmem:s0+$0xFFFFFEA0] =	vst v6  }
0x271: {  	s29 =	sadd.s32 $0x550, s7;
	v41 =	vor.u32 $0x2, v14;
	v9 =	vor.u32 v18, v4;
	[tilespmem:$0x1FC60] =	vst v12  }
0x272: {  	v11 =	vmov s29;
	v18 =	vor.u32 $0x4, v14;
	v6 =	vor.u32 v12, v4;
	v0 =	vld.idx.msk [tilespmem:v0+s11+$0x0], $0xffff  }
0x273: {  	v33 =	vmovc v15;
	v15 =	vor.u32 $0x3, v15;
	v11 =	vshll.u32 v11, $0x5;
	v12 =	vor.u32 v18, v4;
	[tilespmem:s0+$0xFFFFFF10] =	vst v7;
	v7 =	vld.idx.msk [tilespmem:v10+s11+$0x0], $0xffff  }
0x274: {  	v37 =	vmov v18;
	v18 =	vor.u32 v13, v11;
	v10 =	vor.u32 v15, v4;
	[tilespmem:s0+$0x130] =	vst v3;
	v1 =	vld.idx.msk [tilespmem:v1+s11+$0x0], $0xffff  }
0x275: {  	v42 =	vor.u32 $0x6, v18;
	v3 =	vor.u32 v41, v4;
	[tilespmem:s0+$0x1B0] =	vst v2;
	v5 =	vld.idx.msk [tilespmem:v5+s11+$0x0], $0xffff  }
0x276: {  	s30 =	sadd.s32 $0x560, s7;
	v43 =	vor.u32 $0x7, v18;
	[tilespmem:s0+$0xB0] =	vst v8;
	v2 =	vld.idx.msk [tilespmem:v9+s11+$0x0], $0xffff;
	v8 =	vor.u32 v42, v4  }
0x277: {  	v45 =	vor.u32 $0x5, v18;
	v9 =	vmov s30;
	v6 =	vld.idx.msk [tilespmem:v6+s11+$0x0], $0xffff;
	[tilespmem:s0+$0x20] =	vst v0;
	v0 =	vor.u32 v43, v4  }
0x278: {  	v47 =	vor.u32 $0x4, v16;
	v9 =	vshll.u32 v9, $0x5;
	[tilespmem:s0+$0xFFFFFF90] =	vst v7;
	v7 =	vor.u32 v45, v4;
	v11 =	vld.idx.msk [tilespmem:v12+s11+$0x0], $0xffff  }
0x279: {  	s31 =	sadd.s32 $0x570, s7;
	v48 =	vor.u32 $0x3, v14;
	v19 =	vor.u32 v13, v9;
	v9 =	vor.u32 v47, v4;
	v10 =	vld.idx.msk [tilespmem:v10+s11+$0x0], $0xffff;
	[tilespmem:s0+$0xFFFFFF20] =	vst v1  }
0x27a: {  	v53 =	vor.u32 $0x2, v16;
	v1 =	vmov s31;
	v12 =	vor.u32 v48, v4;
	[tilespmem:s0+$0x140] =	vst v5;
	v3 =	vld.idx.msk [tilespmem:v3+s11+$0x0], $0xffff  }
0x27b: {  	v32 =	vmovc v17;
	v54 =	vor.u32 $0x6, v19;
	v5 =	vor.u32 v53, v4;
	[tilespmem:s0+$0x1C0] =	vst v2;
	v1 =	vshll.u32 v1, $0x5;
	v8 =	vld.idx.msk [tilespmem:v8+s11+$0x0], $0xffff  }
0x27c: {  	v56 =	vor.u32 $0x7, v19;
	v20 =	vor.u32 v13, v1;
	[tilespmem:s0+$0xC0] =	vst v6;
	v6 =	vor.u32 v54, v4;
	v1 =	vld.idx.msk [tilespmem:v0+s11+$0x0], $0xffff  }
0x27d: {  	v34 =	vmovc v14;
	v60 =	vor.u32 $0x1, v14;
	v61 =	vor.u32 $0x5, v19;
	v13 =	vor.u32 v56, v4;
	v7 =	vld.idx.msk [tilespmem:v7+s11+$0x0], $0xffff;
	[tilespmem:s0+$0x30] =	vst v11  }
0x27e: {  	v62 =	vor.u32 $0x1, v16;
	v17 =	vor.u32 v17, v4;
	[tilespmem:s0+$0xFFFFFFA0] =	vst v10;
	v10 =	vor.u32 v61, v4;
	v9 =	vld.idx.msk [tilespmem:v9+s11+$0x0], $0xffff  }
0x27f: {  	v36 =	vmovc v15;
	v14 =	vor.u32 v60, v4;
	v55 =	vor.u32 $0x1, v18;
	v63 =	vor.u32 $0x4, v18;
	[tilespmem:s0+$0xFFFFFF30] =	vst v3;
	v15 =	vld.idx.msk [tilespmem:v12+s11+$0x0], $0xffff  }
0x280: {  	v50 =	vor.u32 $0x1, v19;
	v0 =	vor.u32 $0x3, v16;
	[tilespmem:s0+$0x150] =	vst v8;
	v8 =	vor.u32 v63, v4;
	v11 =	vld.idx.msk [tilespmem:v5+s11+$0x0], $0xffff  }
0x281: {  	v35 =	vmovc v16;
	v58 =	vor.u32 $0x2, v19;
	v59 =	vor.u32 $0x3, v19;
	v16 =	vor.u32 v0, v4;
	v44 =	vld.idx.msk [tilespmem:v6+s11+$0x0], $0xffff;
	[tilespmem:s0+$0x1D0] =	vst v1  }
0x282: {  	v2 =	vor.u32 $0x2, v18;
	v46 =	vor.u32 $0x1, v20;
	v49 =	vor.u32 $0x2, v20;
	[tilespmem:s0+$0xD0] =	vst v7;
	v12 =	vld.idx.msk [tilespmem:v13+s11+$0x0], $0xffff  }
0x283: {  	v51 =	vor.u32 $0x3, v20;
	v57 =	vor.u32 $0x4, v20;
	v52 =	vor.u32 $0x6, v20;
	v13 =	vld.idx.msk [tilespmem:v10+s11+$0x0], $0xffff;
	[tilespmem:s0+$0x40] =	vst v9  }
0x284: {  	v39 =	vmovc v18;
	v3 =	vor.u32 $0x3, v18;
	v18 =	vor.u32 v2, v4;
	v6 =	vor.u32 $0x4, v19;
	[tilespmem:s0+$0xFFFFFFB0] =	vst v15;
	v15 =	vld.idx.msk [tilespmem:v14+s11+$0x0], $0xffff  }
0x285: {  	v38 =	vmovc v19;
	v40 =	vmovc v20;
	v5 =	vor.u32 $0x7, v20;
	v7 =	vor.u32 $0x5, v20;
	v1 =	vor.u32 v6, v4;
	v10 =	vld.idx.msk [tilespmem:v8+s11+$0x0], $0xffff  }
0x286: {  	s28 =	simm.s32 $0x1B000;
	v14 =	vor.u32 v7, v4;
	v8 =	vor.u32 v62, v4;
	v9 =	vld.idx.msk [tilespmem:v16+s11+$0x0], $0xffff;
	v16 =	vor.u32 v5, v4  }
.LBB2_18:
0x287: {  	_ =	sdelay $0x2  }
0x288: {  	[tilespmem:s0+$0x50] =	vst v10  }
0x289: {  	s5 =	sadd.s32 $0x8, s5;
	v24 =	vld.idx.msk [tilespmem:v1+s11+$0x0], $0xffff  }
0x28a: {  	[tilespmem:s0+$0xFFFFFF40] =	vst v11;
	v11 =	vmov s5;
	v1 =	vld [tilespmem:$0x1FB50]  }
0x28b: {  	v11 =	vshrl.u32 v11, $0x3  }
0x28c: {  	v11 =	vshll.u32 v11, $0x3  }
0x28d: {  	[tilespmem:s0+$0x1E0] =	vst v12;
	v12 =	vbroadcast v11, $0x0;
	_ =	sdelay $0x1  }
0x28e: {  	v23 =	vor.u32 v1, v12;
	v1 =	vld [tilespmem:$0x1FAF0]  }
0x28f: {  	v17 =	vld.idx.msk [tilespmem:v17+s11+$0x0], $0xffff  }
0x290: {  	v29 =	vld [tilespmem:$0x1FAE0]  }
0x291: {  	v30 =	vld [tilespmem:$0x1FAC0]  }
0x292: {  	v31 =	vld [tilespmem:$0x1FBD0]  }
0x293: {  	v25 =	vor.u32 v1, v12;
	v1 =	vld [tilespmem:$0x1FC20]  }
0x294: {  	v19 =	vor.u32 v3, v4;
	[tilespmem:s0+$0xE0] =	vst v13;
	v18 =	vld.idx.msk [tilespmem:v18+s11+$0x0], $0xffff  }
0x295: {  	[tilespmem:s0+$0xFFFFFEB0] =	vst v15;
	v15 =	vor.u32 v33, v4;
	v16 =	vld.idx.msk [tilespmem:v16+s11+$0x0], $0xffff  }
0x296: {  	v22 =	vor.u32 v58, v4;
	v14 =	vld.idx.msk [tilespmem:v14+s11+$0x0], $0xffff  }
0x297: {  	v20 =	vld.idx.msk [tilespmem:v8+s11+$0x0], $0xffff  }
0x298: {  	[tilespmem:s0+$0xFFFFFFC0] =	vst v9;
	v26 =	vor.u32 v1, v12;
	v1 =	vld [tilespmem:$0x1FB60]  }
0x299: {  	v19 =	vld.idx.msk [tilespmem:v19+s11+$0x0], $0xffff;
	[tilespmem:s0+$0xFFFFFE10] =	vst v17  }
0x29a: {  	v15 =	vld.idx.msk [tilespmem:v15+s11+$0x0], $0xffff;
	[tilespmem:s0+$0xFFFFFF50] =	vst v18  }
0x29b: {  	v22 =	vld.idx.msk [tilespmem:v22+s11+$0x0], $0xffff  }
0x29c: {  	[tilespmem:s0+$0xF0] =	vst v14;
	v14 =	vld.idx.msk [tilespmem:v23+s11+$0x0], $0xffff  }
0x29d: {  	v18 =	vor.u32 v1, v12;
	v1 =	vld [tilespmem:$0x1FB00]  }
0x29e: {  	v21 =	vor.u32 v55, v4;
	v23 =	vor.u32 v29, v12;
	v29 =	vld [tilespmem:$0x1FB30]  }
0x29f: {  	[tilespmem:s0+$0x60] =	vst v24;
	v24 =	vld.idx.msk [tilespmem:v25+s11+$0x0], $0xffff  }
0x2a0: {  	v25 =	vor.u32 v30, v12;
	[tilespmem:s0+$0xFFFFFEC0] =	vst v20;
	v20 =	vld [tilespmem:$0x1FAD0]  }
0x2a1: {  	[tilespmem:s0+$0x1F0] =	vst v16;
	v30 =	vld [tilespmem:$0x1FBC0]  }
0x2a2: {  	[tilespmem:s0+$0xFFFFFFD0] =	vst v19;
	v27 =	vor.u32 v1, v12;
	v1 =	vld [tilespmem:$0x1FB70]  }
0x2a3: {  	[tilespmem:s0+$0xFFFFFE20] =	vst v15;
	s0 =	sadd.s32 $0x400, s0;
	v21 =	vld.idx.msk [tilespmem:v21+s11+$0x0], $0xffff  }
0x2a4: {  	[tilespmem:s0+$0xFFFFFE00] =	vst v14;
	v14 =	vld [tilespmem:$0x1FBB0]  }
0x2a5: {  	v25 =	vld.idx.msk [tilespmem:v25+s11+$0x0], $0xffff  }
0x2a6: {  	[tilespmem:s0+$0xFFFFFE80] =	vst v24;
	v24 =	vor.u32 v29, v12;
	v29 =	vld [tilespmem:$0x1FB10]  }
0x2a7: {  	v20 =	vor.u32 v20, v12;
	v17 =	vor.u32 v1, v12;
	v1 =	vld [tilespmem:$0x1FB40]  }
0x2a8: {  	v19 =	vld.idx.msk [tilespmem:v27+s11+$0x0], $0xffff  }
0x2a9: {  	[tilespmem:s28+$0xFFFFFF60] =	vst v22;
	v22 =	vld.idx.msk [tilespmem:v23+s11+$0x0], $0xffff  }
0x2aa: {  	[tilespmem:s28+$0xFFFFFED0] =	vst v21;
	v21 =	vor.u32 v30, v12;
	v30 =	vld [tilespmem:$0x1FB90]  }
0x2ab: {  	v27 =	vor.u32 v31, v12;
	v31 =	vld [tilespmem:$0x1FBA0]  }
0x2ac: {  	v20 =	vld.idx.msk [tilespmem:v20+s11+$0x0], $0xffff;
	v16 =	vor.u32 v1, v12  }
0x2ad: {  	v29 =	vor.u32 v29, v12;
	[tilespmem:s0+$0xFFFFFF00] =	vst v19;
	v19 =	vld [tilespmem:$0x1FB20]  }
0x2ae: {  	v17 =	vld.idx.msk [tilespmem:v17+s11+$0x0], $0xffff;
	[tilespmem:s0+$0x80] =	vst v22  }
0x2af: {  	v24 =	vld.idx.msk [tilespmem:v24+s11+$0x0], $0xffff  }
0x2b0: {  	v18 =	vld.idx.msk [tilespmem:v18+s11+$0x0], $0xffff;
	[tilespmem:s0+$0x100] =	vst v25;
	v25 =	vor.u32 v31, v12  }
0x2b1: {  	v15 =	vld.idx.msk [tilespmem:v16+s11+$0x0], $0xffff;
	v16 =	vor.u32 v59, v4  }
0x2b2: {  	v29 =	vld.idx.msk [tilespmem:v29+s11+$0x0], $0xffff;
	v19 =	vor.u32 v19, v12  }
0x2b3: {  	v23 =	vor.u32 v57, v4;
	v31 =	vld [tilespmem:$0x1FC00];
	[tilespmem:s0+$0xFFFFFF80] =	vst v17  }
0x2b4: {  	v28 =	vor.u32 v50, v4;
	v17 =	vld [tilespmem:$0x1FC30];
	[tilespmem:s0+$0x90] =	vst v24  }
0x2b5: {  	v25 =	vld.idx.msk [tilespmem:v25+s11+$0x0], $0xffff  }
0x2b6: {  	[tilespmem:s0+$0x180] =	vst v20;
	v16 =	vld.idx.msk [tilespmem:v16+s11+$0x0], $0xffff  }
0x2b7: {  	[tilespmem:s0+$0x0] =	vst v15;
	v19 =	vld.idx.msk [tilespmem:v19+s11+$0x0], $0xffff  }
0x2b8: {  	v22 =	vor.u32 v34, v4;
	v15 =	vld.idx.msk [tilespmem:v23+s11+$0x0], $0xffff  }
0x2b9: {  	v23 =	vld.idx.msk [tilespmem:v28+s11+$0x0], $0xffff  }
0x2ba: {  	[tilespmem:s0+$0xFFFFFE90] =	vst v18;
	v18 =	vld [tilespmem:$0x1FB80]  }
0x2bb: {  	v20 =	vor.u32 v46, v4;
	v28 =	vld [tilespmem:$0x1FC10]  }
0x2bc: {  	v30 =	vor.u32 v30, v12;
	v21 =	vld.idx.msk [tilespmem:v21+s11+$0x0], $0xffff;
	[tilespmem:s28+$0xFFFFFFE0] =	vst v16  }
0x2bd: {  	v14 =	vor.u32 v14, v12;
	v16 =	vld.idx.msk [tilespmem:v22+s11+$0x0], $0xffff;
	[tilespmem:s0+$0x190] =	vst v19  }
0x2be: {  	v19 =	vld [tilespmem:$0x1FBE0];
	[tilespmem:s28+$0x70] =	vst v15  }
0x2bf: {  	v18 =	vor.u32 v18, v12;
	v15 =	vld.idx.msk [tilespmem:v27+s11+$0x0], $0xffff;
	[tilespmem:s28+$0xFFFFFEE0] =	vst v23  }
0x2c0: {  	[tilespmem:s0+$0x110] =	vst v29;
	v24 =	vor.u32 v35, v4;
	v20 =	vld.idx.msk [tilespmem:v20+s11+$0x0], $0xffff  }
0x2c1: {  	v29 =	vor.u32 v49, v4;
	[tilespmem:s0+$0xFFFFFEA0] =	vst v21;
	v21 =	vld.idx.msk [tilespmem:v30+s11+$0x0], $0xffff  }
0x2c2: {  	v14 =	vld.idx.msk [tilespmem:v14+s11+$0x0], $0xffff  }
0x2c3: {  	v28 =	vor.u32 v28, v12;
	v30 =	vld [tilespmem:$0x1FBF0]  }
0x2c4: {  	[tilespmem:s28+$0xFFFFFE30] =	vst v16;
	v18 =	vld.idx.msk [tilespmem:v18+s11+$0x0], $0xffff  }
0x2c5: {  	[tilespmem:s0+$0xFFFFFF10] =	vst v15;
	v15 =	vld.idx.msk [tilespmem:v24+s11+$0x0], $0xffff  }
0x2c6: {  	[tilespmem:s28+$0xFFFFFEF0] =	vst v20;
	v16 =	vld.idx.msk [tilespmem:v29+s11+$0x0], $0xffff  }
0x2c7: {  	v19 =	vor.u32 v19, v12;
	v20 =	vld.idx.msk [tilespmem:v26+s11+$0x0], $0xffff;
	[tilespmem:s0+$0x10] =	vst v14  }
0x2c8: {  	v30 =	vor.u32 v30, v12;
	[tilespmem:s0+$0x1A0] =	vst v21;
	v21 =	vld.idx.msk [tilespmem:v28+s11+$0x0], $0xffff  }
0x2c9: {  	v24 =	vor.u32 v39, v4;
	v28 =	vld [tilespmem:$0x1FC40]  }
0x2ca: {  	v17 =	vor.u32 v17, v12;
	[tilespmem:s0+$0x120] =	vst v18;
	v18 =	vld [tilespmem:$0x1FC60]  }
0x2cb: {  	v13 =	vor.u32 v36, v12;
	[tilespmem:s28+$0xFFFFFE40] =	vst v15;
	v15 =	vld [tilespmem:$0x1FC50]  }
0x2cc: {  	v31 =	vor.u32 v31, v12;
	v19 =	vld.idx.msk [tilespmem:v19+s11+$0x0], $0xffff  }
0x2cd: {  	[tilespmem:s0+$0xA0] =	vst v25;
	v27 =	vor.u32 v37, v12;
	v14 =	vld.idx.msk [tilespmem:v30+s11+$0x0], $0xffff  }
0x2ce: {  	v24 =	vld.idx.msk [tilespmem:v24+s11+$0x0], $0xffff;
	[tilespmem:s28+$0xFFFFFF70] =	vst v16;
	v28 =	vor.u32 v28, v12  }
0x2cf: {  	[tilespmem:s0+$0xFFFFFF90] =	vst v20;
	v16 =	vld.idx.msk [tilespmem:v17+s11+$0x0], $0xffff;
	v17 =	vor.u32 v38, v4  }
0x2d0: {  	v13 =	vld.idx.msk [tilespmem:v13+s11+$0x0], $0xffff;
	[tilespmem:s0+$0x20] =	vst v21;
	v15 =	vor.u32 v15, v12  }
0x2d1: {  	v22 =	vor.u32 v41, v12;
	v26 =	vld.idx.msk [tilespmem:v31+s11+$0x0], $0xffff;
	[tilespmem:s0+$0x130] =	vst v19  }
0x2d2: {  	v21 =	vld.idx.msk [tilespmem:v27+s11+$0x0], $0xffff;
	v18 =	vor.u32 v18, v12;
	[tilespmem:s0+$0x1B0] =	vst v14  }
0x2d3: {  	v14 =	vor.u32 v51, v4;
	[tilespmem:s28+$0xFFFFFE50] =	vst v24;
	v19 =	vld.idx.msk [tilespmem:v28+s11+$0x0], $0xffff  }
0x2d4: {  	v28 =	vor.u32 v42, v12;
	[tilespmem:s0+$0xFFFFFF20] =	vst v16;
	v17 =	vld.idx.msk [tilespmem:v17+s11+$0x0], $0xffff  }
0x2d5: {  	[tilespmem:s0+$0xFFFFFFA0] =	vst v13;
	v13 =	vor.u32 v40, v4;
	v15 =	vld.idx.msk [tilespmem:v15+s11+$0x0], $0xffff  }
0x2d6: {  	[tilespmem:s0+$0xB0] =	vst v26;
	v16 =	vor.u32 v43, v12;
	v22 =	vld.idx.msk [tilespmem:v22+s11+$0x0], $0xffff  }
0x2d7: {  	v11 =	vor.u32 v53, v12;
	[tilespmem:s0+$0x30] =	vst v21;
	v18 =	vld.idx.msk [tilespmem:v18+s11+$0x0], $0xffff  }
0x2d8: {  	v20 =	vor.u32 v45, v12;
	v14 =	vld.idx.msk [tilespmem:v14+s11+$0x0], $0xffff;
	[tilespmem:s0+$0x140] =	vst v19  }
0x2d9: {  	v25 =	vor.u32 v47, v12;
	[tilespmem:s28+$0xFFFFFE60] =	vst v17;
	v19 =	vld.idx.msk [tilespmem:v28+s11+$0x0], $0xffff  }
0x2da: {  	v23 =	vor.u32 v48, v12;
	v30 =	vld.idx.msk [tilespmem:v13+s11+$0x0], $0xffff;
	[tilespmem:s0+$0x1C0] =	vst v15  }
0x2db: {  	v9 =	vor.u32 v0, v12;
	[tilespmem:s0+$0xFFFFFF30] =	vst v22;
	v15 =	vld.idx.msk [tilespmem:v16+s11+$0x0], $0xffff;
	v16 =	vor.u32 v52, v4  }
0x2dc: {  	v8 =	vor.u32 v62, v12;
	v10 =	vor.u32 v60, v12;
	v11 =	vld.idx.msk [tilespmem:v11+s11+$0x0], $0xffff;
	[tilespmem:s0+$0xC0] =	vst v18;
	v4 =	vmov v12  }
0x2dd: {  	v1 =	vor.u32 v6, v12;
	[tilespmem:s28+$0x160] =	vst v44;
	v18 =	vld.idx.msk [tilespmem:v20+s11+$0x0], $0xffff;
	v12 =	vor.u32 v54, v4  }
0x2de: {  	v20 =	vld.idx.msk [tilespmem:v25+s11+$0x0], $0xffff;
	[tilespmem:s28+$0xFFFFFFF0] =	vst v14;
	v29 =	vor.u32 v56, v4  }
0x2df: {  	v13 =	vor.u32 v61, v4;
	v14 =	vld.idx.msk [tilespmem:v23+s11+$0x0], $0xffff;
	[tilespmem:s0+$0x150] =	vst v19  }
0x2e0: {  	v31 =	vor.u32 v63, v4;
	v19 =	vld.idx.msk [tilespmem:v16+s11+$0x0], $0xffff  }
0x2e1: {  	p0 =	slt.u32 s5, $0x18;
	[tilespmem:s0+$0x1D0] =	vst v15;
	v15 =	vld.idx.msk [tilespmem:v10+s11+$0x0], $0xffff  }
.Ltmp7:
0x2e2: {  	[tilespmem:s28+$0xFFFFFE70] =	vst v30;
	v44 =	vld.idx.msk [tilespmem:v12+s11+$0x0], $0xffff;
	(pc) =	sbr.rel @p0 .LBB2_18-.Ltmp7, $4  }
0x2e3: {  	[tilespmem:s0+$0xD0] =	vst v18;
	v12 =	vld.idx.msk [tilespmem:v29+s11+$0x0], $0xffff  }
0x2e4: {  	[tilespmem:s0+$0x40] =	vst v20;
	v13 =	vld.idx.msk [tilespmem:v13+s11+$0x0], $0xffff  }
0x2e5: {  	v17 =	vor.u32 v32, v4;
	v18 =	vor.u32 v2, v4;
	[tilespmem:s0+$0xFFFFFFB0] =	vst v14;
	v10 =	vld.idx.msk [tilespmem:v31+s11+$0x0], $0xffff  }
0x2e6: {  	v16 =	vor.u32 v5, v4;
	v14 =	vor.u32 v7, v4;
	v9 =	vld.idx.msk [tilespmem:v9+s11+$0x0], $0xffff;
	[tilespmem:s28+$0x170] =	vst v19;
	s28 =	smov.u32 s0  }
0x2e7: {  	_ =	sdelay $0x3  }
0x2e8: {  	v0 =	vld.idx.msk [tilespmem:v17+s11+$0x0], $0xffff  }
0x2e9: {  	v2 =	vor.u32 v33, v4;
	_ =	sdelay $0x3  }
0x2ea: {  	[tilespmem:s0+$0xFFFFFE10] =	vst v0  }
0x2eb: {  	v0 =	vld.idx.msk [tilespmem:v2+s11+$0x0], $0xffff  }
0x2ec: {  	v2 =	vor.u32 v34, v4;
	_ =	sdelay $0x3  }
0x2ed: {  	[tilespmem:s0+$0xFFFFFE20] =	vst v0  }
0x2ee: {  	v0 =	vld.idx.msk [tilespmem:v2+s11+$0x0], $0xffff  }
0x2ef: {  	v2 =	vor.u32 v35, v4  }
0x2f0: {  	[tilespmem:s0+$0xFFFFFEB0] =	vst v15  }
0x2f1: {  	v5 =	vld.idx.msk [tilespmem:v8+s11+$0x0], $0xffff  }
0x2f2: {  	v6 =	vor.u32 v55, v4  }
0x2f3: {  	[tilespmem:s28+$0xFFFFFE30] =	vst v0  }
0x2f4: {  	[tilespmem:s0+$0xFFFFFF40] =	vst v11;
	v0 =	vor.u32 v3, v4;
	v2 =	vld.idx.msk [tilespmem:v2+s11+$0x0], $0xffff  }
0x2f5: {  	[tilespmem:s28+$0x160] =	vst v44;
	v3 =	vor.u32 v39, v4  }
0x2f6: {  	v7 =	vld.idx.msk [tilespmem:v18+s11+$0x0], $0xffff;
	[tilespmem:s0+$0xFFFFFEC0] =	vst v5  }
0x2f7: {  	[tilespmem:s0+$0x1E0] =	vst v12;
	v5 =	vld.idx.msk [tilespmem:v6+s11+$0x0], $0xffff  }
0x2f8: {  	v8 =	vor.u32 v50, v4;
	[tilespmem:s0+$0xFFFFFFC0] =	vst v9;
	v6 =	vld.idx.msk [tilespmem:v16+s11+$0x0], $0xffff  }
0x2f9: {  	v9 =	vor.u32 v58, v4;
	v0 =	vld.idx.msk [tilespmem:v0+s11+$0x0], $0xffff;
	[tilespmem:s28+$0xFFFFFE40] =	vst v2  }
0x2fa: {  	[tilespmem:s0+$0x50] =	vst v10;
	v2 =	vor.u32 v59, v4;
	v3 =	vld.idx.msk [tilespmem:v3+s11+$0x0], $0xffff  }
0x2fb: {  	[tilespmem:s0+$0xFFFFFF50] =	vst v7;
	v7 =	vor.u32 v38, v4  }
0x2fc: {  	v1 =	vld.idx.msk [tilespmem:v1+s11+$0x0], $0xffff;
	[tilespmem:s28+$0xFFFFFED0] =	vst v5  }
0x2fd: {  	[tilespmem:s0+$0x1F0] =	vst v6;
	v5 =	vor.u32 v57, v4;
	v6 =	vld.idx.msk [tilespmem:v8+s11+$0x0], $0xffff  }
0x2fe: {  	v8 =	vld.idx.msk [tilespmem:v9+s11+$0x0], $0xffff;
	[tilespmem:s0+$0xFFFFFFD0] =	vst v0;
	v0 =	vor.u32 v46, v4  }
0x2ff: {  	v9 =	vor.u32 v49, v4;
	v2 =	vld.idx.msk [tilespmem:v2+s11+$0x0], $0xffff;
	[tilespmem:s28+$0xFFFFFE50] =	vst v3  }
0x300: {  	[tilespmem:s0+$0xE0] =	vst v13;
	v3 =	vor.u32 v51, v4;
	v7 =	vld.idx.msk [tilespmem:v7+s11+$0x0], $0xffff  }
0x301: {  	v10 =	vld.idx.msk [tilespmem:v14+s11+$0x0], $0xffff;
	[tilespmem:s0+$0x60] =	vst v1;
	v1 =	vor.u32 v40, v4  }
0x302: {  	v5 =	vld.idx.msk [tilespmem:v5+s11+$0x0], $0xffff;
	[tilespmem:s28+$0xFFFFFEE0] =	vst v6  }
0x303: {  	[tilespmem:s28+$0xFFFFFF60] =	vst v8;
	v0 =	vld.idx.msk [tilespmem:v0+s11+$0x0], $0xffff  }
0x304: {  	[tilespmem:s28+$0xFFFFFFE0] =	vst v2;
	v2 =	vld.idx.msk [tilespmem:v9+s11+$0x0], $0xffff  }
0x305: {  	v3 =	vld.idx.msk [tilespmem:v3+s11+$0x0], $0xffff;
	[tilespmem:s28+$0xFFFFFE60] =	vst v7  }
0x306: {  	[tilespmem:s0+$0xF0] =	vst v10;
	v4 =	vor.u32 v52, v4;
	v1 =	vld.idx.msk [tilespmem:v1+s11+$0x0], $0xffff  }
0x307: {  	[tilespmem:s28+$0x70] =	vst v5  }
0x308: {  	[tilespmem:s28+$0xFFFFFEF0] =	vst v0  }
0x309: {  	[tilespmem:s28+$0xFFFFFF70] =	vst v2  }
0x30a: {  	[tilespmem:s28+$0xFFFFFFF0] =	vst v3  }
0x30b: {  	v5 =	vld.idx.msk [tilespmem:v4+s11+$0x0], $0xffff;
	[tilespmem:s28+$0xFFFFFE70] =	vst v1  }
0x30c: {  	s26 =	sshllo.u32 s25, $0x1;
	s4 =	sshll.u32 s25, $0x1;
	v13 =	vld [tilespmem:$0x1FFD0]  }
0x30d: {  	s7 =	sshll.u32 s26, $0x7;
	s4 =	sadd.s32 s24, s4  }
0x30e: {  	s5 =	sadd.s32 $0x500, s7;
	s4 =	sshll.u32 s4, $0x13;
	s0 =	simm.s32 $0x0  }
0x30f: {  	s4 =	sor.u32 s1, s4;
	v4 =	vmov s5;
	v0 =	vmov s0  }
0x310: {  	s4 =	sshrl.u32 s4, $0x3;
	v0 =	vshrl.u32 v0, $0x3;
	v2 =	vshll.u32 v4, $0x5  }
0x311: {  	s4 =	sadd.s32 s2, s4;
	v0 =	vshll.u32 v0, $0x3;
	[tilespmem:s28+$0x170] =	vst v5;
	v12 =	vor.u32 v13, v2  }
0x312: {  	v4 =	vbroadcast v0, $0x0;
	[hbm4b:s4+s15] =	stream.strided.scatter [tilespmem:s17], [sflag:$0x3], $0x1000, s16, s15, $0x38;
	v0 =	vor.u32 $0x6, v12;
	[tilespmem:$0x1CE00] =	vst v63  }
0x313: {  	v1 =	vor.u32 $0x7, v12;
	[tilespmem:$0x1F910] =	vst v0  }
0x314: {  	s14 =	sadd.s32 $0x510, s7;
	v0 =	vor.u32 v0, v4;
	[tilespmem:$0x1F920] =	vst v1  }
0x315: {  	v2 =	vmov s14;
	v3 =	vor.u32 $0x5, v12;
	v1 =	vor.u32 v1, v4;
	_ =	swait.ge [sflag:s21], $0x1000  }
0x316: {  	v6 =	vor.u32 $0x1, v12;
	v2 =	vshll.u32 v2, $0x5;
	[tilespmem:$0x1F930] =	vst v3;
	v3 =	vor.u32 v3, v4  }
0x317: {  	v5 =	vor.u32 v12, v4;
	v7 =	vor.u32 $0x2, v12;
	v17 =	vor.u32 v13, v2;
	[sflag:s21] =	ssyncset.done $0x0;
	[tilespmem:$0x1F940] =	vst v6  }
0x318: {  	v8 =	vor.u32 $0x6, v17;
	[tilespmem:$0x1F950] =	vst v7;
	[sflag:s21] =	ssyncadd.s32 $0xFFFFF000  }
0x319: {  	v2 =	vor.u32 v6, v4;
	v0 =	vld.idx.msk [tilespmem:v0+s11+$0x0], $0xffff;
	[tilespmem:$0x1F960] =	vst v8  }
0x31a: {  	v9 =	vor.u32 $0x7, v17;
	v1 =	vld.idx.msk [tilespmem:v1+s11+$0x0], $0xffff  }
0x31b: {  	v10 =	vor.u32 $0x5, v17;
	v3 =	vld.idx.msk [tilespmem:v3+s11+$0x0], $0xffff;
	[tilespmem:$0x1F970] =	vst v9  }
0x31c: {  	v11 =	vor.u32 $0x4, v12;
	v6 =	vor.u32 v7, v4;
	v5 =	vld.idx.msk [tilespmem:v5+s11+$0x0], $0xffff;
	[tilespmem:$0x1F980] =	vst v10  }
0x31d: {  	[tilespmem:$0x1F990] =	vst v11  }
0x31e: {  	v14 =	vor.u32 $0x1, v17;
	v2 =	vld.idx.msk [tilespmem:v2+s11+$0x0], $0xffff;
	[tilespmem:$0x1F9A0] =	vst v12  }
0x31f: {  	s19 =	sadd.s32 $0x520, s7;
	s5 =	simm.s32 $0x1C1F0;
	v7 =	vor.u32 v8, v4;
	[tilespmem:$0x1F9B0] =	vst v14  }
0x320: {  	v8 =	vor.u32 v9, v4;
	v9 =	vmov s19;
	v12 =	vor.u32 $0x3, v12;
	[tilespmem:s5+$0xFFFFFF10] =	vst v0  }
0x321: {  	v10 =	vor.u32 v10, v4;
	v9 =	vshll.u32 v9, $0x5;
	v6 =	vld.idx.msk [tilespmem:v6+s11+$0x0], $0xffff;
	[tilespmem:$0x1F9C0] =	vst v12  }
0x322: {  	v15 =	vor.u32 v13, v9;
	[tilespmem:s5+$0xFFFFFF90] =	vst v1  }
0x323: {  	v11 =	vor.u32 v11, v4;
	v9 =	vor.u32 v14, v4;
	v14 =	vor.u32 $0x6, v15;
	[tilespmem:s5+$0xFFFFFE90] =	vst v3  }
0x324: {  	v7 =	vld.idx.msk [tilespmem:v7+s11+$0x0], $0xffff;
	[tilespmem:$0x1F9D0] =	vst v14  }
0x325: {  	v0 =	vor.u32 v12, v4;
	v12 =	vor.u32 $0x7, v15;
	v3 =	vld.idx.msk [tilespmem:v8+s11+$0x0], $0xffff;
	[tilespmem:s5+$0xFFFFFC10] =	vst v5  }
0x326: {  	v5 =	vld.idx.msk [tilespmem:v10+s11+$0x0], $0xffff;
	[tilespmem:$0x1F9E0] =	vst v12  }
0x327: {  	v1 =	vor.u32 v14, v4;
	v14 =	vor.u32 $0x5, v15;
	[tilespmem:s5+$0xFFFFFC90] =	vst v2  }
0x328: {  	v8 =	vor.u32 v12, v4;
	v12 =	vor.u32 $0x4, v17;
	v11 =	vld.idx.msk [tilespmem:v11+s11+$0x0], $0xffff;
	[tilespmem:$0x1F9F0] =	vst v14  }
0x329: {  	s22 =	sadd.s32 $0x530, s7;
	[tilespmem:$0x1FA00] =	vst v12  }
0x32a: {  	v16 =	vor.u32 $0x1, v15;
	v10 =	vmov s22;
	v9 =	vld.idx.msk [tilespmem:v9+s11+$0x0], $0xffff;
	[tilespmem:s5+$0xFFFFFD10] =	vst v6  }
0x32b: {  	v10 =	vshll.u32 v10, $0x5;
	v0 =	vld.idx.msk [tilespmem:v0+s11+$0x0], $0xffff;
	[tilespmem:$0x1FA10] =	vst v16  }
0x32c: {  	v2 =	vor.u32 v14, v4;
	v14 =	vor.u32 v13, v10;
	v10 =	vor.u32 $0x2, v17;
	[tilespmem:s5+$0xFFFFFF20] =	vst v7  }
0x32d: {  	[tilespmem:$0x1FA20] =	vst v10  }
0x32e: {  	[tilespmem:s5+$0xFFFFFFA0] =	vst v3  }
0x32f: {  	v6 =	vor.u32 v16, v4;
	v16 =	vor.u32 $0x6, v14;
	[tilespmem:s5+$0xFFFFFEA0] =	vst v5  }
0x330: {  	v1 =	vld.idx.msk [tilespmem:v1+s11+$0x0], $0xffff;
	[tilespmem:$0x1FA30] =	vst v16  }
0x331: {  	v12 =	vor.u32 v12, v4;
	v7 =	vor.u32 v10, v4;
	v10 =	vor.u32 $0x7, v14;
	v5 =	vld.idx.msk [tilespmem:v8+s11+$0x0], $0xffff;
	[tilespmem:s5+$0xFFFFFE10] =	vst v11  }
0x332: {  	v2 =	vld.idx.msk [tilespmem:v2+s11+$0x0], $0xffff;
	[tilespmem:$0x1FA40] =	vst v10  }
0x333: {  	v3 =	vor.u32 v16, v4;
	v16 =	vor.u32 $0x5, v14;
	[tilespmem:s5+$0xFFFFFCA0] =	vst v9  }
0x334: {  	[tilespmem:$0x1FA50] =	vst v16  }
0x335: {  	v18 =	vor.u32 $0x4, v15;
	[tilespmem:s5+$0xFFFFFD90] =	vst v0  }
0x336: {  	v11 =	vld.idx.msk [tilespmem:v12+s11+$0x0], $0xffff;
	v12 =	vor.u32 $0x3, v17;
	[tilespmem:$0x1FA60] =	vst v18  }
0x337: {  	s28 =	sadd.s32 $0x540, s7;
	v8 =	vor.u32 v10, v4;
	v6 =	vld.idx.msk [tilespmem:v6+s11+$0x0], $0xffff;
	[tilespmem:$0x1FA70] =	vst v12  }
0x338: {  	v10 =	vmov s28;
	v0 =	vor.u32 v18, v4;
	v18 =	vor.u32 $0x2, v15;
	[tilespmem:s5+$0xFFFFFF30] =	vst v1  }
0x339: {  	v9 =	vor.u32 v16, v4;
	v10 =	vshll.u32 v10, $0x5;
	v7 =	vld.idx.msk [tilespmem:v7+s11+$0x0], $0xffff;
	[tilespmem:$0x1FA80] =	vst v18  }
0x33a: {  	v16 =	vor.u32 v13, v10;
	[tilespmem:s5+$0xFFFFFFB0] =	vst v5  }
0x33b: {  	v10 =	vor.u32 v12, v4;
	v12 =	vor.u32 $0x6, v16;
	v3 =	vld.idx.msk [tilespmem:v3+s11+$0x0], $0xffff;
	[tilespmem:s5+$0xFFFFFEB0] =	vst v2  }
0x33c: {  	v2 =	vld.idx.msk [tilespmem:v8+s11+$0x0], $0xffff;
	[tilespmem:$0x1FA90] =	vst v12  }
0x33d: {  	v1 =	vor.u32 v18, v4;
	v18 =	vor.u32 $0x7, v16;
	[tilespmem:s5+$0xFFFFFE20] =	vst v11  }
0x33e: {  	v8 =	vld.idx.msk [tilespmem:v9+s11+$0x0], $0xffff;
	[tilespmem:$0x1FAA0] =	vst v18  }
0x33f: {  	v5 =	vor.u32 v12, v4;
	v12 =	vor.u32 $0x5, v16;
	[tilespmem:s5+$0xFFFFFCB0] =	vst v6  }
0x340: {  	s29 =	sadd.s32 $0x550, s7;
	v41 =	vor.u32 $0x2, v14;
	v9 =	vor.u32 v18, v4;
	[tilespmem:$0x1FAB0] =	vst v12  }
0x341: {  	v11 =	vmov s29;
	v18 =	vor.u32 $0x4, v14;
	v6 =	vor.u32 v12, v4;
	v0 =	vld.idx.msk [tilespmem:v0+s11+$0x0], $0xffff  }
0x342: {  	v33 =	vmovc v15;
	v15 =	vor.u32 $0x3, v15;
	v11 =	vshll.u32 v11, $0x5;
	v12 =	vor.u32 v18, v4;
	[tilespmem:s5+$0xFFFFFD20] =	vst v7;
	v7 =	vld.idx.msk [tilespmem:v10+s11+$0x0], $0xffff  }
0x343: {  	v37 =	vmov v18;
	v18 =	vor.u32 v13, v11;
	v10 =	vor.u32 v15, v4;
	[tilespmem:s5+$0xFFFFFF40] =	vst v3;
	v1 =	vld.idx.msk [tilespmem:v1+s11+$0x0], $0xffff  }
0x344: {  	v42 =	vor.u32 $0x6, v18;
	v3 =	vor.u32 v41, v4;
	[tilespmem:s5+$0xFFFFFFC0] =	vst v2;
	v5 =	vld.idx.msk [tilespmem:v5+s11+$0x0], $0xffff  }
0x345: {  	s30 =	sadd.s32 $0x560, s7;
	v43 =	vor.u32 $0x7, v18;
	[tilespmem:s5+$0xFFFFFEC0] =	vst v8;
	v2 =	vld.idx.msk [tilespmem:v9+s11+$0x0], $0xffff;
	v8 =	vor.u32 v42, v4  }
0x346: {  	v45 =	vor.u32 $0x5, v18;
	v9 =	vmov s30;
	v6 =	vld.idx.msk [tilespmem:v6+s11+$0x0], $0xffff;
	[tilespmem:s5+$0xFFFFFE30] =	vst v0;
	v0 =	vor.u32 v43, v4  }
0x347: {  	v47 =	vor.u32 $0x4, v16;
	v9 =	vshll.u32 v9, $0x5;
	[tilespmem:s5+$0xFFFFFDA0] =	vst v7;
	v7 =	vor.u32 v45, v4;
	v11 =	vld.idx.msk [tilespmem:v12+s11+$0x0], $0xffff  }
0x348: {  	s31 =	sadd.s32 $0x570, s7;
	v48 =	vor.u32 $0x3, v14;
	v19 =	vor.u32 v13, v9;
	v9 =	vor.u32 v47, v4;
	v10 =	vld.idx.msk [tilespmem:v10+s11+$0x0], $0xffff;
	[tilespmem:s5+$0xFFFFFD30] =	vst v1  }
0x349: {  	v53 =	vor.u32 $0x2, v16;
	v1 =	vmov s31;
	v12 =	vor.u32 v48, v4;
	[tilespmem:s5+$0xFFFFFF50] =	vst v5;
	v3 =	vld.idx.msk [tilespmem:v3+s11+$0x0], $0xffff  }
0x34a: {  	v32 =	vmovc v17;
	v54 =	vor.u32 $0x6, v19;
	v5 =	vor.u32 v53, v4;
	[tilespmem:s5+$0xFFFFFFD0] =	vst v2;
	v1 =	vshll.u32 v1, $0x5;
	v8 =	vld.idx.msk [tilespmem:v8+s11+$0x0], $0xffff  }
0x34b: {  	v56 =	vor.u32 $0x7, v19;
	v20 =	vor.u32 v13, v1;
	[tilespmem:s5+$0xFFFFFED0] =	vst v6;
	v6 =	vor.u32 v54, v4;
	v1 =	vld.idx.msk [tilespmem:v0+s11+$0x0], $0xffff  }
0x34c: {  	v34 =	vmovc v14;
	v60 =	vor.u32 $0x1, v14;
	v61 =	vor.u32 $0x5, v19;
	v13 =	vor.u32 v56, v4;
	v7 =	vld.idx.msk [tilespmem:v7+s11+$0x0], $0xffff;
	[tilespmem:s5+$0xFFFFFE40] =	vst v11  }
0x34d: {  	v62 =	vor.u32 $0x1, v16;
	v17 =	vor.u32 v17, v4;
	[tilespmem:s5+$0xFFFFFDB0] =	vst v10;
	v10 =	vor.u32 v61, v4;
	v9 =	vld.idx.msk [tilespmem:v9+s11+$0x0], $0xffff  }
0x34e: {  	v36 =	vmovc v15;
	v14 =	vor.u32 v60, v4;
	v55 =	vor.u32 $0x1, v18;
	v63 =	vor.u32 $0x4, v18;
	[tilespmem:s5+$0xFFFFFD40] =	vst v3;
	v15 =	vld.idx.msk [tilespmem:v12+s11+$0x0], $0xffff  }
0x34f: {  	v50 =	vor.u32 $0x1, v19;
	v0 =	vor.u32 $0x3, v16;
	[tilespmem:s5+$0xFFFFFF60] =	vst v8;
	v8 =	vor.u32 v63, v4;
	v11 =	vld.idx.msk [tilespmem:v5+s11+$0x0], $0xffff  }
0x350: {  	v35 =	vmovc v16;
	v58 =	vor.u32 $0x2, v19;
	v59 =	vor.u32 $0x3, v19;
	v16 =	vor.u32 v0, v4;
	v44 =	vld.idx.msk [tilespmem:v6+s11+$0x0], $0xffff;
	[tilespmem:s5+$0xFFFFFFE0] =	vst v1  }
0x351: {  	v2 =	vor.u32 $0x2, v18;
	v46 =	vor.u32 $0x1, v20;
	v49 =	vor.u32 $0x2, v20;
	[tilespmem:s5+$0xFFFFFEE0] =	vst v7;
	v12 =	vld.idx.msk [tilespmem:v13+s11+$0x0], $0xffff  }
0x352: {  	v51 =	vor.u32 $0x3, v20;
	v57 =	vor.u32 $0x4, v20;
	v52 =	vor.u32 $0x6, v20;
	v13 =	vld.idx.msk [tilespmem:v10+s11+$0x0], $0xffff;
	[tilespmem:s5+$0xFFFFFE50] =	vst v9  }
0x353: {  	v39 =	vmovc v18;
	v3 =	vor.u32 $0x3, v18;
	v18 =	vor.u32 v2, v4;
	v5 =	vor.u32 $0x4, v19;
	[tilespmem:s5+$0xFFFFFDC0] =	vst v15;
	v15 =	vld.idx.msk [tilespmem:v14+s11+$0x0], $0xffff  }
0x354: {  	v38 =	vmovc v19;
	v40 =	vmovc v20;
	v6 =	vor.u32 $0x5, v20;
	v7 =	vor.u32 $0x7, v20;
	v1 =	vor.u32 v5, v4;
	v10 =	vld.idx.msk [tilespmem:v8+s11+$0x0], $0xffff  }
0x355: {  	s7 =	simm.s32 $0x1C1F0;
	v14 =	vor.u32 v6, v4;
	v8 =	vor.u32 v62, v4;
	v9 =	vld.idx.msk [tilespmem:v16+s11+$0x0], $0xffff;
	v16 =	vor.u32 v7, v4  }
.LBB2_20:
0x356: {  	_ =	sdelay $0x2  }
0x357: {  	[tilespmem:s5+$0xFFFFFE60] =	vst v10  }
0x358: {  	s0 =	sadd.s32 $0x8, s0;
	v24 =	vld.idx.msk [tilespmem:v1+s11+$0x0], $0xffff  }
0x359: {  	[tilespmem:s5+$0xFFFFFD50] =	vst v11;
	v11 =	vmov s0;
	v1 =	vld [tilespmem:$0x1F9A0]  }
0x35a: {  	v11 =	vshrl.u32 v11, $0x3  }
0x35b: {  	v11 =	vshll.u32 v11, $0x3  }
0x35c: {  	[tilespmem:s5+$0xFFFFFFF0] =	vst v12;
	v12 =	vbroadcast v11, $0x0;
	_ =	sdelay $0x1  }
0x35d: {  	v23 =	vor.u32 v1, v12;
	v1 =	vld [tilespmem:$0x1F940]  }
0x35e: {  	v17 =	vld.idx.msk [tilespmem:v17+s11+$0x0], $0xffff  }
0x35f: {  	v29 =	vld [tilespmem:$0x1F930]  }
0x360: {  	v30 =	vld [tilespmem:$0x1F910]  }
0x361: {  	v31 =	vld [tilespmem:$0x1FA20]  }
0x362: {  	v25 =	vor.u32 v1, v12;
	v1 =	vld [tilespmem:$0x1FA70]  }
0x363: {  	v19 =	vor.u32 v3, v4;
	[tilespmem:s5+$0xFFFFFEF0] =	vst v13;
	v18 =	vld.idx.msk [tilespmem:v18+s11+$0x0], $0xffff  }
0x364: {  	[tilespmem:s5+$0xFFFFFCC0] =	vst v15;
	v15 =	vor.u32 v33, v4;
	v16 =	vld.idx.msk [tilespmem:v16+s11+$0x0], $0xffff  }
0x365: {  	v22 =	vor.u32 v58, v4;
	v14 =	vld.idx.msk [tilespmem:v14+s11+$0x0], $0xffff  }
0x366: {  	v20 =	vld.idx.msk [tilespmem:v8+s11+$0x0], $0xffff  }
0x367: {  	[tilespmem:s5+$0xFFFFFDD0] =	vst v9;
	v26 =	vor.u32 v1, v12;
	v1 =	vld [tilespmem:$0x1F9B0]  }
0x368: {  	v19 =	vld.idx.msk [tilespmem:v19+s11+$0x0], $0xffff;
	[tilespmem:s5+$0xFFFFFC20] =	vst v17  }
0x369: {  	v15 =	vld.idx.msk [tilespmem:v15+s11+$0x0], $0xffff;
	[tilespmem:s5+$0xFFFFFD60] =	vst v18  }
0x36a: {  	v22 =	vld.idx.msk [tilespmem:v22+s11+$0x0], $0xffff  }
0x36b: {  	[tilespmem:s5+$0xFFFFFF00] =	vst v14;
	v14 =	vld.idx.msk [tilespmem:v23+s11+$0x0], $0xffff  }
0x36c: {  	v18 =	vor.u32 v1, v12;
	v1 =	vld [tilespmem:$0x1F950]  }
0x36d: {  	v21 =	vor.u32 v55, v4;
	v23 =	vor.u32 v29, v12;
	v29 =	vld [tilespmem:$0x1F980]  }
0x36e: {  	[tilespmem:s5+$0xFFFFFE70] =	vst v24;
	v24 =	vld.idx.msk [tilespmem:v25+s11+$0x0], $0xffff  }
0x36f: {  	v25 =	vor.u32 v30, v12;
	[tilespmem:s5+$0xFFFFFCD0] =	vst v20;
	v20 =	vld [tilespmem:$0x1F920]  }
0x370: {  	[tilespmem:s5+$0x0] =	vst v16;
	v30 =	vld [tilespmem:$0x1FA10]  }
0x371: {  	[tilespmem:s5+$0xFFFFFDE0] =	vst v19;
	v27 =	vor.u32 v1, v12;
	v1 =	vld [tilespmem:$0x1F9C0]  }
0x372: {  	[tilespmem:s5+$0xFFFFFC30] =	vst v15;
	s5 =	sadd.s32 $0x400, s5;
	v21 =	vld.idx.msk [tilespmem:v21+s11+$0x0], $0xffff  }
0x373: {  	[tilespmem:s5+$0xFFFFFC10] =	vst v14;
	v14 =	vld [tilespmem:$0x1FA00]  }
0x374: {  	v25 =	vld.idx.msk [tilespmem:v25+s11+$0x0], $0xffff  }
0x375: {  	[tilespmem:s5+$0xFFFFFC90] =	vst v24;
	v24 =	vor.u32 v29, v12;
	v29 =	vld [tilespmem:$0x1F960]  }
0x376: {  	v20 =	vor.u32 v20, v12;
	v17 =	vor.u32 v1, v12;
	v1 =	vld [tilespmem:$0x1F990]  }
0x377: {  	v19 =	vld.idx.msk [tilespmem:v27+s11+$0x0], $0xffff  }
0x378: {  	[tilespmem:s7+$0xFFFFFD70] =	vst v22;
	v22 =	vld.idx.msk [tilespmem:v23+s11+$0x0], $0xffff  }
0x379: {  	[tilespmem:s7+$0xFFFFFCE0] =	vst v21;
	v21 =	vor.u32 v30, v12;
	v30 =	vld [tilespmem:$0x1F9E0]  }
0x37a: {  	v27 =	vor.u32 v31, v12;
	v31 =	vld [tilespmem:$0x1F9F0]  }
0x37b: {  	v20 =	vld.idx.msk [tilespmem:v20+s11+$0x0], $0xffff;
	v16 =	vor.u32 v1, v12  }
0x37c: {  	v29 =	vor.u32 v29, v12;
	[tilespmem:s5+$0xFFFFFD10] =	vst v19;
	v19 =	vld [tilespmem:$0x1F970]  }
0x37d: {  	v17 =	vld.idx.msk [tilespmem:v17+s11+$0x0], $0xffff;
	[tilespmem:s5+$0xFFFFFE90] =	vst v22  }
0x37e: {  	v24 =	vld.idx.msk [tilespmem:v24+s11+$0x0], $0xffff  }
0x37f: {  	v18 =	vld.idx.msk [tilespmem:v18+s11+$0x0], $0xffff;
	[tilespmem:s5+$0xFFFFFF10] =	vst v25;
	v25 =	vor.u32 v31, v12  }
0x380: {  	v15 =	vld.idx.msk [tilespmem:v16+s11+$0x0], $0xffff;
	v16 =	vor.u32 v59, v4  }
0x381: {  	v29 =	vld.idx.msk [tilespmem:v29+s11+$0x0], $0xffff;
	v19 =	vor.u32 v19, v12  }
0x382: {  	v23 =	vor.u32 v57, v4;
	v31 =	vld [tilespmem:$0x1FA50];
	[tilespmem:s5+$0xFFFFFD90] =	vst v17  }
0x383: {  	v28 =	vor.u32 v50, v4;
	v17 =	vld [tilespmem:$0x1FA80];
	[tilespmem:s5+$0xFFFFFEA0] =	vst v24  }
0x384: {  	v25 =	vld.idx.msk [tilespmem:v25+s11+$0x0], $0xffff  }
0x385: {  	[tilespmem:s5+$0xFFFFFF90] =	vst v20;
	v16 =	vld.idx.msk [tilespmem:v16+s11+$0x0], $0xffff  }
0x386: {  	[tilespmem:s5+$0xFFFFFE10] =	vst v15;
	v19 =	vld.idx.msk [tilespmem:v19+s11+$0x0], $0xffff  }
0x387: {  	v22 =	vor.u32 v34, v4;
	v15 =	vld.idx.msk [tilespmem:v23+s11+$0x0], $0xffff  }
0x388: {  	v23 =	vld.idx.msk [tilespmem:v28+s11+$0x0], $0xffff  }
0x389: {  	[tilespmem:s5+$0xFFFFFCA0] =	vst v18;
	v18 =	vld [tilespmem:$0x1F9D0]  }
0x38a: {  	v20 =	vor.u32 v46, v4;
	v28 =	vld [tilespmem:$0x1FA60]  }
0x38b: {  	v30 =	vor.u32 v30, v12;
	v21 =	vld.idx.msk [tilespmem:v21+s11+$0x0], $0xffff;
	[tilespmem:s7+$0xFFFFFDF0] =	vst v16  }
0x38c: {  	v14 =	vor.u32 v14, v12;
	v16 =	vld.idx.msk [tilespmem:v22+s11+$0x0], $0xffff;
	[tilespmem:s5+$0xFFFFFFA0] =	vst v19  }
0x38d: {  	v19 =	vld [tilespmem:$0x1FA30];
	[tilespmem:s7+$0xFFFFFE80] =	vst v15  }
0x38e: {  	v18 =	vor.u32 v18, v12;
	v15 =	vld.idx.msk [tilespmem:v27+s11+$0x0], $0xffff;
	[tilespmem:s7+$0xFFFFFCF0] =	vst v23  }
0x38f: {  	[tilespmem:s5+$0xFFFFFF20] =	vst v29;
	v24 =	vor.u32 v35, v4;
	v20 =	vld.idx.msk [tilespmem:v20+s11+$0x0], $0xffff  }
0x390: {  	v29 =	vor.u32 v49, v4;
	[tilespmem:s5+$0xFFFFFCB0] =	vst v21;
	v21 =	vld.idx.msk [tilespmem:v30+s11+$0x0], $0xffff  }
0x391: {  	v14 =	vld.idx.msk [tilespmem:v14+s11+$0x0], $0xffff  }
0x392: {  	v28 =	vor.u32 v28, v12;
	v30 =	vld [tilespmem:$0x1FA40]  }
0x393: {  	[tilespmem:s7+$0xFFFFFC40] =	vst v16;
	v18 =	vld.idx.msk [tilespmem:v18+s11+$0x0], $0xffff  }
0x394: {  	[tilespmem:s5+$0xFFFFFD20] =	vst v15;
	v15 =	vld.idx.msk [tilespmem:v24+s11+$0x0], $0xffff  }
0x395: {  	[tilespmem:s7+$0xFFFFFD00] =	vst v20;
	v16 =	vld.idx.msk [tilespmem:v29+s11+$0x0], $0xffff  }
0x396: {  	v19 =	vor.u32 v19, v12;
	v20 =	vld.idx.msk [tilespmem:v26+s11+$0x0], $0xffff;
	[tilespmem:s5+$0xFFFFFE20] =	vst v14  }
0x397: {  	v30 =	vor.u32 v30, v12;
	[tilespmem:s5+$0xFFFFFFB0] =	vst v21;
	v21 =	vld.idx.msk [tilespmem:v28+s11+$0x0], $0xffff  }
0x398: {  	v24 =	vor.u32 v39, v4;
	v28 =	vld [tilespmem:$0x1FA90]  }
0x399: {  	v17 =	vor.u32 v17, v12;
	[tilespmem:s5+$0xFFFFFF30] =	vst v18;
	v18 =	vld [tilespmem:$0x1FAB0]  }
0x39a: {  	v13 =	vor.u32 v36, v12;
	[tilespmem:s7+$0xFFFFFC50] =	vst v15;
	v15 =	vld [tilespmem:$0x1FAA0]  }
0x39b: {  	v31 =	vor.u32 v31, v12;
	v19 =	vld.idx.msk [tilespmem:v19+s11+$0x0], $0xffff  }
0x39c: {  	[tilespmem:s5+$0xFFFFFEB0] =	vst v25;
	v27 =	vor.u32 v37, v12;
	v14 =	vld.idx.msk [tilespmem:v30+s11+$0x0], $0xffff  }
0x39d: {  	v24 =	vld.idx.msk [tilespmem:v24+s11+$0x0], $0xffff;
	[tilespmem:s7+$0xFFFFFD80] =	vst v16;
	v28 =	vor.u32 v28, v12  }
0x39e: {  	[tilespmem:s5+$0xFFFFFDA0] =	vst v20;
	v16 =	vld.idx.msk [tilespmem:v17+s11+$0x0], $0xffff;
	v17 =	vor.u32 v38, v4  }
0x39f: {  	v13 =	vld.idx.msk [tilespmem:v13+s11+$0x0], $0xffff;
	[tilespmem:s5+$0xFFFFFE30] =	vst v21;
	v15 =	vor.u32 v15, v12  }
0x3a0: {  	v22 =	vor.u32 v41, v12;
	v26 =	vld.idx.msk [tilespmem:v31+s11+$0x0], $0xffff;
	[tilespmem:s5+$0xFFFFFF40] =	vst v19  }
0x3a1: {  	v21 =	vld.idx.msk [tilespmem:v27+s11+$0x0], $0xffff;
	v18 =	vor.u32 v18, v12;
	[tilespmem:s5+$0xFFFFFFC0] =	vst v14  }
0x3a2: {  	v14 =	vor.u32 v51, v4;
	[tilespmem:s7+$0xFFFFFC60] =	vst v24;
	v19 =	vld.idx.msk [tilespmem:v28+s11+$0x0], $0xffff  }
0x3a3: {  	v28 =	vor.u32 v42, v12;
	[tilespmem:s5+$0xFFFFFD30] =	vst v16;
	v17 =	vld.idx.msk [tilespmem:v17+s11+$0x0], $0xffff  }
0x3a4: {  	[tilespmem:s5+$0xFFFFFDB0] =	vst v13;
	v13 =	vor.u32 v40, v4;
	v15 =	vld.idx.msk [tilespmem:v15+s11+$0x0], $0xffff  }
0x3a5: {  	[tilespmem:s5+$0xFFFFFEC0] =	vst v26;
	v16 =	vor.u32 v43, v12;
	v22 =	vld.idx.msk [tilespmem:v22+s11+$0x0], $0xffff  }
0x3a6: {  	v11 =	vor.u32 v53, v12;
	[tilespmem:s5+$0xFFFFFE40] =	vst v21;
	v18 =	vld.idx.msk [tilespmem:v18+s11+$0x0], $0xffff  }
0x3a7: {  	v20 =	vor.u32 v45, v12;
	v14 =	vld.idx.msk [tilespmem:v14+s11+$0x0], $0xffff;
	[tilespmem:s5+$0xFFFFFF50] =	vst v19  }
0x3a8: {  	v25 =	vor.u32 v47, v12;
	[tilespmem:s7+$0xFFFFFC70] =	vst v17;
	v19 =	vld.idx.msk [tilespmem:v28+s11+$0x0], $0xffff  }
0x3a9: {  	v23 =	vor.u32 v48, v12;
	v30 =	vld.idx.msk [tilespmem:v13+s11+$0x0], $0xffff;
	[tilespmem:s5+$0xFFFFFFD0] =	vst v15  }
0x3aa: {  	v9 =	vor.u32 v0, v12;
	[tilespmem:s5+$0xFFFFFD40] =	vst v22;
	v15 =	vld.idx.msk [tilespmem:v16+s11+$0x0], $0xffff;
	v16 =	vor.u32 v52, v4  }
0x3ab: {  	v8 =	vor.u32 v62, v12;
	v10 =	vor.u32 v60, v12;
	v11 =	vld.idx.msk [tilespmem:v11+s11+$0x0], $0xffff;
	[tilespmem:s5+$0xFFFFFED0] =	vst v18;
	v4 =	vmov v12  }
0x3ac: {  	v1 =	vor.u32 v5, v12;
	[tilespmem:s7+$0xFFFFFF70] =	vst v44;
	v18 =	vld.idx.msk [tilespmem:v20+s11+$0x0], $0xffff;
	v12 =	vor.u32 v54, v4  }
0x3ad: {  	v20 =	vld.idx.msk [tilespmem:v25+s11+$0x0], $0xffff;
	[tilespmem:s7+$0xFFFFFE00] =	vst v14;
	v29 =	vor.u32 v56, v4  }
0x3ae: {  	v13 =	vor.u32 v61, v4;
	v14 =	vld.idx.msk [tilespmem:v23+s11+$0x0], $0xffff;
	[tilespmem:s5+$0xFFFFFF60] =	vst v19  }
0x3af: {  	v31 =	vor.u32 v63, v4;
	v19 =	vld.idx.msk [tilespmem:v16+s11+$0x0], $0xffff  }
0x3b0: {  	p0 =	slt.u32 s0, $0x18;
	[tilespmem:s5+$0xFFFFFFE0] =	vst v15;
	v15 =	vld.idx.msk [tilespmem:v10+s11+$0x0], $0xffff  }
.Ltmp8:
0x3b1: {  	[tilespmem:s7+$0xFFFFFC80] =	vst v30;
	v44 =	vld.idx.msk [tilespmem:v12+s11+$0x0], $0xffff;
	(pc) =	sbr.rel @p0 .LBB2_20-.Ltmp8, $4  }
0x3b2: {  	[tilespmem:s5+$0xFFFFFEE0] =	vst v18;
	v12 =	vld.idx.msk [tilespmem:v29+s11+$0x0], $0xffff  }
0x3b3: {  	[tilespmem:s5+$0xFFFFFE50] =	vst v20;
	v13 =	vld.idx.msk [tilespmem:v13+s11+$0x0], $0xffff  }
0x3b4: {  	v17 =	vor.u32 v32, v4;
	v18 =	vor.u32 v2, v4;
	[tilespmem:s5+$0xFFFFFDC0] =	vst v14;
	v10 =	vld.idx.msk [tilespmem:v31+s11+$0x0], $0xffff  }
0x3b5: {  	v16 =	vor.u32 v7, v4;
	v14 =	vor.u32 v6, v4;
	v9 =	vld.idx.msk [tilespmem:v9+s11+$0x0], $0xffff;
	[tilespmem:s7+$0xFFFFFF80] =	vst v19;
	s7 =	smov.u32 s5  }
0x3b6: {  	_ =	sdelay $0x3  }
0x3b7: {  	v0 =	vld.idx.msk [tilespmem:v17+s11+$0x0], $0xffff  }
0x3b8: {  	v2 =	vor.u32 v33, v4;
	_ =	sdelay $0x3  }
0x3b9: {  	[tilespmem:s5+$0xFFFFFC20] =	vst v0  }
0x3ba: {  	v0 =	vld.idx.msk [tilespmem:v2+s11+$0x0], $0xffff  }
0x3bb: {  	v37 =	vor.u32 v34, v4;
	_ =	sdelay $0x3  }
0x3bc: {  	[tilespmem:s5+$0xFFFFFC30] =	vst v0  }
0x3bd: {  	v0 =	vld.idx.msk [tilespmem:v37+s11+$0x0], $0xffff  }
0x3be: {  	v41 =	vor.u32 v35, v4;
	_ =	sdelay $0x1  }
0x3bf: {  	[tilespmem:s5+$0xFFFFFCC0] =	vst v15  }
0x3c0: {  	[tilespmem:s5+$0xFFFFFD50] =	vst v11;
	v5 =	vld.idx.msk [tilespmem:v8+s11+$0x0], $0xffff  }
0x3c1: {  	v6 =	vor.u32 v55, v4;
	[tilespmem:s7+$0xFFFFFC40] =	vst v0  }
0x3c2: {  	v42 =	vor.u32 v3, v4;
	[tilespmem:s7+$0xFFFFFF70] =	vst v44;
	v2 =	vld.idx.msk [tilespmem:v41+s11+$0x0], $0xffff  }
0x3c3: {  	v43 =	vor.u32 v39, v4;
	[tilespmem:s5+$0xFFFFFFF0] =	vst v12  }
0x3c4: {  	v7 =	vld.idx.msk [tilespmem:v18+s11+$0x0], $0xffff;
	[tilespmem:s5+$0xFFFFFEF0] =	vst v13  }
0x3c5: {  	v45 =	vld.idx.msk [tilespmem:v16+s11+$0x0], $0xffff;
	[tilespmem:s5+$0xFFFFFCD0] =	vst v5  }
0x3c6: {  	v48 =	vor.u32 v58, v4;
	[tilespmem:s5+$0xFFFFFDD0] =	vst v9;
	v5 =	vld.idx.msk [tilespmem:v6+s11+$0x0], $0xffff  }
0x3c7: {  	v47 =	vor.u32 v50, v4;
	v0 =	vld.idx.msk [tilespmem:v42+s11+$0x0], $0xffff;
	[tilespmem:s7+$0xFFFFFC50] =	vst v2  }
0x3c8: {  	v50 =	vor.u32 v59, v4;
	[tilespmem:s5+$0xFFFFFE60] =	vst v10;
	v3 =	vld.idx.msk [tilespmem:v43+s11+$0x0], $0xffff  }
0x3c9: {  	v54 =	vor.u32 v38, v4;
	v53 =	vld.idx.msk [tilespmem:v14+s11+$0x0], $0xffff;
	[tilespmem:s5+$0xFFFFFD60] =	vst v7  }
0x3ca: {  	v62 =	vor.u32 v52, v4;
	v1 =	vld.idx.msk [tilespmem:v1+s11+$0x0], $0xffff;
	[tilespmem:s5+$0x0] =	vst v45  }
0x3cb: {  	v55 =	vor.u32 v57, v4;
	v57 =	vld.idx.msk [tilespmem:v48+s11+$0x0], $0xffff;
	[tilespmem:s7+$0xFFFFFCE0] =	vst v5  }
0x3cc: {  	v59 =	vor.u32 v49, v4;
	v56 =	vld.idx.msk [tilespmem:v47+s11+$0x0], $0xffff;
	[tilespmem:s5+$0xFFFFFDE0] =	vst v0  }
0x3cd: {  	v58 =	vor.u32 v46, v4;
	v2 =	vld.idx.msk [tilespmem:v50+s11+$0x0], $0xffff;
	[tilespmem:s7+$0xFFFFFC60] =	vst v3  }
0x3ce: {  	v60 =	vor.u32 v51, v4;
	[tilespmem:s5+$0xFFFFFF00] =	vst v53;
	v7 =	vld.idx.msk [tilespmem:v54+s11+$0x0], $0xffff  }
0x3cf: {  	v61 =	vor.u32 v40, v4;
	v4 =	vld.idx.msk [tilespmem:v62+s11+$0x0], $0xffff;
	[tilespmem:s5+$0xFFFFFE70] =	vst v1  }
0x3d0: {  	v5 =	vld.idx.msk [tilespmem:v55+s11+$0x0], $0xffff;
	[tilespmem:s7+$0xFFFFFD70] =	vst v57  }
0x3d1: {  	v63 =	vld.idx.msk [tilespmem:v59+s11+$0x0], $0xffff;
	[tilespmem:s7+$0xFFFFFCF0] =	vst v56  }
0x3d2: {  	v0 =	vld.idx.msk [tilespmem:v58+s11+$0x0], $0xffff;
	[tilespmem:s7+$0xFFFFFDF0] =	vst v2  }
0x3d3: {  	v3 =	vld.idx.msk [tilespmem:v60+s11+$0x0], $0xffff;
	[tilespmem:s7+$0xFFFFFC70] =	vst v7  }
0x3d4: {  	s25 =	sadd.s32 $0x1, s25;
	[tilespmem:s7+$0xFFFFFF80] =	vst v4;
	v1 =	vld.idx.msk [tilespmem:v61+s11+$0x0], $0xffff  }
0x3d5: {  	s0 =	sadd.s32 s24, s26;
	p0 =	sne.s32 s25, $0x5;
	[tilespmem:s7+$0xFFFFFE80] =	vst v5  }
.Ltmp9:
0x3d6: {  	s0 =	sshll.u32 s0, $0x13;
	[tilespmem:s7+$0xFFFFFD80] =	vst v63;
	(pc) =	sbr.rel @p0 .LBB2_17-.Ltmp9, $4  }
0x3d7: {  	s0 =	sor.u32 s1, s0;
	[tilespmem:s7+$0xFFFFFD00] =	vst v0  }
0x3d8: {  	s0 =	sshrl.u32 s0, $0x3;
	[tilespmem:s7+$0xFFFFFE00] =	vst v3  }
0x3d9: {  	s0 =	sadd.s32 s2, s0;
	[tilespmem:s7+$0xFFFFFC80] =	vst v1  }
0x3da: {  	[hbm4b:s0+s15] =	stream.strided.scatter [tilespmem:s18], [sflag:$0x4], $0x1000, s16, s15, $0x38;
	[tilespmem:$0x1CE00] =	vst v63  }
0x3db: {  	s23 =	sadd.s32 $0x1, s23  }
0x3dc: {  	p0 =	sne.s32 s23, $0xA  }
.Ltmp10:
0x3dd: {  	_ = 	snop;
	(pc) =	sbr.rel @p0 .LBB2_4-.Ltmp10, $3  }
0x3de: {  	_ =	sdelay $0x1  }
0x3df: {  	v13 =	vld [tilespmem:$0x1FFE0]  }
0x3e0: {  	v14 =	vld [tilespmem:$0x1FFF0]  }
0x3e1: {  	_ =	swait.ge [sflag:s20], $0x1000  }
0x3e2: {  	[sflag:s20] =	ssyncset.done $0x0  }
0x3e3: {  	[sflag:s20] =	ssyncadd.s32 $0xFFFFF000  }
0x3e4: {  	_ =	swait.ge [sflag:s21], $0x1000  }
0x3e5: {  	s1 =	rddreg [dreg:$0x6]  }
0x3e6: {  	s0 =	rddreg [dreg:$0x5];
	s1 =	sadd.s32 $0x1, s1  }
0x3e7: {  	p0 =	sne.s32 s1, s0  }
.Ltmp11:
0x3e8: {  	_ = 	snop;
	(pc) =	sbr.rel @p0 .LBB2_1-.Ltmp11, $3  }
0x3e9: {  	_ =	sdelay $0x1  }
0x3ea: {  	[sflag:s21] =	ssyncset.done $0x0  }
0x3eb: {  	v12 =	vlaneseq.u32;
	[sflag:s21] =	ssyncadd.s32 $0xFFFFF000  }
0x3ec: {  	_ =	sfence.sel $0x180000  }
0x3ed: {  	[bflag:$0x0] =	sbarrier.arrive $0xFFFF  }
0x3ee: {  	_ =	strace $0x90000047  }
0x3ef: {  	s0 =	stileid.u32;
	[bflag:$0x2] =	sbarrier.arrive $0xFFFF  }
0x3f0: {  	p0 =	sne.s32 s0, $0x0;
	s0 =	rddreg [dreg:$0x2]  }
0x3f1: {  	s0 =	sadd.s32 @!p0 $0x100000, s0  }
0x3f2: {  	[sflag:s0] =	ssyncadd.tile.s32 @!p0 $0x1;
	_ =	shalt  }
.Lfunc_end2:
_tile_overlayer_lowered:
.L_overlay_start_2:
0x3f3: {  	(tag) =	ssettag $0x2  }
0x3f4: {  	s0 =	rddreg [dreg:$0x0];
	s2 =	stileid.u32  }
0x3f5: {  	s1 =	rddreg [dreg:$0x1];
	p0 =	sne.s32 s2, $0x0  }
0x3f6: {  	s3 =	rddreg [dreg:$0x2];
	[bflag:$0x3] =	sbarrier.arrive $0xFFFF;
	s2 =	simm.s32 @!p0 $0x1C05  }
0x3f7: {  	[timem:s3], [sflag:s2] =	dma.local @!p0 [hbm:s0], s1  }
0x3f8: {  	s0 =	simm.s32 @!p0 $0x5  }
0x3f9: {  	_ =	swait.ge @!p0 [sflag:s0], s1  }
0x3fa: {  	s1 =	ssub.s32 @!p0 $0x0, s1;
	[sflag:s0] =	ssyncset.done @!p0 $0x0  }
0x3fb: {  	[sflag:s0] =	ssyncadd.s32 @!p0 s1  }
0x3fc: {  	[bflag:$0x3] =	sbarrier.arrive $0xFFFF  }
0x3fd: {  	_ =	shalt  }

</sc_bundles>
